<compile_context>
chip_gen: v7x
topology: tpu7x:2x2x1
jax: 0.10.2.dev20260603
libtpu: 0.0.44.dev20260713+nightly
codegen_flags: <defaults>
</compile_context>

<pallas_src>
import functools

import jax
import jax.numpy as jnp
from jax import lax
from jax.experimental import pallas as pl
from jax.experimental.pallas import tpu as pltpu
from jax.experimental.pallas import tpu_sc as plsc

N = 10000
E = 320000
D = 128

_NS = 16
_EPW = E // _NS
_K = 64
_Q = 20032
_NCH = _Q // _K
_NP = 10240
_RPT = _NP // _NS
_RFULL = _RPT // _K

_HIGH = lax.Precision.HIGHEST
_ROWS = 1000


def _prep_body(x_ref, g_ref, b_ref, ws_ref, bb_ref, h_ref, a_ref):
    x = x_ref[...]
    mu = jnp.mean(x, axis=1, keepdims=True)
    xc = x - mu
    var = jnp.mean(xc * xc, axis=1, keepdims=True)
    h = xc * lax.rsqrt(var + 1e-5) * g_ref[0] + b_ref[0]
    h_ref[0] = h
    a_ref[0] = jnp.dot(h, ws_ref[0], precision=_HIGH,
                       preferred_element_type=jnp.float32) + bb_ref[0]


_prep_call = pl.pallas_call(
    _prep_body,
    grid=(2, N // _ROWS),
    in_specs=[
        pl.BlockSpec((_ROWS, D), lambda d, i: (i, 0)),
        pl.BlockSpec((1, 1, D), lambda d, i: (d, 0, 0)),
        pl.BlockSpec((1, 1, D), lambda d, i: (d, 0, 0)),
        pl.BlockSpec((1, D, D), lambda d, i: (d, 0, 0)),
        pl.BlockSpec((1, 1, D), lambda d, i: (d, 0, 0)),
    ],
    out_specs=[
        pl.BlockSpec((1, _ROWS, D), lambda d, i: (d, i, 0)),
        pl.BlockSpec((1, _ROWS, D), lambda d, i: (d, i, 0)),
    ],
    out_shape=[
        jax.ShapeDtypeStruct((2, N, D), jnp.float32),
        jax.ShapeDtypeStruct((2, N, D), jnp.float32),
    ],
)


_sc_mesh = plsc.VectorSubcoreMesh(core_axis_name="c", subcore_axis_name="s")


@functools.partial(
    pl.kernel,
    mesh=_sc_mesh,
    out_type=[
        jax.ShapeDtypeStruct((2, _NP, D), jnp.float32),
    ],
    scratch_types=[
        pltpu.VMEM((_K,), jnp.int32),
        pltpu.VMEM((_K,), jnp.int32),
        pltpu.VMEM((_K, D), jnp.float32),
        pltpu.VMEM_SHARED((_NP, D), jnp.float32),
        pltpu.SemaphoreType.DMA,
    ],
)
def _agg(h2_hbm, g_hbm, s_hbm,
         s_out,
         gidx, sidx, rows, S_sp, sem):
    cid = lax.axis_index("c")
    sid = lax.axis_index("s")
    r0 = sid * _RPT
    ebase = (cid * _NS + sid) * _Q
    zeros16 = jnp.zeros((16,), jnp.float32)

    def _fill_row(r, carry):
        for c in range(D // 16):
            rows[r, pl.ds(c * 16, 16)] = zeros16
        return carry

    lax.fori_loop(0, _K, _fill_row, 0)
    for t in range(_RFULL):
        pltpu.sync_copy(rows, S_sp.at[pl.ds(r0 + t * _K, _K)])
    plsc.subcore_barrier()

    def _chunk(c, carry):
        b = ebase + c * _K
        pltpu.sync_copy(g_hbm.at[pl.ds(b, _K)], gidx)
        pltpu.sync_copy(s_hbm.at[pl.ds(b, _K)], sidx)
        cp = pltpu.async_copy(h2_hbm.at[gidx], rows, sem)
        cp.wait()
        pltpu.sync_copy(rows, S_sp.at[sidx], add=True)
        return carry

    lax.fori_loop(0, _NCH, _chunk, 0)
    plsc.subcore_barrier()

    for t in range(_RFULL):
        rr = r0 + t * _K
        pltpu.sync_copy(S_sp.at[pl.ds(rr, _K)], rows)
        pltpu.sync_copy(rows, s_out.at[cid, pl.ds(rr, _K)])

def _post_body(x_ref, af_ref, ar_ref, sf_ref, sr_ref, df_ref, dr_ref,
               wnf, wnr, o_ref):
    df = jnp.maximum(df_ref[0], 1.0)
    dr = jnp.maximum(dr_ref[0], 1.0)
    nf = sf_ref[0] / df
    nr = sr_ref[0] / dr
    yf = jnp.maximum(
        af_ref[0] + jnp.dot(nf, wnf[...], precision=_HIGH,
                            preferred_element_type=jnp.float32), 0.0)
    yr = jnp.maximum(
        ar_ref[0] + jnp.dot(nr, wnr[...], precision=_HIGH,
                            preferred_element_type=jnp.float32), 0.0)
    o_ref[...] = x_ref[...] + yf + yr


_post_call = pl.pallas_call(
    _post_body,
    grid=(N // _ROWS,),
    in_specs=[
        pl.BlockSpec((_ROWS, D), lambda i: (i, 0)),
        pl.BlockSpec((1, _ROWS, D), lambda i: (0, i, 0)),
        pl.BlockSpec((1, _ROWS, D), lambda i: (1, i, 0)),
        pl.BlockSpec((1, _ROWS, D), lambda i: (0, i, 0)),
        pl.BlockSpec((1, _ROWS, D), lambda i: (1, i, 0)),
        pl.BlockSpec((1, _ROWS, 1), lambda i: (0, i, 0)),
        pl.BlockSpec((1, _ROWS, 1), lambda i: (1, i, 0)),
        pl.BlockSpec((D, D), lambda i: (0, 0)),
        pl.BlockSpec((D, D), lambda i: (0, 0)),
    ],
    out_specs=pl.BlockSpec((_ROWS, D), lambda i: (i, 0)),
    out_shape=jax.ShapeDtypeStruct((N, D), jnp.float32),
)


def kernel(x, edge_index, gamma_f, beta_f, W_self_f, W_neigh_f, b_f,
           gamma_r, beta_r, W_self_r, W_neigh_r, b_r):
    src = edge_index[0]
    dst = edge_index[1]
    gamma2 = jnp.stack([gamma_f, gamma_r]).reshape(2, 1, D)
    beta2 = jnp.stack([beta_f, beta_r]).reshape(2, 1, D)
    ws2 = jnp.stack([W_self_f.T, W_self_r.T])
    b2 = jnp.stack([b_f, b_r]).reshape(2, 1, D)
    h2, a2 = _prep_call(x, gamma2, beta2, ws2, b2)
    h2_flat = h2.reshape(2 * N, D)
    g3 = jnp.zeros((2, _NS, _Q), jnp.int32)
    g3 = g3.at[:, :, :_EPW].set(
        jnp.stack([src, dst + N]).reshape(2, _NS, _EPW))
    s3 = jnp.full((2, _NS, _Q), N, jnp.int32)
    s3 = s3.at[:, :, :_EPW].set(
        jnp.stack([dst, src]).reshape(2, _NS, _EPW))
    (s2,) = _agg(h2_flat, g3.reshape(-1), s3.reshape(-1))
    ones_e = jnp.ones((E,), jnp.float32)
    deg_f = jnp.zeros((N,), jnp.float32).at[dst].add(ones_e)
    deg_r = jnp.zeros((N,), jnp.float32).at[src].add(ones_e)
    deg2b = jnp.stack([deg_f, deg_r])[:, :, None]
    return _post_call(x, a2, a2, s2, s2, deg2b, deg2b,
                      W_neigh_f.T, W_neigh_r.T)

# --- scband reference (transcript-rebuilt; emitter-appended) ---
"""Pipeline reference for scband-gnnlayer-31138512896530 (READ-ONLY COPY).

The authoritative reference and input builder live on the scoring server;
editing this copy changes nothing except your own understanding.
"""

import jax, jax.numpy as jnp
import numpy as np

N = 10000
E = 320000
D = 128


def layer_norm(x, gamma, beta, eps=1e-5):
    mu = jnp.mean(x, axis=-1, keepdims=True)
    var = jnp.var(x, axis=-1, keepdims=True)
    return (x - mu) * jax.lax.rsqrt(var + eps) * gamma + beta


def sage_conv(h, src, dst, W_self, W_neigh, b):
    # DGL SAGEConv 'mean': h_neigh = mean over in-neighbors (0 for isolated dst)
    msg = jnp.take(h, src, axis=0)
    s = jax.ops.segment_sum(msg, dst, num_segments=N)
    deg = jax.ops.segment_sum(jnp.ones((src.shape[0],), h.dtype), dst, num_segments=N)
    h_neigh = s / jnp.clip(deg, 1.0)[:, None]
    return h @ W_self.T + h_neigh @ W_neigh.T + b


def setup_inputs(seed: int = 0) -> dict:
    key = jax.random.key(seed)
    ks = jax.random.split(key, 8)
    lim = 1.0 / np.sqrt(D)
    return {
        "x": jax.random.normal(ks[0], (N, D), jnp.float32),
        "edge_index": jax.random.randint(ks[1], (2, E), 0, N, dtype=jnp.int32),
        "gamma_f": jnp.ones((D,), jnp.float32),
        "beta_f": jnp.zeros((D,), jnp.float32),
        "W_self_f": jax.random.uniform(ks[2], (D, D), jnp.float32, -lim, lim),
        "W_neigh_f": jax.random.uniform(ks[3], (D, D), jnp.float32, -lim, lim),
        "b_f": jnp.zeros((D,), jnp.float32),
        "gamma_r": jnp.ones((D,), jnp.float32),
        "beta_r": jnp.zeros((D,), jnp.float32),
        "W_self_r": jax.random.uniform(ks[4], (D, D), jnp.float32, -lim, lim),
        "W_neigh_r": jax.random.uniform(ks[5], (D, D), jnp.float32, -lim, lim),
        "b_r": jnp.zeros((D,), jnp.float32),
    }


def reference(x, edge_index, gamma_f, beta_f, W_self_f, W_neigh_f, b_f,
              gamma_r, beta_r, W_self_r, W_neigh_r, b_r):
    src, dst = edge_index[0], edge_index[1]
    # forward-direction SAGE on LayerNorm(x)
    h_f = layer_norm(x, gamma_f, beta_f)
    y = jax.nn.relu(sage_conv(h_f, src, dst, W_self_f, W_neigh_f, b_f))
    # reversed graph: swap src/dst
    h_r = layer_norm(x, gamma_r, beta_r)
    y = y + jax.nn.relu(sage_conv(h_r, dst, src, W_self_r, W_neigh_r, b_r))
    # skip connection
    return x + y

if __name__ == "__main__":
    import jax
    _d = setup_inputs()
    print(jax.jit(kernel)(*tuple(_d.values())))

</pallas_src>

<mosaic_0001>
#map = affine_map<(d0, d1) -> (0, 0)>
#map1 = affine_map<(d0, d1) -> (0)>
#map2 = affine_map<(d0, d1) -> (0, 0, 0)>
module attributes {stable_mosaic.version = 14 : i64} {
  func.func @_agg(%arg0: i32, %arg1: i32, %arg2: memref<20000x128xf32, #tpu.memory_space<hbm>>, %arg3: memref<641024xi32, #tpu.memory_space<hbm>>, %arg4: memref<641024xi32, #tpu.memory_space<hbm>>, %arg5: memref<2x10240x128xf32, #tpu.memory_space<hbm>>, %arg6: memref<64xi32, #tpu.memory_space<vmem>>, %arg7: memref<64xi32, #tpu.memory_space<vmem>>, %arg8: memref<64x128xf32, #tpu.memory_space<vmem>>, %arg9: memref<10240x128xf32, #tpu.memory_space<vmem_shared>>, %arg10: memref<!tpu.dma_semaphore, #tpu.memory_space<semaphore_mem>>) attributes {dimension_semantics = [#tpu.dimension_semantics<core_parallel>, #tpu.dimension_semantics<subcore_parallel>], iteration_bounds = array<i64: 2, 16>, scalar_prefetch = 0 : i64, scratch_operands = 5 : i64, tpu.core_type = #tpu.core_type<sc_vector_subcore>, window_params = [{transform_indices = #map}, {transform_indices = #map1}, {transform_indices = #map1}, {transform_indices = #map2}]} {
    %mul3A = arith.constant 640 : i32
    %mul3A_0 = arith.muli %arg1, %mul3A : i32
    %mul3A_1 = arith.constant 16 : i32
    %mul3A_2 = arith.muli %arg0, %mul3A_1 : i32
    %add3A = arith.addi %mul3A_2, %arg1 : i32
    %mul3A_3 = arith.constant 20032 : i32
    %mul3A_4 = arith.muli %add3A, %mul3A_3 : i32
    %broadcast_in_dim3A = arith.constant 0.000000e+00 : f32
    %broadcast_in_dim3A_5 = vector.broadcast %broadcast_in_dim3A : f32 to vector<16xf32>
    %scan3A = arith.constant 0 : i32
    %scan3A_6 = arith.constant 0 : i32
    %scan3A_7 = arith.constant 64 : i32
    %scan3A_8 = arith.addi %scan3A_6, %scan3A_7 : i32
    %scan3A_9 = arith.constant 1 : i32
    scf.for %scan3A_58 = %scan3A_6 to %scan3A_8 step %scan3A_9  : i32 {
      %swap3A = arith.index_cast %scan3A_58 : i32 to index
      %swap3A_59 = arith.constant 0 : index
      %swap3A_60 = tpu.vector_load %arg8[%swap3A, %swap3A_59] {strides = array<i32>} : memref<64x128xf32, #tpu.memory_space<vmem>>, vector<1x16xf32>,
      %swap3A_61 = vector.shape_cast %swap3A_60 : vector<1x16xf32> to vector<16xf32>
      %swap3A_62 = vector.shape_cast %broadcast_in_dim3A_5 : vector<16xf32> to vector<1x16xf32>
      tpu.vector_store %arg8[%swap3A, %swap3A_59], %swap3A_62 {strides = array<i32>} : memref<64x128xf32, #tpu.memory_space<vmem>>, vector<1x16xf32>,
      %swap3A_63 = arith.index_cast %scan3A_58 : i32 to index
      %swap3A_64 = arith.constant 16 : index
      %swap3A_65 = tpu.vector_load %arg8[%swap3A_63, %swap3A_64] {strides = array<i32>} : memref<64x128xf32, #tpu.memory_space<vmem>>, vector<1x16xf32>,
      %swap3A_66 = vector.shape_cast %swap3A_65 : vector<1x16xf32> to vector<16xf32>
      %swap3A_67 = vector.shape_cast %broadcast_in_dim3A_5 : vector<16xf32> to vector<1x16xf32>
      tpu.vector_store %arg8[%swap3A_63, %swap3A_64], %swap3A_67 {strides = array<i32>} : memref<64x128xf32, #tpu.memory_space<vmem>>, vector<1x16xf32>,
      %swap3A_68 = arith.index_cast %scan3A_58 : i32 to index
      %swap3A_69 = arith.constant 32 : index
      %swap3A_70 = tpu.vector_load %arg8[%swap3A_68, %swap3A_69] {strides = array<i32>} : memref<64x128xf32, #tpu.memory_space<vmem>>, vector<1x16xf32>,
      %swap3A_71 = vector.shape_cast %swap3A_70 : vector<1x16xf32> to vector<16xf32>
      %swap3A_72 = vector.shape_cast %broadcast_in_dim3A_5 : vector<16xf32> to vector<1x16xf32>
      tpu.vector_store %arg8[%swap3A_68, %swap3A_69], %swap3A_72 {strides = array<i32>} : memref<64x128xf32, #tpu.memory_space<vmem>>, vector<1x16xf32>,
      %swap3A_73 = arith.index_cast %scan3A_58 : i32 to index
      %swap3A_74 = arith.constant 48 : index
      %swap3A_75 = tpu.vector_load %arg8[%swap3A_73, %swap3A_74] {strides = array<i32>} : memref<64x128xf32, #tpu.memory_space<vmem>>, vector<1x16xf32>,
      %swap3A_76 = vector.shape_cast %swap3A_75 : vector<1x16xf32> to vector<16xf32>
      %swap3A_77 = vector.shape_cast %broadcast_in_dim3A_5 : vector<16xf32> to vector<1x16xf32>
      tpu.vector_store %arg8[%swap3A_73, %swap3A_74], %swap3A_77 {strides = array<i32>} : memref<64x128xf32, #tpu.memory_space<vmem>>, vector<1x16xf32>,
      %swap3A_78 = arith.index_cast %scan3A_58 : i32 to index
      %swap3A_79 = arith.constant 64 : index
      %swap3A_80 = tpu.vector_load %arg8[%swap3A_78, %swap3A_79] {strides = array<i32>} : memref<64x128xf32, #tpu.memory_space<vmem>>, vector<1x16xf32>,
      %swap3A_81 = vector.shape_cast %swap3A_80 : vector<1x16xf32> to vector<16xf32>
      %swap3A_82 = vector.shape_cast %broadcast_in_dim3A_5 : vector<16xf32> to vector<1x16xf32>
      tpu.vector_store %arg8[%swap3A_78, %swap3A_79], %swap3A_82 {strides = array<i32>} : memref<64x128xf32, #tpu.memory_space<vmem>>, vector<1x16xf32>,
      %swap3A_83 = arith.index_cast %scan3A_58 : i32 to index
      %swap3A_84 = arith.constant 80 : index
      %swap3A_85 = tpu.vector_load %arg8[%swap3A_83, %swap3A_84] {strides = array<i32>} : memref<64x128xf32, #tpu.memory_space<vmem>>, vector<1x16xf32>,
      %swap3A_86 = vector.shape_cast %swap3A_85 : vector<1x16xf32> to vector<16xf32>
      %swap3A_87 = vector.shape_cast %broadcast_in_dim3A_5 : vector<16xf32> to vector<1x16xf32>
      tpu.vector_store %arg8[%swap3A_83, %swap3A_84], %swap3A_87 {strides = array<i32>} : memref<64x128xf32, #tpu.memory_space<vmem>>, vector<1x16xf32>,
      %swap3A_88 = arith.index_cast %scan3A_58 : i32 to index
      %swap3A_89 = arith.constant 96 : index
      %swap3A_90 = tpu.vector_load %arg8[%swap3A_88, %swap3A_89] {strides = array<i32>} : memref<64x128xf32, #tpu.memory_space<vmem>>, vector<1x16xf32>,
      %swap3A_91 = vector.shape_cast %swap3A_90 : vector<1x16xf32> to vector<16xf32>
      %swap3A_92 = vector.shape_cast %broadcast_in_dim3A_5 : vector<16xf32> to vector<1x16xf32>
      tpu.vector_store %arg8[%swap3A_88, %swap3A_89], %swap3A_92 {strides = array<i32>} : memref<64x128xf32, #tpu.memory_space<vmem>>, vector<1x16xf32>,
      %swap3A_93 = arith.index_cast %scan3A_58 : i32 to index
      %swap3A_94 = arith.constant 112 : index
      %swap3A_95 = tpu.vector_load %arg8[%swap3A_93, %swap3A_94] {strides = array<i32>} : memref<64x128xf32, #tpu.memory_space<vmem>>, vector<1x16xf32>,
      %swap3A_96 = vector.shape_cast %swap3A_95 : vector<1x16xf32> to vector<16xf32>
      %swap3A_97 = vector.shape_cast %broadcast_in_dim3A_5 : vector<16xf32> to vector<1x16xf32>
      tpu.vector_store %arg8[%swap3A_93, %swap3A_94], %swap3A_97 {strides = array<i32>} : memref<64x128xf32, #tpu.memory_space<vmem>>, vector<1x16xf32>,
    }
    %scan3A_10 = arith.constant 64 : i32
    %add3A_11 = arith.constant 0 : i32
    %add3A_12 = arith.addi %mul3A_0, %add3A_11 : i32
    "tpu.region"() ({
      %run_scoped3A = tpu.sem_alloc : memref<!tpu.dma_semaphore, #tpu.memory_space<semaphore_mem>>
      %dma_start3A = arith.constant 0 : i32
      %dma_start3A_58 = tpu.memref_slice %arg9[%add3A_12, %dma_start3A] : memref<10240x128xf32, #tpu.memory_space<vmem_shared>> -> memref<64x128xf32, #tpu.memory_space<vmem_shared>>
      %dma_start3A_59 = arith.constant 0 : i32
      %dma_start3A_60 = tpu.memref_slice %arg9[%add3A_12, %dma_start3A_59] : memref<10240x128xf32, #tpu.memory_space<vmem_shared>> -> memref<64x128xf32, #tpu.memory_space<vmem_shared>>
      tpu.enqueue_dma source(%arg8 : memref<64x128xf32, #tpu.memory_space<vmem>>) target(%dma_start3A_60 : memref<64x128xf32, #tpu.memory_space<vmem_shared>>) target_semaphore(%run_scoped3A : memref<!tpu.dma_semaphore, #tpu.memory_space<semaphore_mem>>)
      %dma_wait3A = arith.constant 0 : i32
      %dma_wait3A_61 = tpu.memref_slice %arg9[%add3A_12, %dma_wait3A] : memref<10240x128xf32, #tpu.memory_space<vmem_shared>> -> memref<64x128xf32, #tpu.memory_space<vmem_shared>>
      %dma_wait3A_62 = arith.constant 0 : i32
      %dma_wait3A_63 = tpu.memref_slice %arg9[%add3A_12, %dma_wait3A_62] : memref<10240x128xf32, #tpu.memory_space<vmem_shared>> -> memref<64x128xf32, #tpu.memory_space<vmem_shared>>
      tpu.wait_dma2 semaphore(%run_scoped3A : memref<!tpu.dma_semaphore, #tpu.memory_space<semaphore_mem>>) src(%arg8 : memref<64x128xf32, #tpu.memory_space<vmem>>) dst(%dma_wait3A_63 : memref<64x128xf32, #tpu.memory_space<vmem_shared>>)
      tpu.yield
    }) : () -> ()
    %add3A_13 = arith.constant 64 : i32
    %add3A_14 = arith.addi %mul3A_0, %add3A_13 : i32
    "tpu.region"() ({
      %run_scoped3A = tpu.sem_alloc : memref<!tpu.dma_semaphore, #tpu.memory_space<semaphore_mem>>
      %dma_start3A = arith.constant 0 : i32
      %dma_start3A_58 = tpu.memref_slice %arg9[%add3A_14, %dma_start3A] : memref<10240x128xf32, #tpu.memory_space<vmem_shared>> -> memref<64x128xf32, #tpu.memory_space<vmem_shared>>
      %dma_start3A_59 = arith.constant 0 : i32
      %dma_start3A_60 = tpu.memref_slice %arg9[%add3A_14, %dma_start3A_59] : memref<10240x128xf32, #tpu.memory_space<vmem_shared>> -> memref<64x128xf32, #tpu.memory_space<vmem_shared>>
      tpu.enqueue_dma source(%arg8 : memref<64x128xf32, #tpu.memory_space<vmem>>) target(%dma_start3A_60 : memref<64x128xf32, #tpu.memory_space<vmem_shared>>) target_semaphore(%run_scoped3A : memref<!tpu.dma_semaphore, #tpu.memory_space<semaphore_mem>>)
      %dma_wait3A = arith.constant 0 : i32
      %dma_wait3A_61 = tpu.memref_slice %arg9[%add3A_14, %dma_wait3A] : memref<10240x128xf32, #tpu.memory_space<vmem_shared>> -> memref<64x128xf32, #tpu.memory_space<vmem_shared>>
      %dma_wait3A_62 = arith.constant 0 : i32
      %dma_wait3A_63 = tpu.memref_slice %arg9[%add3A_14, %dma_wait3A_62] : memref<10240x128xf32, #tpu.memory_space<vmem_shared>> -> memref<64x128xf32, #tpu.memory_space<vmem_shared>>
      tpu.wait_dma2 semaphore(%run_scoped3A : memref<!tpu.dma_semaphore, #tpu.memory_space<semaphore_mem>>) src(%arg8 : memref<64x128xf32, #tpu.memory_space<vmem>>) dst(%dma_wait3A_63 : memref<64x128xf32, #tpu.memory_space<vmem_shared>>)
      tpu.yield
    }) : () -> ()
    %add3A_15 = arith.constant 128 : i32
    %add3A_16 = arith.addi %mul3A_0, %add3A_15 : i32
    "tpu.region"() ({
      %run_scoped3A = tpu.sem_alloc : memref<!tpu.dma_semaphore, #tpu.memory_space<semaphore_mem>>
      %dma_start3A = arith.constant 0 : i32
      %dma_start3A_58 = tpu.memref_slice %arg9[%add3A_16, %dma_start3A] : memref<10240x128xf32, #tpu.memory_space<vmem_shared>> -> memref<64x128xf32, #tpu.memory_space<vmem_shared>>
      %dma_start3A_59 = arith.constant 0 : i32
      %dma_start3A_60 = tpu.memref_slice %arg9[%add3A_16, %dma_start3A_59] : memref<10240x128xf32, #tpu.memory_space<vmem_shared>> -> memref<64x128xf32, #tpu.memory_space<vmem_shared>>
      tpu.enqueue_dma source(%arg8 : memref<64x128xf32, #tpu.memory_space<vmem>>) target(%dma_start3A_60 : memref<64x128xf32, #tpu.memory_space<vmem_shared>>) target_semaphore(%run_scoped3A : memref<!tpu.dma_semaphore, #tpu.memory_space<semaphore_mem>>)
      %dma_wait3A = arith.constant 0 : i32
      %dma_wait3A_61 = tpu.memref_slice %arg9[%add3A_16, %dma_wait3A] : memref<10240x128xf32, #tpu.memory_space<vmem_shared>> -> memref<64x128xf32, #tpu.memory_space<vmem_shared>>
      %dma_wait3A_62 = arith.constant 0 : i32
      %dma_wait3A_63 = tpu.memref_slice %arg9[%add3A_16, %dma_wait3A_62] : memref<10240x128xf32, #tpu.memory_space<vmem_shared>> -> memref<64x128xf32, #tpu.memory_space<vmem_shared>>
      tpu.wait_dma2 semaphore(%run_scoped3A : memref<!tpu.dma_semaphore, #tpu.memory_space<semaphore_mem>>) src(%arg8 : memref<64x128xf32, #tpu.memory_space<vmem>>) dst(%dma_wait3A_63 : memref<64x128xf32, #tpu.memory_space<vmem_shared>>)
      tpu.yield
    }) : () -> ()
    %add3A_17 = arith.constant 192 : i32
    %add3A_18 = arith.addi %mul3A_0, %add3A_17 : i32
    "tpu.region"() ({
      %run_scoped3A = tpu.sem_alloc : memref<!tpu.dma_semaphore, #tpu.memory_space<semaphore_mem>>
      %dma_start3A = arith.constant 0 : i32
      %dma_start3A_58 = tpu.memref_slice %arg9[%add3A_18, %dma_start3A] : memref<10240x128xf32, #tpu.memory_space<vmem_shared>> -> memref<64x128xf32, #tpu.memory_space<vmem_shared>>
      %dma_start3A_59 = arith.constant 0 : i32
      %dma_start3A_60 = tpu.memref_slice %arg9[%add3A_18, %dma_start3A_59] : memref<10240x128xf32, #tpu.memory_space<vmem_shared>> -> memref<64x128xf32, #tpu.memory_space<vmem_shared>>
      tpu.enqueue_dma source(%arg8 : memref<64x128xf32, #tpu.memory_space<vmem>>) target(%dma_start3A_60 : memref<64x128xf32, #tpu.memory_space<vmem_shared>>) target_semaphore(%run_scoped3A : memref<!tpu.dma_semaphore, #tpu.memory_space<semaphore_mem>>)
      %dma_wait3A = arith.constant 0 : i32
      %dma_wait3A_61 = tpu.memref_slice %arg9[%add3A_18, %dma_wait3A] : memref<10240x128xf32, #tpu.memory_space<vmem_shared>> -> memref<64x128xf32, #tpu.memory_space<vmem_shared>>
      %dma_wait3A_62 = arith.constant 0 : i32
      %dma_wait3A_63 = tpu.memref_slice %arg9[%add3A_18, %dma_wait3A_62] : memref<10240x128xf32, #tpu.memory_space<vmem_shared>> -> memref<64x128xf32, #tpu.memory_space<vmem_shared>>
      tpu.wait_dma2 semaphore(%run_scoped3A : memref<!tpu.dma_semaphore, #tpu.memory_space<semaphore_mem>>) src(%arg8 : memref<64x128xf32, #tpu.memory_space<vmem>>) dst(%dma_wait3A_63 : memref<64x128xf32, #tpu.memory_space<vmem_shared>>)
      tpu.yield
    }) : () -> ()
    %add3A_19 = arith.constant 256 : i32
    %add3A_20 = arith.addi %mul3A_0, %add3A_19 : i32
    "tpu.region"() ({
      %run_scoped3A = tpu.sem_alloc : memref<!tpu.dma_semaphore, #tpu.memory_space<semaphore_mem>>
      %dma_start3A = arith.constant 0 : i32
      %dma_start3A_58 = tpu.memref_slice %arg9[%add3A_20, %dma_start3A] : memref<10240x128xf32, #tpu.memory_space<vmem_shared>> -> memref<64x128xf32, #tpu.memory_space<vmem_shared>>
      %dma_start3A_59 = arith.constant 0 : i32
      %dma_start3A_60 = tpu.memref_slice %arg9[%add3A_20, %dma_start3A_59] : memref<10240x128xf32, #tpu.memory_space<vmem_shared>> -> memref<64x128xf32, #tpu.memory_space<vmem_shared>>
      tpu.enqueue_dma source(%arg8 : memref<64x128xf32, #tpu.memory_space<vmem>>) target(%dma_start3A_60 : memref<64x128xf32, #tpu.memory_space<vmem_shared>>) target_semaphore(%run_scoped3A : memref<!tpu.dma_semaphore, #tpu.memory_space<semaphore_mem>>)
      %dma_wait3A = arith.constant 0 : i32
      %dma_wait3A_61 = tpu.memref_slice %arg9[%add3A_20, %dma_wait3A] : memref<10240x128xf32, #tpu.memory_space<vmem_shared>> -> memref<64x128xf32, #tpu.memory_space<vmem_shared>>
      %dma_wait3A_62 = arith.constant 0 : i32
      %dma_wait3A_63 = tpu.memref_slice %arg9[%add3A_20, %dma_wait3A_62] : memref<10240x128xf32, #tpu.memory_space<vmem_shared>> -> memref<64x128xf32, #tpu.memory_space<vmem_shared>>
      tpu.wait_dma2 semaphore(%run_scoped3A : memref<!tpu.dma_semaphore, #tpu.memory_space<semaphore_mem>>) src(%arg8 : memref<64x128xf32, #tpu.memory_space<vmem>>) dst(%dma_wait3A_63 : memref<64x128xf32, #tpu.memory_space<vmem_shared>>)
      tpu.yield
    }) : () -> ()
    %add3A_21 = arith.constant 320 : i32
    %add3A_22 = arith.addi %mul3A_0, %add3A_21 : i32
    "tpu.region"() ({
      %run_scoped3A = tpu.sem_alloc : memref<!tpu.dma_semaphore, #tpu.memory_space<semaphore_mem>>
      %dma_start3A = arith.constant 0 : i32
      %dma_start3A_58 = tpu.memref_slice %arg9[%add3A_22, %dma_start3A] : memref<10240x128xf32, #tpu.memory_space<vmem_shared>> -> memref<64x128xf32, #tpu.memory_space<vmem_shared>>
      %dma_start3A_59 = arith.constant 0 : i32
      %dma_start3A_60 = tpu.memref_slice %arg9[%add3A_22, %dma_start3A_59] : memref<10240x128xf32, #tpu.memory_space<vmem_shared>> -> memref<64x128xf32, #tpu.memory_space<vmem_shared>>
      tpu.enqueue_dma source(%arg8 : memref<64x128xf32, #tpu.memory_space<vmem>>) target(%dma_start3A_60 : memref<64x128xf32, #tpu.memory_space<vmem_shared>>) target_semaphore(%run_scoped3A : memref<!tpu.dma_semaphore, #tpu.memory_space<semaphore_mem>>)
      %dma_wait3A = arith.constant 0 : i32
      %dma_wait3A_61 = tpu.memref_slice %arg9[%add3A_22, %dma_wait3A] : memref<10240x128xf32, #tpu.memory_space<vmem_shared>> -> memref<64x128xf32, #tpu.memory_space<vmem_shared>>
      %dma_wait3A_62 = arith.constant 0 : i32
      %dma_wait3A_63 = tpu.memref_slice %arg9[%add3A_22, %dma_wait3A_62] : memref<10240x128xf32, #tpu.memory_space<vmem_shared>> -> memref<64x128xf32, #tpu.memory_space<vmem_shared>>
      tpu.wait_dma2 semaphore(%run_scoped3A : memref<!tpu.dma_semaphore, #tpu.memory_space<semaphore_mem>>) src(%arg8 : memref<64x128xf32, #tpu.memory_space<vmem>>) dst(%dma_wait3A_63 : memref<64x128xf32, #tpu.memory_space<vmem_shared>>)
      tpu.yield
    }) : () -> ()
    %add3A_23 = arith.constant 384 : i32
    %add3A_24 = arith.addi %mul3A_0, %add3A_23 : i32
    "tpu.region"() ({
      %run_scoped3A = tpu.sem_alloc : memref<!tpu.dma_semaphore, #tpu.memory_space<semaphore_mem>>
      %dma_start3A = arith.constant 0 : i32
      %dma_start3A_58 = tpu.memref_slice %arg9[%add3A_24, %dma_start3A] : memref<10240x128xf32, #tpu.memory_space<vmem_shared>> -> memref<64x128xf32, #tpu.memory_space<vmem_shared>>
      %dma_start3A_59 = arith.constant 0 : i32
      %dma_start3A_60 = tpu.memref_slice %arg9[%add3A_24, %dma_start3A_59] : memref<10240x128xf32, #tpu.memory_space<vmem_shared>> -> memref<64x128xf32, #tpu.memory_space<vmem_shared>>
      tpu.enqueue_dma source(%arg8 : memref<64x128xf32, #tpu.memory_space<vmem>>) target(%dma_start3A_60 : memref<64x128xf32, #tpu.memory_space<vmem_shared>>) target_semaphore(%run_scoped3A : memref<!tpu.dma_semaphore, #tpu.memory_space<semaphore_mem>>)
      %dma_wait3A = arith.constant 0 : i32
      %dma_wait3A_61 = tpu.memref_slice %arg9[%add3A_24, %dma_wait3A] : memref<10240x128xf32, #tpu.memory_space<vmem_shared>> -> memref<64x128xf32, #tpu.memory_space<vmem_shared>>
      %dma_wait3A_62 = arith.constant 0 : i32
      %dma_wait3A_63 = tpu.memref_slice %arg9[%add3A_24, %dma_wait3A_62] : memref<10240x128xf32, #tpu.memory_space<vmem_shared>> -> memref<64x128xf32, #tpu.memory_space<vmem_shared>>
      tpu.wait_dma2 semaphore(%run_scoped3A : memref<!tpu.dma_semaphore, #tpu.memory_space<semaphore_mem>>) src(%arg8 : memref<64x128xf32, #tpu.memory_space<vmem>>) dst(%dma_wait3A_63 : memref<64x128xf32, #tpu.memory_space<vmem_shared>>)
      tpu.yield
    }) : () -> ()
    %add3A_25 = arith.constant 448 : i32
    %add3A_26 = arith.addi %mul3A_0, %add3A_25 : i32
    "tpu.region"() ({
      %run_scoped3A = tpu.sem_alloc : memref<!tpu.dma_semaphore, #tpu.memory_space<semaphore_mem>>
      %dma_start3A = arith.constant 0 : i32
      %dma_start3A_58 = tpu.memref_slice %arg9[%add3A_26, %dma_start3A] : memref<10240x128xf32, #tpu.memory_space<vmem_shared>> -> memref<64x128xf32, #tpu.memory_space<vmem_shared>>
      %dma_start3A_59 = arith.constant 0 : i32
      %dma_start3A_60 = tpu.memref_slice %arg9[%add3A_26, %dma_start3A_59] : memref<10240x128xf32, #tpu.memory_space<vmem_shared>> -> memref<64x128xf32, #tpu.memory_space<vmem_shared>>
      tpu.enqueue_dma source(%arg8 : memref<64x128xf32, #tpu.memory_space<vmem>>) target(%dma_start3A_60 : memref<64x128xf32, #tpu.memory_space<vmem_shared>>) target_semaphore(%run_scoped3A : memref<!tpu.dma_semaphore, #tpu.memory_space<semaphore_mem>>)
      %dma_wait3A = arith.constant 0 : i32
      %dma_wait3A_61 = tpu.memref_slice %arg9[%add3A_26, %dma_wait3A] : memref<10240x128xf32, #tpu.memory_space<vmem_shared>> -> memref<64x128xf32, #tpu.memory_space<vmem_shared>>
      %dma_wait3A_62 = arith.constant 0 : i32
      %dma_wait3A_63 = tpu.memref_slice %arg9[%add3A_26, %dma_wait3A_62] : memref<10240x128xf32, #tpu.memory_space<vmem_shared>> -> memref<64x128xf32, #tpu.memory_space<vmem_shared>>
      tpu.wait_dma2 semaphore(%run_scoped3A : memref<!tpu.dma_semaphore, #tpu.memory_space<semaphore_mem>>) src(%arg8 : memref<64x128xf32, #tpu.memory_space<vmem>>) dst(%dma_wait3A_63 : memref<64x128xf32, #tpu.memory_space<vmem_shared>>)
      tpu.yield
    }) : () -> ()
    %add3A_27 = arith.constant 512 : i32
    %add3A_28 = arith.addi %mul3A_0, %add3A_27 : i32
    "tpu.region"() ({
      %run_scoped3A = tpu.sem_alloc : memref<!tpu.dma_semaphore, #tpu.memory_space<semaphore_mem>>
      %dma_start3A = arith.constant 0 : i32
      %dma_start3A_58 = tpu.memref_slice %arg9[%add3A_28, %dma_start3A] : memref<10240x128xf32, #tpu.memory_space<vmem_shared>> -> memref<64x128xf32, #tpu.memory_space<vmem_shared>>
      %dma_start3A_59 = arith.constant 0 : i32
      %dma_start3A_60 = tpu.memref_slice %arg9[%add3A_28, %dma_start3A_59] : memref<10240x128xf32, #tpu.memory_space<vmem_shared>> -> memref<64x128xf32, #tpu.memory_space<vmem_shared>>
      tpu.enqueue_dma source(%arg8 : memref<64x128xf32, #tpu.memory_space<vmem>>) target(%dma_start3A_60 : memref<64x128xf32, #tpu.memory_space<vmem_shared>>) target_semaphore(%run_scoped3A : memref<!tpu.dma_semaphore, #tpu.memory_space<semaphore_mem>>)
      %dma_wait3A = arith.constant 0 : i32
      %dma_wait3A_61 = tpu.memref_slice %arg9[%add3A_28, %dma_wait3A] : memref<10240x128xf32, #tpu.memory_space<vmem_shared>> -> memref<64x128xf32, #tpu.memory_space<vmem_shared>>
      %dma_wait3A_62 = arith.constant 0 : i32
      %dma_wait3A_63 = tpu.memref_slice %arg9[%add3A_28, %dma_wait3A_62] : memref<10240x128xf32, #tpu.memory_space<vmem_shared>> -> memref<64x128xf32, #tpu.memory_space<vmem_shared>>
      tpu.wait_dma2 semaphore(%run_scoped3A : memref<!tpu.dma_semaphore, #tpu.memory_space<semaphore_mem>>) src(%arg8 : memref<64x128xf32, #tpu.memory_space<vmem>>) dst(%dma_wait3A_63 : memref<64x128xf32, #tpu.memory_space<vmem_shared>>)
      tpu.yield
    }) : () -> ()
    %add3A_29 = arith.constant 576 : i32
    %add3A_30 = arith.addi %mul3A_0, %add3A_29 : i32
    "tpu.region"() ({
      %run_scoped3A = tpu.sem_alloc : memref<!tpu.dma_semaphore, #tpu.memory_space<semaphore_mem>>
      %dma_start3A = arith.constant 0 : i32
      %dma_start3A_58 = tpu.memref_slice %arg9[%add3A_30, %dma_start3A] : memref<10240x128xf32, #tpu.memory_space<vmem_shared>> -> memref<64x128xf32, #tpu.memory_space<vmem_shared>>
      %dma_start3A_59 = arith.constant 0 : i32
      %dma_start3A_60 = tpu.memref_slice %arg9[%add3A_30, %dma_start3A_59] : memref<10240x128xf32, #tpu.memory_space<vmem_shared>> -> memref<64x128xf32, #tpu.memory_space<vmem_shared>>
      tpu.enqueue_dma source(%arg8 : memref<64x128xf32, #tpu.memory_space<vmem>>) target(%dma_start3A_60 : memref<64x128xf32, #tpu.memory_space<vmem_shared>>) target_semaphore(%run_scoped3A : memref<!tpu.dma_semaphore, #tpu.memory_space<semaphore_mem>>)
      %dma_wait3A = arith.constant 0 : i32
      %dma_wait3A_61 = tpu.memref_slice %arg9[%add3A_30, %dma_wait3A] : memref<10240x128xf32, #tpu.memory_space<vmem_shared>> -> memref<64x128xf32, #tpu.memory_space<vmem_shared>>
      %dma_wait3A_62 = arith.constant 0 : i32
      %dma_wait3A_63 = tpu.memref_slice %arg9[%add3A_30, %dma_wait3A_62] : memref<10240x128xf32, #tpu.memory_space<vmem_shared>> -> memref<64x128xf32, #tpu.memory_space<vmem_shared>>
      tpu.wait_dma2 semaphore(%run_scoped3A : memref<!tpu.dma_semaphore, #tpu.memory_space<semaphore_mem>>) src(%arg8 : memref<64x128xf32, #tpu.memory_space<vmem>>) dst(%dma_wait3A_63 : memref<64x128xf32, #tpu.memory_space<vmem_shared>>)
      tpu.yield
    }) : () -> ()
    %barrier3A = arith.constant 0 : index
    tpu.barrier barrier_id(%barrier3A)
    %scan3A_31 = arith.constant 0 : i32
    %scan3A_32 = arith.constant 0 : i32
    %scan3A_33 = arith.constant 313 : i32
    %scan3A_34 = arith.addi %scan3A_32, %scan3A_33 : i32
    %scan3A_35 = arith.constant 1 : i32
    scf.for %scan3A_58 = %scan3A_32 to %scan3A_34 step %scan3A_35  : i32 {
      %mul3A_59 = arith.constant 64 : i32
      %mul3A_60 = arith.muli %scan3A_58, %mul3A_59 : i32
      %add3A_61 = arith.addi %mul3A_4, %mul3A_60 : i32
      "tpu.region"() ({
        %run_scoped3A = tpu.sem_alloc : memref<!tpu.dma_semaphore, #tpu.memory_space<semaphore_mem>>
        %dma_start3A_66 = tpu.memref_slice %arg3[%add3A_61] : memref<641024xi32, #tpu.memory_space<hbm>> -> memref<64xi32, #tpu.memory_space<hbm>>
        %dma_start3A_67 = tpu.memref_slice %arg3[%add3A_61] : memref<641024xi32, #tpu.memory_space<hbm>> -> memref<64xi32, #tpu.memory_space<hbm>>
        tpu.enqueue_dma source(%dma_start3A_67 : memref<64xi32, #tpu.memory_space<hbm>>) target(%arg6 : memref<64xi32, #tpu.memory_space<vmem>>) target_semaphore(%run_scoped3A : memref<!tpu.dma_semaphore, #tpu.memory_space<semaphore_mem>>)
        %dma_wait3A_68 = tpu.memref_slice %arg3[%add3A_61] : memref<641024xi32, #tpu.memory_space<hbm>> -> memref<64xi32, #tpu.memory_space<hbm>>
        %dma_wait3A_69 = tpu.memref_slice %arg3[%add3A_61] : memref<641024xi32, #tpu.memory_space<hbm>> -> memref<64xi32, #tpu.memory_space<hbm>>
        tpu.wait_dma2 semaphore(%run_scoped3A : memref<!tpu.dma_semaphore, #tpu.memory_space<semaphore_mem>>) src(%dma_wait3A_69 : memref<64xi32, #tpu.memory_space<hbm>>) dst(%arg6 : memref<64xi32, #tpu.memory_space<vmem>>)
        tpu.yield
      }) : () -> ()
      "tpu.region"() ({
        %run_scoped3A = tpu.sem_alloc : memref<!tpu.dma_semaphore, #tpu.memory_space<semaphore_mem>>
        %dma_start3A_66 = tpu.memref_slice %arg4[%add3A_61] : memref<641024xi32, #tpu.memory_space<hbm>> -> memref<64xi32, #tpu.memory_space<hbm>>
        %dma_start3A_67 = tpu.memref_slice %arg4[%add3A_61] : memref<641024xi32, #tpu.memory_space<hbm>> -> memref<64xi32, #tpu.memory_space<hbm>>
        tpu.enqueue_dma source(%dma_start3A_67 : memref<64xi32, #tpu.memory_space<hbm>>) target(%arg7 : memref<64xi32, #tpu.memory_space<vmem>>) target_semaphore(%run_scoped3A : memref<!tpu.dma_semaphore, #tpu.memory_space<semaphore_mem>>)
        %dma_wait3A_68 = tpu.memref_slice %arg4[%add3A_61] : memref<641024xi32, #tpu.memory_space<hbm>> -> memref<64xi32, #tpu.memory_space<hbm>>
        %dma_wait3A_69 = tpu.memref_slice %arg4[%add3A_61] : memref<641024xi32, #tpu.memory_space<hbm>> -> memref<64xi32, #tpu.memory_space<hbm>>
        tpu.wait_dma2 semaphore(%run_scoped3A : memref<!tpu.dma_semaphore, #tpu.memory_space<semaphore_mem>>) src(%dma_wait3A_69 : memref<64xi32, #tpu.memory_space<hbm>>) dst(%arg7 : memref<64xi32, #tpu.memory_space<vmem>>)
        tpu.yield
      }) : () -> ()
      %dma_start3A = arith.constant 0 : i32
      %dma_start3A_62 = arith.constant 0 : i32
      %dma_start3A_63 = tpu.memref_slice %arg2[%dma_start3A, %dma_start3A_62] : memref<20000x128xf32, #tpu.memory_space<hbm>> -> memref<20000x128xf32, #tpu.memory_space<hbm>>
      tpu.enqueue_indirect_dma source(%dma_start3A_63 : memref<20000x128xf32, #tpu.memory_space<hbm>>) target(%arg8 : memref<64x128xf32, #tpu.memory_space<vmem>>) offsets(%arg6 : memref<64xi32, #tpu.memory_space<vmem>>) semaphore(%arg10 : memref<!tpu.dma_semaphore, #tpu.memory_space<semaphore_mem>>)
      %dma_wait3A = arith.constant 0 : i32
      %dma_wait3A_64 = arith.constant 0 : i32
      %dma_wait3A_65 = tpu.memref_slice %arg2[%dma_wait3A, %dma_wait3A_64] : memref<20000x128xf32, #tpu.memory_space<hbm>> -> memref<20000x128xf32, #tpu.memory_space<hbm>>
      tpu.wait_indirect_dma semaphore(%arg10 : memref<!tpu.dma_semaphore, #tpu.memory_space<semaphore_mem>>) src(%dma_wait3A_65 : memref<20000x128xf32, #tpu.memory_space<hbm>>) dst(%arg8 : memref<64x128xf32, #tpu.memory_space<vmem>>)
      "tpu.region"() ({
        %run_scoped3A = tpu.sem_alloc : memref<!tpu.dma_semaphore, #tpu.memory_space<semaphore_mem>>
        %dma_start3A_66 = arith.constant 0 : i32
        %dma_start3A_67 = arith.constant 0 : i32
        %dma_start3A_68 = tpu.memref_slice %arg9[%dma_start3A_66, %dma_start3A_67] : memref<10240x128xf32, #tpu.memory_space<vmem_shared>> -> memref<10240x128xf32, #tpu.memory_space<vmem_shared>>
        tpu.enqueue_indirect_dma source(%arg8 : memref<64x128xf32, #tpu.memory_space<vmem>>) target(%dma_start3A_68 : memref<10240x128xf32, #tpu.memory_space<vmem_shared>>) offsets(%arg7 : memref<64xi32, #tpu.memory_space<vmem>>) semaphore(%run_scoped3A : memref<!tpu.dma_semaphore, #tpu.memory_space<semaphore_mem>>) {add = true}
        %dma_wait3A_69 = arith.constant 0 : i32
        %dma_wait3A_70 = arith.constant 0 : i32
        %dma_wait3A_71 = tpu.memref_slice %arg9[%dma_wait3A_69, %dma_wait3A_70] : memref<10240x128xf32, #tpu.memory_space<vmem_shared>> -> memref<10240x128xf32, #tpu.memory_space<vmem_shared>>
        tpu.wait_indirect_dma semaphore(%run_scoped3A : memref<!tpu.dma_semaphore, #tpu.memory_space<semaphore_mem>>) src(%arg8 : memref<64x128xf32, #tpu.memory_space<vmem>>) dst(%dma_wait3A_71 : memref<10240x128xf32, #tpu.memory_space<vmem_shared>>)
        tpu.yield
      }) : () -> ()
    }
    %scan3A_36 = arith.constant 313 : i32
    %barrier3A_37 = arith.constant 0 : index
    tpu.barrier barrier_id(%barrier3A_37)
    %add3A_38 = arith.constant 0 : i32
    %add3A_39 = arith.addi %mul3A_0, %add3A_38 : i32
    "tpu.region"() ({
      %run_scoped3A = tpu.sem_alloc : memref<!tpu.dma_semaphore, #tpu.memory_space<semaphore_mem>>
      %dma_start3A = arith.constant 0 : i32
      %dma_start3A_58 = tpu.memref_slice %arg9[%add3A_39, %dma_start3A] : memref<10240x128xf32, #tpu.memory_space<vmem_shared>> -> memref<64x128xf32, #tpu.memory_space<vmem_shared>>
      %dma_start3A_59 = arith.constant 0 : i32
      %dma_start3A_60 = tpu.memref_slice %arg9[%add3A_39, %dma_start3A_59] : memref<10240x128xf32, #tpu.memory_space<vmem_shared>> -> memref<64x128xf32, #tpu.memory_space<vmem_shared>>
      tpu.enqueue_dma source(%dma_start3A_60 : memref<64x128xf32, #tpu.memory_space<vmem_shared>>) target(%arg8 : memref<64x128xf32, #tpu.memory_space<vmem>>) target_semaphore(%run_scoped3A : memref<!tpu.dma_semaphore, #tpu.memory_space<semaphore_mem>>)
      %dma_wait3A = arith.constant 0 : i32
      %dma_wait3A_61 = tpu.memref_slice %arg9[%add3A_39, %dma_wait3A] : memref<10240x128xf32, #tpu.memory_space<vmem_shared>> -> memref<64x128xf32, #tpu.memory_space<vmem_shared>>
      %dma_wait3A_62 = arith.constant 0 : i32
      %dma_wait3A_63 = tpu.memref_slice %arg9[%add3A_39, %dma_wait3A_62] : memref<10240x128xf32, #tpu.memory_space<vmem_shared>> -> memref<64x128xf32, #tpu.memory_space<vmem_shared>>
      tpu.wait_dma2 semaphore(%run_scoped3A : memref<!tpu.dma_semaphore, #tpu.memory_space<semaphore_mem>>) src(%dma_wait3A_63 : memref<64x128xf32, #tpu.memory_space<vmem_shared>>) dst(%arg8 : memref<64x128xf32, #tpu.memory_space<vmem>>)
      tpu.yield
    }) : () -> ()
    "tpu.region"() ({
      %run_scoped3A = tpu.sem_alloc : memref<!tpu.dma_semaphore, #tpu.memory_space<semaphore_mem>>
      %dma_start3A = arith.constant 0 : i32
      %dma_start3A_58 = tpu.memref_slice %arg5[%arg0, %add3A_39, %dma_start3A] : memref<2x10240x128xf32, #tpu.memory_space<hbm>> -> memref<1x64x128xf32, #tpu.memory_space<hbm>>
      %dma_start3A_59 = tpu.memref_squeeze %dma_start3A_58 : memref<1x64x128xf32, #tpu.memory_space<hbm>> -> memref<64x128xf32, #tpu.memory_space<hbm>>
      %dma_start3A_60 = arith.constant 0 : i32
      %dma_start3A_61 = tpu.memref_slice %arg5[%arg0, %add3A_39, %dma_start3A_60] : memref<2x10240x128xf32, #tpu.memory_space<hbm>> -> memref<1x64x128xf32, #tpu.memory_space<hbm>>
      %dma_start3A_62 = tpu.memref_squeeze %dma_start3A_61 : memref<1x64x128xf32, #tpu.memory_space<hbm>> -> memref<64x128xf32, #tpu.memory_space<hbm>>
      tpu.enqueue_dma source(%arg8 : memref<64x128xf32, #tpu.memory_space<vmem>>) target(%dma_start3A_62 : memref<64x128xf32, #tpu.memory_space<hbm>>) target_semaphore(%run_scoped3A : memref<!tpu.dma_semaphore, #tpu.memory_space<semaphore_mem>>)
      %dma_wait3A = arith.constant 0 : i32
      %dma_wait3A_63 = tpu.memref_slice %arg5[%arg0, %add3A_39, %dma_wait3A] : memref<2x10240x128xf32, #tpu.memory_space<hbm>> -> memref<1x64x128xf32, #tpu.memory_space<hbm>>
      %dma_wait3A_64 = tpu.memref_squeeze %dma_wait3A_63 : memref<1x64x128xf32, #tpu.memory_space<hbm>> -> memref<64x128xf32, #tpu.memory_space<hbm>>
      %dma_wait3A_65 = arith.constant 0 : i32
      %dma_wait3A_66 = tpu.memref_slice %arg5[%arg0, %add3A_39, %dma_wait3A_65] : memref<2x10240x128xf32, #tpu.memory_space<hbm>> -> memref<1x64x128xf32, #tpu.memory_space<hbm>>
      %dma_wait3A_67 = tpu.memref_squeeze %dma_wait3A_66 : memref<1x64x128xf32, #tpu.memory_space<hbm>> -> memref<64x128xf32, #tpu.memory_space<hbm>>
      tpu.wait_dma2 semaphore(%run_scoped3A : memref<!tpu.dma_semaphore, #tpu.memory_space<semaphore_mem>>) src(%arg8 : memref<64x128xf32, #tpu.memory_space<vmem>>) dst(%dma_wait3A_67 : memref<64x128xf32, #tpu.memory_space<hbm>>)
      tpu.yield
    }) : () -> ()
    %add3A_40 = arith.constant 64 : i32
    %add3A_41 = arith.addi %mul3A_0, %add3A_40 : i32
    "tpu.region"() ({
      %run_scoped3A = tpu.sem_alloc : memref<!tpu.dma_semaphore, #tpu.memory_space<semaphore_mem>>
      %dma_start3A = arith.constant 0 : i32
      %dma_start3A_58 = tpu.memref_slice %arg9[%add3A_41, %dma_start3A] : memref<10240x128xf32, #tpu.memory_space<vmem_shared>> -> memref<64x128xf32, #tpu.memory_space<vmem_shared>>
      %dma_start3A_59 = arith.constant 0 : i32
      %dma_start3A_60 = tpu.memref_slice %arg9[%add3A_41, %dma_start3A_59] : memref<10240x128xf32, #tpu.memory_space<vmem_shared>> -> memref<64x128xf32, #tpu.memory_space<vmem_shared>>
      tpu.enqueue_dma source(%dma_start3A_60 : memref<64x128xf32, #tpu.memory_space<vmem_shared>>) target(%arg8 : memref<64x128xf32, #tpu.memory_space<vmem>>) target_semaphore(%run_scoped3A : memref<!tpu.dma_semaphore, #tpu.memory_space<semaphore_mem>>)
      %dma_wait3A = arith.constant 0 : i32
      %dma_wait3A_61 = tpu.memref_slice %arg9[%add3A_41, %dma_wait3A] : memref<10240x128xf32, #tpu.memory_space<vmem_shared>> -> memref<64x128xf32, #tpu.memory_space<vmem_shared>>
      %dma_wait3A_62 = arith.constant 0 : i32
      %dma_wait3A_63 = tpu.memref_slice %arg9[%add3A_41, %dma_wait3A_62] : memref<10240x128xf32, #tpu.memory_space<vmem_shared>> -> memref<64x128xf32, #tpu.memory_space<vmem_shared>>
      tpu.wait_dma2 semaphore(%run_scoped3A : memref<!tpu.dma_semaphore, #tpu.memory_space<semaphore_mem>>) src(%dma_wait3A_63 : memref<64x128xf32, #tpu.memory_space<vmem_shared>>) dst(%arg8 : memref<64x128xf32, #tpu.memory_space<vmem>>)
      tpu.yield
    }) : () -> ()
    "tpu.region"() ({
      %run_scoped3A = tpu.sem_alloc : memref<!tpu.dma_semaphore, #tpu.memory_space<semaphore_mem>>
      %dma_start3A = arith.constant 0 : i32
      %dma_start3A_58 = tpu.memref_slice %arg5[%arg0, %add3A_41, %dma_start3A] : memref<2x10240x128xf32, #tpu.memory_space<hbm>> -> memref<1x64x128xf32, #tpu.memory_space<hbm>>
      %dma_start3A_59 = tpu.memref_squeeze %dma_start3A_58 : memref<1x64x128xf32, #tpu.memory_space<hbm>> -> memref<64x128xf32, #tpu.memory_space<hbm>>
      %dma_start3A_60 = arith.constant 0 : i32
      %dma_start3A_61 = tpu.memref_slice %arg5[%arg0, %add3A_41, %dma_start3A_60] : memref<2x10240x128xf32, #tpu.memory_space<hbm>> -> memref<1x64x128xf32, #tpu.memory_space<hbm>>
      %dma_start3A_62 = tpu.memref_squeeze %dma_start3A_61 : memref<1x64x128xf32, #tpu.memory_space<hbm>> -> memref<64x128xf32, #tpu.memory_space<hbm>>
      tpu.enqueue_dma source(%arg8 : memref<64x128xf32, #tpu.memory_space<vmem>>) target(%dma_start3A_62 : memref<64x128xf32, #tpu.memory_space<hbm>>) target_semaphore(%run_scoped3A : memref<!tpu.dma_semaphore, #tpu.memory_space<semaphore_mem>>)
      %dma_wait3A = arith.constant 0 : i32
      %dma_wait3A_63 = tpu.memref_slice %arg5[%arg0, %add3A_41, %dma_wait3A] : memref<2x10240x128xf32, #tpu.memory_space<hbm>> -> memref<1x64x128xf32, #tpu.memory_space<hbm>>
      %dma_wait3A_64 = tpu.memref_squeeze %dma_wait3A_63 : memref<1x64x128xf32, #tpu.memory_space<hbm>> -> memref<64x128xf32, #tpu.memory_space<hbm>>
      %dma_wait3A_65 = arith.constant 0 : i32
      %dma_wait3A_66 = tpu.memref_slice %arg5[%arg0, %add3A_41, %dma_wait3A_65] : memref<2x10240x128xf32, #tpu.memory_space<hbm>> -> memref<1x64x128xf32, #tpu.memory_space<hbm>>
      %dma_wait3A_67 = tpu.memref_squeeze %dma_wait3A_66 : memref<1x64x128xf32, #tpu.memory_space<hbm>> -> memref<64x128xf32, #tpu.memory_space<hbm>>
      tpu.wait_dma2 semaphore(%run_scoped3A : memref<!tpu.dma_semaphore, #tpu.memory_space<semaphore_mem>>) src(%arg8 : memref<64x128xf32, #tpu.memory_space<vmem>>) dst(%dma_wait3A_67 : memref<64x128xf32, #tpu.memory_space<hbm>>)
      tpu.yield
    }) : () -> ()
    %add3A_42 = arith.constant 128 : i32
    %add3A_43 = arith.addi %mul3A_0, %add3A_42 : i32
    "tpu.region"() ({
      %run_scoped3A = tpu.sem_alloc : memref<!tpu.dma_semaphore, #tpu.memory_space<semaphore_mem>>
      %dma_start3A = arith.constant 0 : i32
      %dma_start3A_58 = tpu.memref_slice %arg9[%add3A_43, %dma_start3A] : memref<10240x128xf32, #tpu.memory_space<vmem_shared>> -> memref<64x128xf32, #tpu.memory_space<vmem_shared>>
      %dma_start3A_59 = arith.constant 0 : i32
      %dma_start3A_60 = tpu.memref_slice %arg9[%add3A_43, %dma_start3A_59] : memref<10240x128xf32, #tpu.memory_space<vmem_shared>> -> memref<64x128xf32, #tpu.memory_space<vmem_shared>>
      tpu.enqueue_dma source(%dma_start3A_60 : memref<64x128xf32, #tpu.memory_space<vmem_shared>>) target(%arg8 : memref<64x128xf32, #tpu.memory_space<vmem>>) target_semaphore(%run_scoped3A : memref<!tpu.dma_semaphore, #tpu.memory_space<semaphore_mem>>)
      %dma_wait3A = arith.constant 0 : i32
      %dma_wait3A_61 = tpu.memref_slice %arg9[%add3A_43, %dma_wait3A] : memref<10240x128xf32, #tpu.memory_space<vmem_shared>> -> memref<64x128xf32, #tpu.memory_space<vmem_shared>>
      %dma_wait3A_62 = arith.constant 0 : i32
      %dma_wait3A_63 = tpu.memref_slice %arg9[%add3A_43, %dma_wait3A_62] : memref<10240x128xf32, #tpu.memory_space<vmem_shared>> -> memref<64x128xf32, #tpu.memory_space<vmem_shared>>
      tpu.wait_dma2 semaphore(%run_scoped3A : memref<!tpu.dma_semaphore, #tpu.memory_space<semaphore_mem>>) src(%dma_wait3A_63 : memref<64x128xf32, #tpu.memory_space<vmem_shared>>) dst(%arg8 : memref<64x128xf32, #tpu.memory_space<vmem>>)
      tpu.yield
    }) : () -> ()
    "tpu.region"() ({
      %run_scoped3A = tpu.sem_alloc : memref<!tpu.dma_semaphore, #tpu.memory_space<semaphore_mem>>
      %dma_start3A = arith.constant 0 : i32
      %dma_start3A_58 = tpu.memref_slice %arg5[%arg0, %add3A_43, %dma_start3A] : memref<2x10240x128xf32, #tpu.memory_space<hbm>> -> memref<1x64x128xf32, #tpu.memory_space<hbm>>
      %dma_start3A_59 = tpu.memref_squeeze %dma_start3A_58 : memref<1x64x128xf32, #tpu.memory_space<hbm>> -> memref<64x128xf32, #tpu.memory_space<hbm>>
      %dma_start3A_60 = arith.constant 0 : i32
      %dma_start3A_61 = tpu.memref_slice %arg5[%arg0, %add3A_43, %dma_start3A_60] : memref<2x10240x128xf32, #tpu.memory_space<hbm>> -> memref<1x64x128xf32, #tpu.memory_space<hbm>>
      %dma_start3A_62 = tpu.memref_squeeze %dma_start3A_61 : memref<1x64x128xf32, #tpu.memory_space<hbm>> -> memref<64x128xf32, #tpu.memory_space<hbm>>
      tpu.enqueue_dma source(%arg8 : memref<64x128xf32, #tpu.memory_space<vmem>>) target(%dma_start3A_62 : memref<64x128xf32, #tpu.memory_space<hbm>>) target_semaphore(%run_scoped3A : memref<!tpu.dma_semaphore, #tpu.memory_space<semaphore_mem>>)
      %dma_wait3A = arith.constant 0 : i32
      %dma_wait3A_63 = tpu.memref_slice %arg5[%arg0, %add3A_43, %dma_wait3A] : memref<2x10240x128xf32, #tpu.memory_space<hbm>> -> memref<1x64x128xf32, #tpu.memory_space<hbm>>
      %dma_wait3A_64 = tpu.memref_squeeze %dma_wait3A_63 : memref<1x64x128xf32, #tpu.memory_space<hbm>> -> memref<64x128xf32, #tpu.memory_space<hbm>>
      %dma_wait3A_65 = arith.constant 0 : i32
      %dma_wait3A_66 = tpu.memref_slice %arg5[%arg0, %add3A_43, %dma_wait3A_65] : memref<2x10240x128xf32, #tpu.memory_space<hbm>> -> memref<1x64x128xf32, #tpu.memory_space<hbm>>
      %dma_wait3A_67 = tpu.memref_squeeze %dma_wait3A_66 : memref<1x64x128xf32, #tpu.memory_space<hbm>> -> memref<64x128xf32, #tpu.memory_space<hbm>>
      tpu.wait_dma2 semaphore(%run_scoped3A : memref<!tpu.dma_semaphore, #tpu.memory_space<semaphore_mem>>) src(%arg8 : memref<64x128xf32, #tpu.memory_space<vmem>>) dst(%dma_wait3A_67 : memref<64x128xf32, #tpu.memory_space<hbm>>)
      tpu.yield
    }) : () -> ()
    %add3A_44 = arith.constant 192 : i32
    %add3A_45 = arith.addi %mul3A_0, %add3A_44 : i32
    "tpu.region"() ({
      %run_scoped3A = tpu.sem_alloc : memref<!tpu.dma_semaphore, #tpu.memory_space<semaphore_mem>>
      %dma_start3A = arith.constant 0 : i32
      %dma_start3A_58 = tpu.memref_slice %arg9[%add3A_45, %dma_start3A] : memref<10240x128xf32, #tpu.memory_space<vmem_shared>> -> memref<64x128xf32, #tpu.memory_space<vmem_shared>>
      %dma_start3A_59 = arith.constant 0 : i32
      %dma_start3A_60 = tpu.memref_slice %arg9[%add3A_45, %dma_start3A_59] : memref<10240x128xf32, #tpu.memory_space<vmem_shared>> -> memref<64x128xf32, #tpu.memory_space<vmem_shared>>
      tpu.enqueue_dma source(%dma_start3A_60 : memref<64x128xf32, #tpu.memory_space<vmem_shared>>) target(%arg8 : memref<64x128xf32, #tpu.memory_space<vmem>>) target_semaphore(%run_scoped3A : memref<!tpu.dma_semaphore, #tpu.memory_space<semaphore_mem>>)
      %dma_wait3A = arith.constant 0 : i32
      %dma_wait3A_61 = tpu.memref_slice %arg9[%add3A_45, %dma_wait3A] : memref<10240x128xf32, #tpu.memory_space<vmem_shared>> -> memref<64x128xf32, #tpu.memory_space<vmem_shared>>
      %dma_wait3A_62 = arith.constant 0 : i32
      %dma_wait3A_63 = tpu.memref_slice %arg9[%add3A_45, %dma_wait3A_62] : memref<10240x128xf32, #tpu.memory_space<vmem_shared>> -> memref<64x128xf32, #tpu.memory_space<vmem_shared>>
      tpu.wait_dma2 semaphore(%run_scoped3A : memref<!tpu.dma_semaphore, #tpu.memory_space<semaphore_mem>>) src(%dma_wait3A_63 : memref<64x128xf32, #tpu.memory_space<vmem_shared>>) dst(%arg8 : memref<64x128xf32, #tpu.memory_space<vmem>>)
      tpu.yield
    }) : () -> ()
    "tpu.region"() ({
      %run_scoped3A = tpu.sem_alloc : memref<!tpu.dma_semaphore, #tpu.memory_space<semaphore_mem>>
      %dma_start3A = arith.constant 0 : i32
      %dma_start3A_58 = tpu.memref_slice %arg5[%arg0, %add3A_45, %dma_start3A] : memref<2x10240x128xf32, #tpu.memory_space<hbm>> -> memref<1x64x128xf32, #tpu.memory_space<hbm>>
      %dma_start3A_59 = tpu.memref_squeeze %dma_start3A_58 : memref<1x64x128xf32, #tpu.memory_space<hbm>> -> memref<64x128xf32, #tpu.memory_space<hbm>>
      %dma_start3A_60 = arith.constant 0 : i32
      %dma_start3A_61 = tpu.memref_slice %arg5[%arg0, %add3A_45, %dma_start3A_60] : memref<2x10240x128xf32, #tpu.memory_space<hbm>> -> memref<1x64x128xf32, #tpu.memory_space<hbm>>
      %dma_start3A_62 = tpu.memref_squeeze %dma_start3A_61 : memref<1x64x128xf32, #tpu.memory_space<hbm>> -> memref<64x128xf32, #tpu.memory_space<hbm>>
      tpu.enqueue_dma source(%arg8 : memref<64x128xf32, #tpu.memory_space<vmem>>) target(%dma_start3A_62 : memref<64x128xf32, #tpu.memory_space<hbm>>) target_semaphore(%run_scoped3A : memref<!tpu.dma_semaphore, #tpu.memory_space<semaphore_mem>>)
      %dma_wait3A = arith.constant 0 : i32
      %dma_wait3A_63 = tpu.memref_slice %arg5[%arg0, %add3A_45, %dma_wait3A] : memref<2x10240x128xf32, #tpu.memory_space<hbm>> -> memref<1x64x128xf32, #tpu.memory_space<hbm>>
      %dma_wait3A_64 = tpu.memref_squeeze %dma_wait3A_63 : memref<1x64x128xf32, #tpu.memory_space<hbm>> -> memref<64x128xf32, #tpu.memory_space<hbm>>
      %dma_wait3A_65 = arith.constant 0 : i32
      %dma_wait3A_66 = tpu.memref_slice %arg5[%arg0, %add3A_45, %dma_wait3A_65] : memref<2x10240x128xf32, #tpu.memory_space<hbm>> -> memref<1x64x128xf32, #tpu.memory_space<hbm>>
      %dma_wait3A_67 = tpu.memref_squeeze %dma_wait3A_66 : memref<1x64x128xf32, #tpu.memory_space<hbm>> -> memref<64x128xf32, #tpu.memory_space<hbm>>
      tpu.wait_dma2 semaphore(%run_scoped3A : memref<!tpu.dma_semaphore, #tpu.memory_space<semaphore_mem>>) src(%arg8 : memref<64x128xf32, #tpu.memory_space<vmem>>) dst(%dma_wait3A_67 : memref<64x128xf32, #tpu.memory_space<hbm>>)
      tpu.yield
    }) : () -> ()
    %add3A_46 = arith.constant 256 : i32
    %add3A_47 = arith.addi %mul3A_0, %add3A_46 : i32
    "tpu.region"() ({
      %run_scoped3A = tpu.sem_alloc : memref<!tpu.dma_semaphore, #tpu.memory_space<semaphore_mem>>
      %dma_start3A = arith.constant 0 : i32
      %dma_start3A_58 = tpu.memref_slice %arg9[%add3A_47, %dma_start3A] : memref<10240x128xf32, #tpu.memory_space<vmem_shared>> -> memref<64x128xf32, #tpu.memory_space<vmem_shared>>
      %dma_start3A_59 = arith.constant 0 : i32
      %dma_start3A_60 = tpu.memref_slice %arg9[%add3A_47, %dma_start3A_59] : memref<10240x128xf32, #tpu.memory_space<vmem_shared>> -> memref<64x128xf32, #tpu.memory_space<vmem_shared>>
      tpu.enqueue_dma source(%dma_start3A_60 : memref<64x128xf32, #tpu.memory_space<vmem_shared>>) target(%arg8 : memref<64x128xf32, #tpu.memory_space<vmem>>) target_semaphore(%run_scoped3A : memref<!tpu.dma_semaphore, #tpu.memory_space<semaphore_mem>>)
      %dma_wait3A = arith.constant 0 : i32
      %dma_wait3A_61 = tpu.memref_slice %arg9[%add3A_47, %dma_wait3A] : memref<10240x128xf32, #tpu.memory_space<vmem_shared>> -> memref<64x128xf32, #tpu.memory_space<vmem_shared>>
      %dma_wait3A_62 = arith.constant 0 : i32
      %dma_wait3A_63 = tpu.memref_slice %arg9[%add3A_47, %dma_wait3A_62] : memref<10240x128xf32, #tpu.memory_space<vmem_shared>> -> memref<64x128xf32, #tpu.memory_space<vmem_shared>>
      tpu.wait_dma2 semaphore(%run_scoped3A : memref<!tpu.dma_semaphore, #tpu.memory_space<semaphore_mem>>) src(%dma_wait3A_63 : memref<64x128xf32, #tpu.memory_space<vmem_shared>>) dst(%arg8 : memref<64x128xf32, #tpu.memory_space<vmem>>)
      tpu.yield
    }) : () -> ()
    "tpu.region"() ({
      %run_scoped3A = tpu.sem_alloc : memref<!tpu.dma_semaphore, #tpu.memory_space<semaphore_mem>>
      %dma_start3A = arith.constant 0 : i32
      %dma_start3A_58 = tpu.memref_slice %arg5[%arg0, %add3A_47, %dma_start3A] : memref<2x10240x128xf32, #tpu.memory_space<hbm>> -> memref<1x64x128xf32, #tpu.memory_space<hbm>>
      %dma_start3A_59 = tpu.memref_squeeze %dma_start3A_58 : memref<1x64x128xf32, #tpu.memory_space<hbm>> -> memref<64x128xf32, #tpu.memory_space<hbm>>
      %dma_start3A_60 = arith.constant 0 : i32
      %dma_start3A_61 = tpu.memref_slice %arg5[%arg0, %add3A_47, %dma_start3A_60] : memref<2x10240x128xf32, #tpu.memory_space<hbm>> -> memref<1x64x128xf32, #tpu.memory_space<hbm>>
      %dma_start3A_62 = tpu.memref_squeeze %dma_start3A_61 : memref<1x64x128xf32, #tpu.memory_space<hbm>> -> memref<64x128xf32, #tpu.memory_space<hbm>>
      tpu.enqueue_dma source(%arg8 : memref<64x128xf32, #tpu.memory_space<vmem>>) target(%dma_start3A_62 : memref<64x128xf32, #tpu.memory_space<hbm>>) target_semaphore(%run_scoped3A : memref<!tpu.dma_semaphore, #tpu.memory_space<semaphore_mem>>)
      %dma_wait3A = arith.constant 0 : i32
      %dma_wait3A_63 = tpu.memref_slice %arg5[%arg0, %add3A_47, %dma_wait3A] : memref<2x10240x128xf32, #tpu.memory_space<hbm>> -> memref<1x64x128xf32, #tpu.memory_space<hbm>>
      %dma_wait3A_64 = tpu.memref_squeeze %dma_wait3A_63 : memref<1x64x128xf32, #tpu.memory_space<hbm>> -> memref<64x128xf32, #tpu.memory_space<hbm>>
      %dma_wait3A_65 = arith.constant 0 : i32
      %dma_wait3A_66 = tpu.memref_slice %arg5[%arg0, %add3A_47, %dma_wait3A_65] : memref<2x10240x128xf32, #tpu.memory_space<hbm>> -> memref<1x64x128xf32, #tpu.memory_space<hbm>>
      %dma_wait3A_67 = tpu.memref_squeeze %dma_wait3A_66 : memref<1x64x128xf32, #tpu.memory_space<hbm>> -> memref<64x128xf32, #tpu.memory_space<hbm>>
      tpu.wait_dma2 semaphore(%run_scoped3A : memref<!tpu.dma_semaphore, #tpu.memory_space<semaphore_mem>>) src(%arg8 : memref<64x128xf32, #tpu.memory_space<vmem>>) dst(%dma_wait3A_67 : memref<64x128xf32, #tpu.memory_space<hbm>>)
      tpu.yield
    }) : () -> ()
    %add3A_48 = arith.constant 320 : i32
    %add3A_49 = arith.addi %mul3A_0, %add3A_48 : i32
    "tpu.region"() ({
      %run_scoped3A = tpu.sem_alloc : memref<!tpu.dma_semaphore, #tpu.memory_space<semaphore_mem>>
      %dma_start3A = arith.constant 0 : i32
      %dma_start3A_58 = tpu.memref_slice %arg9[%add3A_49, %dma_start3A] : memref<10240x128xf32, #tpu.memory_space<vmem_shared>> -> memref<64x128xf32, #tpu.memory_space<vmem_shared>>
      %dma_start3A_59 = arith.constant 0 : i32
      %dma_start3A_60 = tpu.memref_slice %arg9[%add3A_49, %dma_start3A_59] : memref<10240x128xf32, #tpu.memory_space<vmem_shared>> -> memref<64x128xf32, #tpu.memory_space<vmem_shared>>
      tpu.enqueue_dma source(%dma_start3A_60 : memref<64x128xf32, #tpu.memory_space<vmem_shared>>) target(%arg8 : memref<64x128xf32, #tpu.memory_space<vmem>>) target_semaphore(%run_scoped3A : memref<!tpu.dma_semaphore, #tpu.memory_space<semaphore_mem>>)
      %dma_wait3A = arith.constant 0 : i32
      %dma_wait3A_61 = tpu.memref_slice %arg9[%add3A_49, %dma_wait3A] : memref<10240x128xf32, #tpu.memory_space<vmem_shared>> -> memref<64x128xf32, #tpu.memory_space<vmem_shared>>
      %dma_wait3A_62 = arith.constant 0 : i32
      %dma_wait3A_63 = tpu.memref_slice %arg9[%add3A_49, %dma_wait3A_62] : memref<10240x128xf32, #tpu.memory_space<vmem_shared>> -> memref<64x128xf32, #tpu.memory_space<vmem_shared>>
      tpu.wait_dma2 semaphore(%run_scoped3A : memref<!tpu.dma_semaphore, #tpu.memory_space<semaphore_mem>>) src(%dma_wait3A_63 : memref<64x128xf32, #tpu.memory_space<vmem_shared>>) dst(%arg8 : memref<64x128xf32, #tpu.memory_space<vmem>>)
      tpu.yield
    }) : () -> ()
    "tpu.region"() ({
      %run_scoped3A = tpu.sem_alloc : memref<!tpu.dma_semaphore, #tpu.memory_space<semaphore_mem>>
      %dma_start3A = arith.constant 0 : i32
      %dma_start3A_58 = tpu.memref_slice %arg5[%arg0, %add3A_49, %dma_start3A] : memref<2x10240x128xf32, #tpu.memory_space<hbm>> -> memref<1x64x128xf32, #tpu.memory_space<hbm>>
      %dma_start3A_59 = tpu.memref_squeeze %dma_start3A_58 : memref<1x64x128xf32, #tpu.memory_space<hbm>> -> memref<64x128xf32, #tpu.memory_space<hbm>>
      %dma_start3A_60 = arith.constant 0 : i32
      %dma_start3A_61 = tpu.memref_slice %arg5[%arg0, %add3A_49, %dma_start3A_60] : memref<2x10240x128xf32, #tpu.memory_space<hbm>> -> memref<1x64x128xf32, #tpu.memory_space<hbm>>
      %dma_start3A_62 = tpu.memref_squeeze %dma_start3A_61 : memref<1x64x128xf32, #tpu.memory_space<hbm>> -> memref<64x128xf32, #tpu.memory_space<hbm>>
      tpu.enqueue_dma source(%arg8 : memref<64x128xf32, #tpu.memory_space<vmem>>) target(%dma_start3A_62 : memref<64x128xf32, #tpu.memory_space<hbm>>) target_semaphore(%run_scoped3A : memref<!tpu.dma_semaphore, #tpu.memory_space<semaphore_mem>>)
      %dma_wait3A = arith.constant 0 : i32
      %dma_wait3A_63 = tpu.memref_slice %arg5[%arg0, %add3A_49, %dma_wait3A] : memref<2x10240x128xf32, #tpu.memory_space<hbm>> -> memref<1x64x128xf32, #tpu.memory_space<hbm>>
      %dma_wait3A_64 = tpu.memref_squeeze %dma_wait3A_63 : memref<1x64x128xf32, #tpu.memory_space<hbm>> -> memref<64x128xf32, #tpu.memory_space<hbm>>
      %dma_wait3A_65 = arith.constant 0 : i32
      %dma_wait3A_66 = tpu.memref_slice %arg5[%arg0, %add3A_49, %dma_wait3A_65] : memref<2x10240x128xf32, #tpu.memory_space<hbm>> -> memref<1x64x128xf32, #tpu.memory_space<hbm>>
      %dma_wait3A_67 = tpu.memref_squeeze %dma_wait3A_66 : memref<1x64x128xf32, #tpu.memory_space<hbm>> -> memref<64x128xf32, #tpu.memory_space<hbm>>
      tpu.wait_dma2 semaphore(%run_scoped3A : memref<!tpu.dma_semaphore, #tpu.memory_space<semaphore_mem>>) src(%arg8 : memref<64x128xf32, #tpu.memory_space<vmem>>) dst(%dma_wait3A_67 : memref<64x128xf32, #tpu.memory_space<hbm>>)
      tpu.yield
    }) : () -> ()
    %add3A_50 = arith.constant 384 : i32
    %add3A_51 = arith.addi %mul3A_0, %add3A_50 : i32
    "tpu.region"() ({
      %run_scoped3A = tpu.sem_alloc : memref<!tpu.dma_semaphore, #tpu.memory_space<semaphore_mem>>
      %dma_start3A = arith.constant 0 : i32
      %dma_start3A_58 = tpu.memref_slice %arg9[%add3A_51, %dma_start3A] : memref<10240x128xf32, #tpu.memory_space<vmem_shared>> -> memref<64x128xf32, #tpu.memory_space<vmem_shared>>
      %dma_start3A_59 = arith.constant 0 : i32
      %dma_start3A_60 = tpu.memref_slice %arg9[%add3A_51, %dma_start3A_59] : memref<10240x128xf32, #tpu.memory_space<vmem_shared>> -> memref<64x128xf32, #tpu.memory_space<vmem_shared>>
      tpu.enqueue_dma source(%dma_start3A_60 : memref<64x128xf32, #tpu.memory_space<vmem_shared>>) target(%arg8 : memref<64x128xf32, #tpu.memory_space<vmem>>) target_semaphore(%run_scoped3A : memref<!tpu.dma_semaphore, #tpu.memory_space<semaphore_mem>>)
      %dma_wait3A = arith.constant 0 : i32
      %dma_wait3A_61 = tpu.memref_slice %arg9[%add3A_51, %dma_wait3A] : memref<10240x128xf32, #tpu.memory_space<vmem_shared>> -> memref<64x128xf32, #tpu.memory_space<vmem_shared>>
      %dma_wait3A_62 = arith.constant 0 : i32
      %dma_wait3A_63 = tpu.memref_slice %arg9[%add3A_51, %dma_wait3A_62] : memref<10240x128xf32, #tpu.memory_space<vmem_shared>> -> memref<64x128xf32, #tpu.memory_space<vmem_shared>>
      tpu.wait_dma2 semaphore(%run_scoped3A : memref<!tpu.dma_semaphore, #tpu.memory_space<semaphore_mem>>) src(%dma_wait3A_63 : memref<64x128xf32, #tpu.memory_space<vmem_shared>>) dst(%arg8 : memref<64x128xf32, #tpu.memory_space<vmem>>)
      tpu.yield
    }) : () -> ()
    "tpu.region"() ({
      %run_scoped3A = tpu.sem_alloc : memref<!tpu.dma_semaphore, #tpu.memory_space<semaphore_mem>>
      %dma_start3A = arith.constant 0 : i32
      %dma_start3A_58 = tpu.memref_slice %arg5[%arg0, %add3A_51, %dma_start3A] : memref<2x10240x128xf32, #tpu.memory_space<hbm>> -> memref<1x64x128xf32, #tpu.memory_space<hbm>>
      %dma_start3A_59 = tpu.memref_squeeze %dma_start3A_58 : memref<1x64x128xf32, #tpu.memory_space<hbm>> -> memref<64x128xf32, #tpu.memory_space<hbm>>
      %dma_start3A_60 = arith.constant 0 : i32
      %dma_start3A_61 = tpu.memref_slice %arg5[%arg0, %add3A_51, %dma_start3A_60] : memref<2x10240x128xf32, #tpu.memory_space<hbm>> -> memref<1x64x128xf32, #tpu.memory_space<hbm>>
      %dma_start3A_62 = tpu.memref_squeeze %dma_start3A_61 : memref<1x64x128xf32, #tpu.memory_space<hbm>> -> memref<64x128xf32, #tpu.memory_space<hbm>>
      tpu.enqueue_dma source(%arg8 : memref<64x128xf32, #tpu.memory_space<vmem>>) target(%dma_start3A_62 : memref<64x128xf32, #tpu.memory_space<hbm>>) target_semaphore(%run_scoped3A : memref<!tpu.dma_semaphore, #tpu.memory_space<semaphore_mem>>)
      %dma_wait3A = arith.constant 0 : i32
      %dma_wait3A_63 = tpu.memref_slice %arg5[%arg0, %add3A_51, %dma_wait3A] : memref<2x10240x128xf32, #tpu.memory_space<hbm>> -> memref<1x64x128xf32, #tpu.memory_space<hbm>>
      %dma_wait3A_64 = tpu.memref_squeeze %dma_wait3A_63 : memref<1x64x128xf32, #tpu.memory_space<hbm>> -> memref<64x128xf32, #tpu.memory_space<hbm>>
      %dma_wait3A_65 = arith.constant 0 : i32
      %dma_wait3A_66 = tpu.memref_slice %arg5[%arg0, %add3A_51, %dma_wait3A_65] : memref<2x10240x128xf32, #tpu.memory_space<hbm>> -> memref<1x64x128xf32, #tpu.memory_space<hbm>>
      %dma_wait3A_67 = tpu.memref_squeeze %dma_wait3A_66 : memref<1x64x128xf32, #tpu.memory_space<hbm>> -> memref<64x128xf32, #tpu.memory_space<hbm>>
      tpu.wait_dma2 semaphore(%run_scoped3A : memref<!tpu.dma_semaphore, #tpu.memory_space<semaphore_mem>>) src(%arg8 : memref<64x128xf32, #tpu.memory_space<vmem>>) dst(%dma_wait3A_67 : memref<64x128xf32, #tpu.memory_space<hbm>>)
      tpu.yield
    }) : () -> ()
    %add3A_52 = arith.constant 448 : i32
    %add3A_53 = arith.addi %mul3A_0, %add3A_52 : i32
    "tpu.region"() ({
      %run_scoped3A = tpu.sem_alloc : memref<!tpu.dma_semaphore, #tpu.memory_space<semaphore_mem>>
      %dma_start3A = arith.constant 0 : i32
      %dma_start3A_58 = tpu.memref_slice %arg9[%add3A_53, %dma_start3A] : memref<10240x128xf32, #tpu.memory_space<vmem_shared>> -> memref<64x128xf32, #tpu.memory_space<vmem_shared>>
      %dma_start3A_59 = arith.constant 0 : i32
      %dma_start3A_60 = tpu.memref_slice %arg9[%add3A_53, %dma_start3A_59] : memref<10240x128xf32, #tpu.memory_space<vmem_shared>> -> memref<64x128xf32, #tpu.memory_space<vmem_shared>>
      tpu.enqueue_dma source(%dma_start3A_60 : memref<64x128xf32, #tpu.memory_space<vmem_shared>>) target(%arg8 : memref<64x128xf32, #tpu.memory_space<vmem>>) target_semaphore(%run_scoped3A : memref<!tpu.dma_semaphore, #tpu.memory_space<semaphore_mem>>)
      %dma_wait3A = arith.constant 0 : i32
      %dma_wait3A_61 = tpu.memref_slice %arg9[%add3A_53, %dma_wait3A] : memref<10240x128xf32, #tpu.memory_space<vmem_shared>> -> memref<64x128xf32, #tpu.memory_space<vmem_shared>>
      %dma_wait3A_62 = arith.constant 0 : i32
      %dma_wait3A_63 = tpu.memref_slice %arg9[%add3A_53, %dma_wait3A_62] : memref<10240x128xf32, #tpu.memory_space<vmem_shared>> -> memref<64x128xf32, #tpu.memory_space<vmem_shared>>
      tpu.wait_dma2 semaphore(%run_scoped3A : memref<!tpu.dma_semaphore, #tpu.memory_space<semaphore_mem>>) src(%dma_wait3A_63 : memref<64x128xf32, #tpu.memory_space<vmem_shared>>) dst(%arg8 : memref<64x128xf32, #tpu.memory_space<vmem>>)
      tpu.yield
    }) : () -> ()
    "tpu.region"() ({
      %run_scoped3A = tpu.sem_alloc : memref<!tpu.dma_semaphore, #tpu.memory_space<semaphore_mem>>
      %dma_start3A = arith.constant 0 : i32
      %dma_start3A_58 = tpu.memref_slice %arg5[%arg0, %add3A_53, %dma_start3A] : memref<2x10240x128xf32, #tpu.memory_space<hbm>> -> memref<1x64x128xf32, #tpu.memory_space<hbm>>
      %dma_start3A_59 = tpu.memref_squeeze %dma_start3A_58 : memref<1x64x128xf32, #tpu.memory_space<hbm>> -> memref<64x128xf32, #tpu.memory_space<hbm>>
      %dma_start3A_60 = arith.constant 0 : i32
      %dma_start3A_61 = tpu.memref_slice %arg5[%arg0, %add3A_53, %dma_start3A_60] : memref<2x10240x128xf32, #tpu.memory_space<hbm>> -> memref<1x64x128xf32, #tpu.memory_space<hbm>>
      %dma_start3A_62 = tpu.memref_squeeze %dma_start3A_61 : memref<1x64x128xf32, #tpu.memory_space<hbm>> -> memref<64x128xf32, #tpu.memory_space<hbm>>
      tpu.enqueue_dma source(%arg8 : memref<64x128xf32, #tpu.memory_space<vmem>>) target(%dma_start3A_62 : memref<64x128xf32, #tpu.memory_space<hbm>>) target_semaphore(%run_scoped3A : memref<!tpu.dma_semaphore, #tpu.memory_space<semaphore_mem>>)
      %dma_wait3A = arith.constant 0 : i32
      %dma_wait3A_63 = tpu.memref_slice %arg5[%arg0, %add3A_53, %dma_wait3A] : memref<2x10240x128xf32, #tpu.memory_space<hbm>> -> memref<1x64x128xf32, #tpu.memory_space<hbm>>
      %dma_wait3A_64 = tpu.memref_squeeze %dma_wait3A_63 : memref<1x64x128xf32, #tpu.memory_space<hbm>> -> memref<64x128xf32, #tpu.memory_space<hbm>>
      %dma_wait3A_65 = arith.constant 0 : i32
      %dma_wait3A_66 = tpu.memref_slice %arg5[%arg0, %add3A_53, %dma_wait3A_65] : memref<2x10240x128xf32, #tpu.memory_space<hbm>> -> memref<1x64x128xf32, #tpu.memory_space<hbm>>
      %dma_wait3A_67 = tpu.memref_squeeze %dma_wait3A_66 : memref<1x64x128xf32, #tpu.memory_space<hbm>> -> memref<64x128xf32, #tpu.memory_space<hbm>>
      tpu.wait_dma2 semaphore(%run_scoped3A : memref<!tpu.dma_semaphore, #tpu.memory_space<semaphore_mem>>) src(%arg8 : memref<64x128xf32, #tpu.memory_space<vmem>>) dst(%dma_wait3A_67 : memref<64x128xf32, #tpu.memory_space<hbm>>)
      tpu.yield
    }) : () -> ()
    %add3A_54 = arith.constant 512 : i32
    %add3A_55 = arith.addi %mul3A_0, %add3A_54 : i32
    "tpu.region"() ({
      %run_scoped3A = tpu.sem_alloc : memref<!tpu.dma_semaphore, #tpu.memory_space<semaphore_mem>>
      %dma_start3A = arith.constant 0 : i32
      %dma_start3A_58 = tpu.memref_slice %arg9[%add3A_55, %dma_start3A] : memref<10240x128xf32, #tpu.memory_space<vmem_shared>> -> memref<64x128xf32, #tpu.memory_space<vmem_shared>>
      %dma_start3A_59 = arith.constant 0 : i32
      %dma_start3A_60 = tpu.memref_slice %arg9[%add3A_55, %dma_start3A_59] : memref<10240x128xf32, #tpu.memory_space<vmem_shared>> -> memref<64x128xf32, #tpu.memory_space<vmem_shared>>
      tpu.enqueue_dma source(%dma_start3A_60 : memref<64x128xf32, #tpu.memory_space<vmem_shared>>) target(%arg8 : memref<64x128xf32, #tpu.memory_space<vmem>>) target_semaphore(%run_scoped3A : memref<!tpu.dma_semaphore, #tpu.memory_space<semaphore_mem>>)
      %dma_wait3A = arith.constant 0 : i32
      %dma_wait3A_61 = tpu.memref_slice %arg9[%add3A_55, %dma_wait3A] : memref<10240x128xf32, #tpu.memory_space<vmem_shared>> -> memref<64x128xf32, #tpu.memory_space<vmem_shared>>
      %dma_wait3A_62 = arith.constant 0 : i32
      %dma_wait3A_63 = tpu.memref_slice %arg9[%add3A_55, %dma_wait3A_62] : memref<10240x128xf32, #tpu.memory_space<vmem_shared>> -> memref<64x128xf32, #tpu.memory_space<vmem_shared>>
      tpu.wait_dma2 semaphore(%run_scoped3A : memref<!tpu.dma_semaphore, #tpu.memory_space<semaphore_mem>>) src(%dma_wait3A_63 : memref<64x128xf32, #tpu.memory_space<vmem_shared>>) dst(%arg8 : memref<64x128xf32, #tpu.memory_space<vmem>>)
      tpu.yield
    }) : () -> ()
    "tpu.region"() ({
      %run_scoped3A = tpu.sem_alloc : memref<!tpu.dma_semaphore, #tpu.memory_space<semaphore_mem>>
      %dma_start3A = arith.constant 0 : i32
      %dma_start3A_58 = tpu.memref_slice %arg5[%arg0, %add3A_55, %dma_start3A] : memref<2x10240x128xf32, #tpu.memory_space<hbm>> -> memref<1x64x128xf32, #tpu.memory_space<hbm>>
      %dma_start3A_59 = tpu.memref_squeeze %dma_start3A_58 : memref<1x64x128xf32, #tpu.memory_space<hbm>> -> memref<64x128xf32, #tpu.memory_space<hbm>>
      %dma_start3A_60 = arith.constant 0 : i32
      %dma_start3A_61 = tpu.memref_slice %arg5[%arg0, %add3A_55, %dma_start3A_60] : memref<2x10240x128xf32, #tpu.memory_space<hbm>> -> memref<1x64x128xf32, #tpu.memory_space<hbm>>
      %dma_start3A_62 = tpu.memref_squeeze %dma_start3A_61 : memref<1x64x128xf32, #tpu.memory_space<hbm>> -> memref<64x128xf32, #tpu.memory_space<hbm>>
      tpu.enqueue_dma source(%arg8 : memref<64x128xf32, #tpu.memory_space<vmem>>) target(%dma_start3A_62 : memref<64x128xf32, #tpu.memory_space<hbm>>) target_semaphore(%run_scoped3A : memref<!tpu.dma_semaphore, #tpu.memory_space<semaphore_mem>>)
      %dma_wait3A = arith.constant 0 : i32
      %dma_wait3A_63 = tpu.memref_slice %arg5[%arg0, %add3A_55, %dma_wait3A] : memref<2x10240x128xf32, #tpu.memory_space<hbm>> -> memref<1x64x128xf32, #tpu.memory_space<hbm>>
      %dma_wait3A_64 = tpu.memref_squeeze %dma_wait3A_63 : memref<1x64x128xf32, #tpu.memory_space<hbm>> -> memref<64x128xf32, #tpu.memory_space<hbm>>
      %dma_wait3A_65 = arith.constant 0 : i32
      %dma_wait3A_66 = tpu.memref_slice %arg5[%arg0, %add3A_55, %dma_wait3A_65] : memref<2x10240x128xf32, #tpu.memory_space<hbm>> -> memref<1x64x128xf32, #tpu.memory_space<hbm>>
      %dma_wait3A_67 = tpu.memref_squeeze %dma_wait3A_66 : memref<1x64x128xf32, #tpu.memory_space<hbm>> -> memref<64x128xf32, #tpu.memory_space<hbm>>
      tpu.wait_dma2 semaphore(%run_scoped3A : memref<!tpu.dma_semaphore, #tpu.memory_space<semaphore_mem>>) src(%arg8 : memref<64x128xf32, #tpu.memory_space<vmem>>) dst(%dma_wait3A_67 : memref<64x128xf32, #tpu.memory_space<hbm>>)
      tpu.yield
    }) : () -> ()
    %add3A_56 = arith.constant 576 : i32
    %add3A_57 = arith.addi %mul3A_0, %add3A_56 : i32
    "tpu.region"() ({
      %run_scoped3A = tpu.sem_alloc : memref<!tpu.dma_semaphore, #tpu.memory_space<semaphore_mem>>
      %dma_start3A = arith.constant 0 : i32
      %dma_start3A_58 = tpu.memref_slice %arg9[%add3A_57, %dma_start3A] : memref<10240x128xf32, #tpu.memory_space<vmem_shared>> -> memref<64x128xf32, #tpu.memory_space<vmem_shared>>
      %dma_start3A_59 = arith.constant 0 : i32
      %dma_start3A_60 = tpu.memref_slice %arg9[%add3A_57, %dma_start3A_59] : memref<10240x128xf32, #tpu.memory_space<vmem_shared>> -> memref<64x128xf32, #tpu.memory_space<vmem_shared>>
      tpu.enqueue_dma source(%dma_start3A_60 : memref<64x128xf32, #tpu.memory_space<vmem_shared>>) target(%arg8 : memref<64x128xf32, #tpu.memory_space<vmem>>) target_semaphore(%run_scoped3A : memref<!tpu.dma_semaphore, #tpu.memory_space<semaphore_mem>>)
      %dma_wait3A = arith.constant 0 : i32
      %dma_wait3A_61 = tpu.memref_slice %arg9[%add3A_57, %dma_wait3A] : memref<10240x128xf32, #tpu.memory_space<vmem_shared>> -> memref<64x128xf32, #tpu.memory_space<vmem_shared>>
      %dma_wait3A_62 = arith.constant 0 : i32
      %dma_wait3A_63 = tpu.memref_slice %arg9[%add3A_57, %dma_wait3A_62] : memref<10240x128xf32, #tpu.memory_space<vmem_shared>> -> memref<64x128xf32, #tpu.memory_space<vmem_shared>>
      tpu.wait_dma2 semaphore(%run_scoped3A : memref<!tpu.dma_semaphore, #tpu.memory_space<semaphore_mem>>) src(%dma_wait3A_63 : memref<64x128xf32, #tpu.memory_space<vmem_shared>>) dst(%arg8 : memref<64x128xf32, #tpu.memory_space<vmem>>)
      tpu.yield
    }) : () -> ()
    "tpu.region"() ({
      %run_scoped3A = tpu.sem_alloc : memref<!tpu.dma_semaphore, #tpu.memory_space<semaphore_mem>>
      %dma_start3A = arith.constant 0 : i32
      %dma_start3A_58 = tpu.memref_slice %arg5[%arg0, %add3A_57, %dma_start3A] : memref<2x10240x128xf32, #tpu.memory_space<hbm>> -> memref<1x64x128xf32, #tpu.memory_space<hbm>>
      %dma_start3A_59 = tpu.memref_squeeze %dma_start3A_58 : memref<1x64x128xf32, #tpu.memory_space<hbm>> -> memref<64x128xf32, #tpu.memory_space<hbm>>
      %dma_start3A_60 = arith.constant 0 : i32
      %dma_start3A_61 = tpu.memref_slice %arg5[%arg0, %add3A_57, %dma_start3A_60] : memref<2x10240x128xf32, #tpu.memory_space<hbm>> -> memref<1x64x128xf32, #tpu.memory_space<hbm>>
      %dma_start3A_62 = tpu.memref_squeeze %dma_start3A_61 : memref<1x64x128xf32, #tpu.memory_space<hbm>> -> memref<64x128xf32, #tpu.memory_space<hbm>>
      tpu.enqueue_dma source(%arg8 : memref<64x128xf32, #tpu.memory_space<vmem>>) target(%dma_start3A_62 : memref<64x128xf32, #tpu.memory_space<hbm>>) target_semaphore(%run_scoped3A : memref<!tpu.dma_semaphore, #tpu.memory_space<semaphore_mem>>)
      %dma_wait3A = arith.constant 0 : i32
      %dma_wait3A_63 = tpu.memref_slice %arg5[%arg0, %add3A_57, %dma_wait3A] : memref<2x10240x128xf32, #tpu.memory_space<hbm>> -> memref<1x64x128xf32, #tpu.memory_space<hbm>>
      %dma_wait3A_64 = tpu.memref_squeeze %dma_wait3A_63 : memref<1x64x128xf32, #tpu.memory_space<hbm>> -> memref<64x128xf32, #tpu.memory_space<hbm>>
      %dma_wait3A_65 = arith.constant 0 : i32
      %dma_wait3A_66 = tpu.memref_slice %arg5[%arg0, %add3A_57, %dma_wait3A_65] : memref<2x10240x128xf32, #tpu.memory_space<hbm>> -> memref<1x64x128xf32, #tpu.memory_space<hbm>>
      %dma_wait3A_67 = tpu.memref_squeeze %dma_wait3A_66 : memref<1x64x128xf32, #tpu.memory_space<hbm>> -> memref<64x128xf32, #tpu.memory_space<hbm>>
      tpu.wait_dma2 semaphore(%run_scoped3A : memref<!tpu.dma_semaphore, #tpu.memory_space<semaphore_mem>>) src(%arg8 : memref<64x128xf32, #tpu.memory_space<vmem>>) dst(%dma_wait3A_67 : memref<64x128xf32, #tpu.memory_space<hbm>>)
      tpu.yield
    }) : () -> ()
    return
  }
}

module attributes {stable_mosaic.version = 14 : i64} {
  func.func @_prep_body(%arg0: i32, %arg1: i32, %arg2: memref<1000x128xf32, #tpu.memory_space<vmem>>, %arg3: memref<1x1x128xf32, #tpu.memory_space<vmem>>, %arg4: memref<1x1x128xf32, #tpu.memory_space<vmem>>, %arg5: memref<1x128x128xf32, #tpu.memory_space<vmem>>, %arg6: memref<1x1x128xf32, #tpu.memory_space<vmem>>, %arg7: memref<1x1000x128xf32, #tpu.memory_space<vmem>>, %arg8: memref<1x1000x128xf32, #tpu.memory_space<vmem>>) attributes {dimension_semantics = [#tpu.dimension_semantics<arbitrary>, #tpu.dimension_semantics<arbitrary>], iteration_bounds = array<i64: 2, 10>, scalar_prefetch = 0 : i64, scratch_operands = 0 : i64, tpu.core_type = #tpu.core_type<tc>, window_params = [{transform_indices = @transform_0, window_bounds = array<i64: 1000, 128>}, {transform_indices = @transform_1, window_bounds = array<i64: 1, 1, 128>}, {transform_indices = @transform_2, window_bounds = array<i64: 1, 1, 128>}, {transform_indices = @transform_3, window_bounds = array<i64: 1, 128, 128>}, {transform_indices = @transform_4, window_bounds = array<i64: 1, 1, 128>}, {transform_indices = @transform_5, window_bounds = array<i64: 1, 1000, 128>}, {transform_indices = @transform_6, window_bounds = array<i64: 1, 1000, 128>}]} {
    %get3A = arith.constant 0 : index
    %get3A_0 = arith.constant 0 : index
    %get3A_1 = vector.load %arg2[%get3A, %get3A_0] : memref<1000x128xf32, #tpu.memory_space<vmem>>, vector<1000x128xf32>
    %reduce_sum3A = arith.constant dense<0.000000e+00> : vector<1000xf32>
    %reduce_sum3A_2 = vector.multi_reduction <add>, %get3A_1, %reduce_sum3A [1] : vector<1000x128xf32> to vector<1000xf32>
    %broadcast_in_dim3A = vector.shape_cast %reduce_sum3A_2 : vector<1000xf32> to vector<1000x1xf32>
    %div3A = arith.constant 1.280000e+02 : f32
    %div3A_3 = vector.broadcast %div3A : f32 to vector<1000x1xf32>
    %div3A_4 = arith.divf %broadcast_in_dim3A, %div3A_3 : vector<1000x1xf32>
    %sub3A = vector.broadcast %div3A_4 : vector<1000x1xf32> to vector<1000x128xf32>
    %sub3A_5 = arith.subf %get3A_1, %sub3A : vector<1000x128xf32>
    %mul3A = arith.mulf %sub3A_5, %sub3A_5 : vector<1000x128xf32>
    %reduce_sum3A_6 = arith.constant dense<0.000000e+00> : vector<1000xf32>
    %reduce_sum3A_7 = vector.multi_reduction <add>, %mul3A, %reduce_sum3A_6 [1] : vector<1000x128xf32> to vector<1000xf32>
    %broadcast_in_dim3A_8 = vector.shape_cast %reduce_sum3A_7 : vector<1000xf32> to vector<1000x1xf32>
    %div3A_9 = arith.constant 1.280000e+02 : f32
    %div3A_10 = vector.broadcast %div3A_9 : f32 to vector<1000x1xf32>
    %div3A_11 = arith.divf %broadcast_in_dim3A_8, %div3A_10 : vector<1000x1xf32>
    %add3A = arith.constant 9.99999974E-6 : f32
    %add3A_12 = vector.broadcast %add3A : f32 to vector<1000x1xf32>
    %add3A_13 = arith.addf %div3A_11, %add3A_12 : vector<1000x1xf32>
    %rsqrt3A = math.rsqrt %add3A_13 : vector<1000x1xf32>
    %mul3A_14 = vector.broadcast %rsqrt3A : vector<1000x1xf32> to vector<1000x128xf32>
    %mul3A_15 = arith.mulf %sub3A_5, %mul3A_14 : vector<1000x128xf32>
    %get3A_16 = arith.constant 0 : index
    %get3A_17 = arith.constant 0 : index
    %get3A_18 = arith.constant 0 : index
    %get3A_19 = vector.load %arg3[%get3A_16, %get3A_17, %get3A_18] : memref<1x1x128xf32, #tpu.memory_space<vmem>>, vector<1x1x128xf32>
    %get3A_20 = vector.shape_cast %get3A_19 : vector<1x1x128xf32> to vector<1x128xf32>
    %mul3A_21 = vector.broadcast %get3A_20 : vector<1x128xf32> to vector<1000x128xf32>
    %mul3A_22 = arith.mulf %mul3A_15, %mul3A_21 : vector<1000x128xf32>
    %get3A_23 = arith.constant 0 : index
    %get3A_24 = arith.constant 0 : index
    %get3A_25 = arith.constant 0 : index
    %get3A_26 = vector.load %arg4[%get3A_23, %get3A_24, %get3A_25] : memref<1x1x128xf32, #tpu.memory_space<vmem>>, vector<1x1x128xf32>
    %get3A_27 = vector.shape_cast %get3A_26 : vector<1x1x128xf32> to vector<1x128xf32>
    %add3A_28 = vector.broadcast %get3A_27 : vector<1x128xf32> to vector<1000x128xf32>
    %add3A_29 = arith.addf %mul3A_22, %add3A_28 : vector<1000x128xf32>
    %swap3A = arith.constant 0 : index
    %swap3A_30 = arith.constant 0 : index
    %swap3A_31 = arith.constant 0 : index
    %swap3A_32 = vector.load %arg7[%swap3A, %swap3A_30, %swap3A_31] : memref<1x1000x128xf32, #tpu.memory_space<vmem>>, vector<1x1000x128xf32>
    %swap3A_33 = vector.shape_cast %swap3A_32 : vector<1x1000x128xf32> to vector<1000x128xf32>
    %swap3A_34 = vector.shape_cast %add3A_29 : vector<1000x128xf32> to vector<1x1000x128xf32>
    tpu.vector_store %arg7[%swap3A, %swap3A_30, %swap3A_31], %swap3A_34 {strides = array<i32>} : memref<1x1000x128xf32, #tpu.memory_space<vmem>>, vector<1x1000x128xf32>,
    %get3A_35 = arith.constant 0 : index
    %get3A_36 = arith.constant 0 : index
    %get3A_37 = arith.constant 0 : index
    %get3A_38 = vector.load %arg5[%get3A_35, %get3A_36, %get3A_37] : memref<1x128x128xf32, #tpu.memory_space<vmem>>, vector<1x128x128xf32>
    %get3A_39 = vector.shape_cast %get3A_38 : vector<1x128x128xf32> to vector<128x128xf32>
    %dot_general3A = arith.constant dense<0.000000e+00> : vector<1000x128xf32>
    %dot_general3A_40 = tpu.matmul %add3A_29, %get3A_39, %dot_general3A {dimension_numbers = #tpu.dot_dimension_numbers<[1], [0], [0], [1], [0, 0, 1, 1], [], []>, precision = #tpu.contract_precision<fp32>, transpose_lhs_hint = false} : vector<1000x128xf32>, vector<128x128xf32>, vector<1000x128xf32> -> vector<1000x128xf32>
    %get3A_41 = arith.constant 0 : index
    %get3A_42 = arith.constant 0 : index
    %get3A_43 = arith.constant 0 : index
    %get3A_44 = vector.load %arg6[%get3A_41, %get3A_42, %get3A_43] : memref<1x1x128xf32, #tpu.memory_space<vmem>>, vector<1x1x128xf32>
    %get3A_45 = vector.shape_cast %get3A_44 : vector<1x1x128xf32> to vector<1x128xf32>
    %add3A_46 = vector.broadcast %get3A_45 : vector<1x128xf32> to vector<1000x128xf32>
    %add3A_47 = arith.addf %dot_general3A_40, %add3A_46 : vector<1000x128xf32>
    %swap3A_48 = arith.constant 0 : index
    %swap3A_49 = arith.constant 0 : index
    %swap3A_50 = arith.constant 0 : index
    %swap3A_51 = vector.load %arg8[%swap3A_48, %swap3A_49, %swap3A_50] : memref<1x1000x128xf32, #tpu.memory_space<vmem>>, vector<1x1000x128xf32>
    %swap3A_52 = vector.shape_cast %swap3A_51 : vector<1x1000x128xf32> to vector<1000x128xf32>
    %swap3A_53 = vector.shape_cast %add3A_47 : vector<1000x128xf32> to vector<1x1000x128xf32>
    tpu.vector_store %arg8[%swap3A_48, %swap3A_49, %swap3A_50], %swap3A_53 {strides = array<i32>} : memref<1x1000x128xf32, #tpu.memory_space<vmem>>, vector<1x1000x128xf32>,
    return
  }
  func.func @transform_0(%arg0: i32, %arg1: i32) -> (i32, i32) {
    %c0_i32 = arith.constant 0 : i32
    %c0_i32_0 = arith.constant 0 : i32
    return %arg1, %c0_i32 : i32, i32
  }
  func.func @transform_1(%arg0: i32, %arg1: i32) -> (i32, i32, i32) {
    %c0_i32 = arith.constant 0 : i32
    %c0_i32_0 = arith.constant 0 : i32
    %c0_i32_1 = arith.constant 0 : i32
    return %arg0, %c0_i32, %c0_i32_0 : i32, i32, i32
  }
  func.func @transform_2(%arg0: i32, %arg1: i32) -> (i32, i32, i32) {
    %c0_i32 = arith.constant 0 : i32
    %c0_i32_0 = arith.constant 0 : i32
    %c0_i32_1 = arith.constant 0 : i32
    return %arg0, %c0_i32, %c0_i32_0 : i32, i32, i32
  }
  func.func @transform_3(%arg0: i32, %arg1: i32) -> (i32, i32, i32) {
    %c0_i32 = arith.constant 0 : i32
    %c0_i32_0 = arith.constant 0 : i32
    %c0_i32_1 = arith.constant 0 : i32
    return %arg0, %c0_i32, %c0_i32_0 : i32, i32, i32
  }
  func.func @transform_4(%arg0: i32, %arg1: i32) -> (i32, i32, i32) {
    %c0_i32 = arith.constant 0 : i32
    %c0_i32_0 = arith.constant 0 : i32
    %c0_i32_1 = arith.constant 0 : i32
    return %arg0, %c0_i32, %c0_i32_0 : i32, i32, i32
  }
  func.func @transform_5(%arg0: i32, %arg1: i32) -> (i32, i32, i32) {
    %c0_i32 = arith.constant 0 : i32
    %c0_i32_0 = arith.constant 0 : i32
    return %arg0, %arg1, %c0_i32 : i32, i32, i32
  }
  func.func @transform_6(%arg0: i32, %arg1: i32) -> (i32, i32, i32) {
    %c0_i32 = arith.constant 0 : i32
    %c0_i32_0 = arith.constant 0 : i32
    return %arg0, %arg1, %c0_i32 : i32, i32, i32
  }
}

module attributes {stable_mosaic.version = 14 : i64} {
  func.func @_post_body(%arg0: i32, %arg1: memref<1000x128xf32, #tpu.memory_space<vmem>>, %arg2: memref<1x1000x128xf32, #tpu.memory_space<vmem>>, %arg3: memref<1x1000x128xf32, #tpu.memory_space<vmem>>, %arg4: memref<1x1000x128xf32, #tpu.memory_space<vmem>>, %arg5: memref<1x1000x128xf32, #tpu.memory_space<vmem>>, %arg6: memref<1x1000x1xf32, #tpu.memory_space<vmem>>, %arg7: memref<1x1000x1xf32, #tpu.memory_space<vmem>>, %arg8: memref<128x128xf32, #tpu.memory_space<vmem>>, %arg9: memref<128x128xf32, #tpu.memory_space<vmem>>, %arg10: memref<1000x128xf32, #tpu.memory_space<vmem>>) attributes {dimension_semantics = [#tpu.dimension_semantics<arbitrary>], iteration_bounds = array<i64: 10>, scalar_prefetch = 0 : i64, scratch_operands = 0 : i64, tpu.core_type = #tpu.core_type<tc>, window_params = [{transform_indices = @transform_0, window_bounds = array<i64: 1000, 128>}, {transform_indices = @transform_1, window_bounds = array<i64: 1, 1000, 128>}, {transform_indices = @transform_2, window_bounds = array<i64: 1, 1000, 128>}, {transform_indices = @transform_3, window_bounds = array<i64: 1, 1000, 128>}, {transform_indices = @transform_4, window_bounds = array<i64: 1, 1000, 128>}, {transform_indices = @transform_5, window_bounds = array<i64: 1, 1000, 1>}, {transform_indices = @transform_6, window_bounds = array<i64: 1, 1000, 1>}, {pipeline_mode = #tpu.pipeline_mode<synchronous>, transform_indices = @transform_7, window_bounds = array<i64: 128, 128>}, {pipeline_mode = #tpu.pipeline_mode<synchronous>, transform_indices = @transform_8, window_bounds = array<i64: 128, 128>}, {transform_indices = @transform_9, window_bounds = array<i64: 1000, 128>}]} {
    %get3A = arith.constant 0 : index
    %get3A_0 = arith.constant 0 : index
    %get3A_1 = arith.constant 0 : index
    %get3A_2 = vector.load %arg6[%get3A, %get3A_0, %get3A_1] : memref<1x1000x1xf32, #tpu.memory_space<vmem>>, vector<1x1000x1xf32>
    %get3A_3 = vector.shape_cast %get3A_2 : vector<1x1000x1xf32> to vector<1000x1xf32>
    %max3A = arith.constant 1.000000e+00 : f32
    %max3A_4 = vector.broadcast %max3A : f32 to vector<1000x1xf32>
    %max3A_5 = arith.maximumf %get3A_3, %max3A_4 : vector<1000x1xf32>
    %get3A_6 = arith.constant 0 : index
    %get3A_7 = arith.constant 0 : index
    %get3A_8 = arith.constant 0 : index
    %get3A_9 = vector.load %arg7[%get3A_6, %get3A_7, %get3A_8] : memref<1x1000x1xf32, #tpu.memory_space<vmem>>, vector<1x1000x1xf32>
    %get3A_10 = vector.shape_cast %get3A_9 : vector<1x1000x1xf32> to vector<1000x1xf32>
    %max3A_11 = arith.constant 1.000000e+00 : f32
    %max3A_12 = vector.broadcast %max3A_11 : f32 to vector<1000x1xf32>
    %max3A_13 = arith.maximumf %get3A_10, %max3A_12 : vector<1000x1xf32>
    %get3A_14 = arith.constant 0 : index
    %get3A_15 = arith.constant 0 : index
    %get3A_16 = arith.constant 0 : index
    %get3A_17 = vector.load %arg4[%get3A_14, %get3A_15, %get3A_16] : memref<1x1000x128xf32, #tpu.memory_space<vmem>>, vector<1x1000x128xf32>
    %get3A_18 = vector.shape_cast %get3A_17 : vector<1x1000x128xf32> to vector<1000x128xf32>
    %div3A = vector.broadcast %max3A_5 : vector<1000x1xf32> to vector<1000x128xf32>
    %div3A_19 = arith.divf %get3A_18, %div3A : vector<1000x128xf32>
    %get3A_20 = arith.constant 0 : index
    %get3A_21 = arith.constant 0 : index
    %get3A_22 = arith.constant 0 : index
    %get3A_23 = vector.load %arg5[%get3A_20, %get3A_21, %get3A_22] : memref<1x1000x128xf32, #tpu.memory_space<vmem>>, vector<1x1000x128xf32>
    %get3A_24 = vector.shape_cast %get3A_23 : vector<1x1000x128xf32> to vector<1000x128xf32>
    %div3A_25 = vector.broadcast %max3A_13 : vector<1000x1xf32> to vector<1000x128xf32>
    %div3A_26 = arith.divf %get3A_24, %div3A_25 : vector<1000x128xf32>
    %get3A_27 = arith.constant 0 : index
    %get3A_28 = arith.constant 0 : index
    %get3A_29 = arith.constant 0 : index
    %get3A_30 = vector.load %arg2[%get3A_27, %get3A_28, %get3A_29] : memref<1x1000x128xf32, #tpu.memory_space<vmem>>, vector<1x1000x128xf32>
    %get3A_31 = vector.shape_cast %get3A_30 : vector<1x1000x128xf32> to vector<1000x128xf32>
    %get3A_32 = arith.constant 0 : index
    %get3A_33 = arith.constant 0 : index
    %get3A_34 = vector.load %arg8[%get3A_32, %get3A_33] : memref<128x128xf32, #tpu.memory_space<vmem>>, vector<128x128xf32>
    %dot_general3A = arith.constant dense<0.000000e+00> : vector<1000x128xf32>
    %dot_general3A_35 = tpu.matmul %div3A_19, %get3A_34, %dot_general3A {dimension_numbers = #tpu.dot_dimension_numbers<[1], [0], [0], [1], [0, 0, 1, 1], [], []>, precision = #tpu.contract_precision<fp32>, transpose_lhs_hint = false} : vector<1000x128xf32>, vector<128x128xf32>, vector<1000x128xf32> -> vector<1000x128xf32>
    %add3A = arith.addf %get3A_31, %dot_general3A_35 : vector<1000x128xf32>
    %max3A_36 = arith.constant 0.000000e+00 : f32
    %max3A_37 = vector.broadcast %max3A_36 : f32 to vector<1000x128xf32>
    %max3A_38 = arith.maximumf %add3A, %max3A_37 : vector<1000x128xf32>
    %get3A_39 = arith.constant 0 : index
    %get3A_40 = arith.constant 0 : index
    %get3A_41 = arith.constant 0 : index
    %get3A_42 = vector.load %arg3[%get3A_39, %get3A_40, %get3A_41] : memref<1x1000x128xf32, #tpu.memory_space<vmem>>, vector<1x1000x128xf32>
    %get3A_43 = vector.shape_cast %get3A_42 : vector<1x1000x128xf32> to vector<1000x128xf32>
    %get3A_44 = arith.constant 0 : index
    %get3A_45 = arith.constant 0 : index
    %get3A_46 = vector.load %arg9[%get3A_44, %get3A_45] : memref<128x128xf32, #tpu.memory_space<vmem>>, vector<128x128xf32>
    %dot_general3A_47 = arith.constant dense<0.000000e+00> : vector<1000x128xf32>
    %dot_general3A_48 = tpu.matmul %div3A_26, %get3A_46, %dot_general3A_47 {dimension_numbers = #tpu.dot_dimension_numbers<[1], [0], [0], [1], [0, 0, 1, 1], [], []>, precision = #tpu.contract_precision<fp32>, transpose_lhs_hint = false} : vector<1000x128xf32>, vector<128x128xf32>, vector<1000x128xf32> -> vector<1000x128xf32>
    %add3A_49 = arith.addf %get3A_43, %dot_general3A_48 : vector<1000x128xf32>
    %max3A_50 = arith.constant 0.000000e+00 : f32
    %max3A_51 = vector.broadcast %max3A_50 : f32 to vector<1000x128xf32>
    %max3A_52 = arith.maximumf %add3A_49, %max3A_51 : vector<1000x128xf32>
    %get3A_53 = arith.constant 0 : index
    %get3A_54 = arith.constant 0 : index
    %get3A_55 = vector.load %arg1[%get3A_53, %get3A_54] : memref<1000x128xf32, #tpu.memory_space<vmem>>, vector<1000x128xf32>
    %add3A_56 = arith.addf %get3A_55, %max3A_38 : vector<1000x128xf32>
    %add3A_57 = arith.addf %add3A_56, %max3A_52 : vector<1000x128xf32>
    %swap3A = arith.constant 0 : index
    %swap3A_58 = arith.constant 0 : index
    %swap3A_59 = vector.load %arg10[%swap3A, %swap3A_58] : memref<1000x128xf32, #tpu.memory_space<vmem>>, vector<1000x128xf32>
    tpu.vector_store %arg10[%swap3A, %swap3A_58], %add3A_57 {strides = array<i32>} : memref<1000x128xf32, #tpu.memory_space<vmem>>, vector<1000x128xf32>,
    return
  }
  func.func @transform_0(%arg0: i32) -> (i32, i32) {
    %c0_i32 = arith.constant 0 : i32
    %c0_i32_0 = arith.constant 0 : i32
    return %arg0, %c0_i32 : i32, i32
  }
  func.func @transform_1(%arg0: i32) -> (i32, i32, i32) {
    %c0_i32 = arith.constant 0 : i32
    %c0_i32_0 = arith.constant 0 : i32
    %c0_i32_1 = arith.constant 0 : i32
    return %c0_i32, %arg0, %c0_i32_0 : i32, i32, i32
  }
  func.func @transform_2(%arg0: i32) -> (i32, i32, i32) {
    %c1_i32 = arith.constant 1 : i32
    %c0_i32 = arith.constant 0 : i32
    %c0_i32_0 = arith.constant 0 : i32
    return %c1_i32, %arg0, %c0_i32 : i32, i32, i32
  }
  func.func @transform_3(%arg0: i32) -> (i32, i32, i32) {
    %c0_i32 = arith.constant 0 : i32
    %c0_i32_0 = arith.constant 0 : i32
    %c0_i32_1 = arith.constant 0 : i32
    return %c0_i32, %arg0, %c0_i32_0 : i32, i32, i32
  }
  func.func @transform_4(%arg0: i32) -> (i32, i32, i32) {
    %c1_i32 = arith.constant 1 : i32
    %c0_i32 = arith.constant 0 : i32
    %c0_i32_0 = arith.constant 0 : i32
    return %c1_i32, %arg0, %c0_i32 : i32, i32, i32
  }
  func.func @transform_5(%arg0: i32) -> (i32, i32, i32) {
    %c0_i32 = arith.constant 0 : i32
    %c0_i32_0 = arith.constant 0 : i32
    %c0_i32_1 = arith.constant 0 : i32
    return %c0_i32, %arg0, %c0_i32_0 : i32, i32, i32
  }
  func.func @transform_6(%arg0: i32) -> (i32, i32, i32) {
    %c1_i32 = arith.constant 1 : i32
    %c0_i32 = arith.constant 0 : i32
    %c0_i32_0 = arith.constant 0 : i32
    return %c1_i32, %arg0, %c0_i32 : i32, i32, i32
  }
  func.func @transform_7(%arg0: i32) -> (i32, i32) {
    %c0_i32 = arith.constant 0 : i32
    %c0_i32_0 = arith.constant 0 : i32
    %c0_i32_1 = arith.constant 0 : i32
    return %c0_i32, %c0_i32_0 : i32, i32
  }
  func.func @transform_8(%arg0: i32) -> (i32, i32) {
    %c0_i32 = arith.constant 0 : i32
    %c0_i32_0 = arith.constant 0 : i32
    %c0_i32_1 = arith.constant 0 : i32
    return %c0_i32, %c0_i32_0 : i32, i32
  }
  func.func @transform_9(%arg0: i32) -> (i32, i32) {
    %c0_i32 = arith.constant 0 : i32
    %c0_i32_0 = arith.constant 0 : i32
    return %arg0, %c0_i32 : i32, i32
  }
}

</mosaic_0001>

<sc_bundles>
// kernel: kernel.5.cloned.1.call-start
scs
__scs_entry_jumppad:
0x0: {  	(pc) =	sbr.rel $0x88, $3  }
0x1: {  	(tag) =	ssettag $0x0;
	lr =	simm.s32 $0x1  }
0x2: {  	[smem:$0x3F95] =	sst lr;
	_ =	strace $0xD0000000  }
0x3: {  	_ = 	snop  }
0x4: {  	_ = 	snop  }
0x5: {  	_ = 	snop  }
0x6: {  	_ = 	snop  }
0x7: {  	_ = 	snop  }
__scs_overlays_trampoline_lowered:
0x8: {  	[smem:$0x3FA4] =	sst s0  }
0x9: {  	[smem:$0x3FA5] =	sst s1  }
0xa: {  	[smem:$0x3FA6] =	sst s2  }
0xb: {  	[smem:$0x3FA7] =	sst s3  }
0xc: {  	[smem:$0x3FA8] =	sst s4  }
0xd: {  	[smem:$0x3FA9] =	sst s5  }
0xe: {  	[smem:$0x3FAA] =	sst s6  }
0xf: {  	[smem:$0x3FAB] =	sst s7  }
0x10: {  	[smem:$0x3FAC] =	sst s8  }
0x11: {  	[smem:$0x3FAD] =	sst s9;
	s0 =	simm.s32 @!p0 $0x0  }
0x12: {  	s1 =	sld [smem:$0x3F93];
	s0 =	simm.s32 @p0 $0x1  }
0x13: {  	[smem:$0x3FAE] =	sst s0;
	s0 =	simm.s32 @!p1 $0x0  }
0x14: {  	s2 =	sld [smem:$0x3F92];
	s0 =	simm.s32 @p1 $0x1  }
0x15: {  	[smem:$0x3FAF] =	sst s0;
	s0 =	simm.s32 @!p2 $0x0  }
0x16: {  	s3 =	sld [smem:$0x3FDB];
	s0 =	simm.s32 @p2 $0x1  }
0x17: {  	s4 =	simm.s32 $0x1BF5;
	[smem:$0x3FB1] =	sst s0  }
0x18: {  	s0 =	sld [smem:$0x3F94];
	_ =	swait.ge [sflag:s4], $0x0  }
0x19: {  	s7 =	sld [smem:$0x3F95]  }
0x1a: {  	s8 =	sadd.s32 $0xFFFFE003, lr  }
0x1b: {  	s9 =	sadd.s32 $0xFFFFFEF7, lr;
	s5 =	simm.s32 $0xFFFFFFFF;
	p2 =	slt.u32 s8, $0xFFFFF086  }
0x1c: {  	p1 =	slt.u32 s9, $0xF7A;
	s5 =	simm.s32 @!p2 $0x0  }
0x1d: {  	s5 =	simm.s32 @p1 $0x1;
	p0 =	seq.s32 s7, s2  }
0x1e: {  	s7 =	smul.u32 @!p0 $0xF7A, s2;
	p2 =	seq.s32 @!p0 s5, $0x0  }
0x1f: {  	s9 =	smul.u32 $0xF7A, s1;
	s8 =	simm.s32 @!p0 $0x1BF5;
	p2 =	por !p2, p0  }
0x20: {  	[sflag:s8] =	ssyncset.s32 @!p0 $0xFFFFF086;
	s6 =	sadd.s32 @!p0 s3, s7;
	s7 =	simm.s32 @!p0 $0x108  }
0x21: {  	s3 =	sadd.s32 s3, s9;
	s6 =	sadd.s32 @!p0 $0x88, s6;
	s7 =	simm.s32 @p2 $0x1082  }
0x22: {  	[simem:s7], [sflag:s8] =	dma.local @!p0 [hbm:s6], $0xF7A  }
0x23: {  	s9 =	sor.u32 $0xD0000000, s2;
	s6 =	simm.s32 $0x108;
	_ =	swait.ge @!p0 [sflag:s8], $0x0  }
0x24: {  	s3 =	sadd.s32 $0x88, s3;
	s6 =	simm.s32 @!p1 $0x1082;
	[sflag:s4] =	ssyncset.s32 $0xFFFFF086  }
0x25: {  	[simem:s6], [sflag:s4] =	dma.local [hbm:s3], $0xF7A  }
0x26: {  	[smem:$0x3F95] =	sst s1;
	(tag) =	ssettag s2;
	_ =	strace s9  }
0x27: {  	s1 =	sld [smem:$0x3FA5]  }
0x28: {  	s2 =	sld [smem:$0x3FA6]  }
0x29: {  	s4 =	sld [smem:$0x3FA8]  }
0x2a: {  	p0 =	seq.s32 s5, $0x0;
	s5 =	sld [smem:$0x3FA9]  }
0x2b: {  	s6 =	sld [smem:$0x3FAA]  }
0x2c: {  	s7 =	sld [smem:$0x3FAB]  }
0x2d: {  	s3 =	simm.s32 $0x108;
	s8 =	sld [smem:$0x3FAC]  }
0x2e: {  	s3 =	simm.s32 @!p0 $0x1082;
	s9 =	sld [smem:$0x3FAD]  }
0x2f: {  	lr =	sadd.s32 s0, s3;
	s0 =	sld [smem:$0x3FA4]  }
0x30: {  	s3 =	sld [smem:$0x3FA7]  }
0x31: {  	[smem:$0x3FB0] =	sst s10  }
0x32: {  	s10 =	sld [smem:$0x3FAE];
	_ =	sdelay $0x3  }
0x33: {  	p0 =	seq.s32 s10, $0x1;
	s10 =	sld [smem:$0x3FB0];
	_ =	sdelay $0x3  }
0x34: {  	[smem:$0x3FB0] =	sst s10  }
0x35: {  	s10 =	sld [smem:$0x3FAF];
	_ =	sdelay $0x3  }
0x36: {  	p1 =	seq.s32 s10, $0x1;
	s10 =	sld [smem:$0x3FB0];
	_ =	sdelay $0x3  }
0x37: {  	[smem:$0x3FB0] =	sst s10  }
0x38: {  	s10 =	sld [smem:$0x3FB1]  }
0x39: {  	_ = 	snop;
	(pc) =	sbr.ind lr, $3  }
0x3a: {  	_ = 	snop  }
0x3b: {  	_ = 	snop  }
0x3c: {  	p2 =	seq.s32 s10, $0x1;
	s10 =	sld [smem:$0x3FB0]  }
0x3d: {  	_ =	shalt  }
0x3e: {  	_ =	shalt  }
0x3f: {  	_ =	shalt  }
0x40: {  	_ =	shalt  }
0x41: {  	_ =	shalt  }
0x42: {  	_ =	shalt  }
0x43: {  	_ =	shalt  }
0x44: {  	_ =	shalt  }
0x45: {  	_ =	shalt  }
0x46: {  	_ =	shalt  }
0x47: {  	_ =	shalt  }
0x48: {  	_ =	shalt  }
0x49: {  	_ =	shalt  }
0x4a: {  	_ =	shalt  }
0x4b: {  	_ =	shalt  }
0x4c: {  	_ =	shalt  }
0x4d: {  	_ =	shalt  }
0x4e: {  	_ =	shalt  }
0x4f: {  	_ =	shalt  }
0x50: {  	_ =	shalt  }
0x51: {  	_ =	shalt  }
0x52: {  	_ =	shalt  }
0x53: {  	_ =	shalt  }
0x54: {  	_ =	shalt  }
0x55: {  	_ =	shalt  }
0x56: {  	_ =	shalt  }
0x57: {  	_ =	shalt  }
0x58: {  	_ =	shalt  }
0x59: {  	_ =	shalt  }
0x5a: {  	_ =	shalt  }
0x5b: {  	_ =	shalt  }
0x5c: {  	_ =	shalt  }
0x5d: {  	_ =	shalt  }
0x5e: {  	_ =	shalt  }
0x5f: {  	_ =	shalt  }
0x60: {  	_ =	shalt  }
0x61: {  	_ =	shalt  }
0x62: {  	_ =	shalt  }
0x63: {  	_ =	shalt  }
0x64: {  	_ =	shalt  }
0x65: {  	_ =	shalt  }
0x66: {  	_ =	shalt  }
0x67: {  	_ =	shalt  }
0x68: {  	_ =	shalt  }
0x69: {  	_ =	shalt  }
0x6a: {  	_ =	shalt  }
0x6b: {  	_ =	shalt  }
0x6c: {  	_ =	shalt  }
0x6d: {  	_ =	shalt  }
0x6e: {  	_ =	shalt  }
0x6f: {  	_ =	shalt  }
0x70: {  	_ =	shalt  }
0x71: {  	_ =	shalt  }
0x72: {  	_ =	shalt  }
0x73: {  	_ =	shalt  }
0x74: {  	_ =	shalt  }
0x75: {  	_ =	shalt  }
0x76: {  	_ =	shalt  }
0x77: {  	_ =	shalt  }
0x78: {  	_ =	shalt  }
0x79: {  	_ =	shalt  }
0x7a: {  	_ =	shalt  }
0x7b: {  	_ =	shalt  }
0x7c: {  	_ =	shalt  }
0x7d: {  	_ =	shalt  }
0x7e: {  	_ =	shalt  }
0x7f: {  	_ =	shalt  }
0x80: {  	_ =	shalt  }
0x81: {  	_ =	shalt  }
0x82: {  	_ =	shalt  }
0x83: {  	_ =	shalt  }
0x84: {  	_ =	shalt  }
0x85: {  	_ =	shalt  }
0x86: {  	_ =	shalt  }
0x87: {  	_ =	shalt  }
.Lfunc_end0:
.L_simem_size_0:
called_computation.2_lowered:
.L_overlay_start_0:
0x88: {  	s2 =	sld [smem:$0x3FD9]  }
0x89: {  	s3 =	sld [smem:$0x3FFE];
	_ =	sdelay $0x1  }
0x8a: {  	s1 =	srdreg.scid  }
0x8b: {  	s0 =	sand.u32 $0x1, s1  }
0x8c: {  	s17 =	sshll.u32 s0, $0xA;
	s2 =	sadd.s32 s3, s2  }
0x8d: {  	s2 =	sadd.s32 s2, s17  }
0x8e: {  	[smem:$0x3FBC] =	sst s2  }
0x8f: {  	_ = 	snop  }
0x90: {  	s18 =	sld [smem:$0x3FD0];
	(tm) =	ssettm $0x1  }
0x91: {  	s19 =	sld [smem:$0x3FFB];
	_ =	sdelay $0x3  }
0x92: {  	_ =	strace s19  }
0x93: {  	s2 =	sld [smem:$0x3FFC];
	_ =	sdelay $0x3  }
0x94: {  	_ =	strace s2  }
0x95: {  	s2 =	sld [smem:$0x3FFD];
	_ =	sdelay $0x3  }
0x96: {  	_ =	strace s2  }
0x97: {  	_ =	strace $0x8FFFFFFF  }
0x98: {  	s20 =	sld [smem:$0x3FDB];
	_ =	sdelay $0x1  }
0x99: {  	s4 =	simm.s32 $_scs_section_size  }
0x9a: {  	s5 =	simm.s32 $_size__tile_overlayer_lowered;
	s6 =	simm.s32 $_tile_overlayer_lowered  }
0x9b: {  	s7 =	simm.s32 $0x1BFF;
	s21 =	sshll.u32 s6, $0x1;
	s4 =	sadd.s32 s4, s20  }
0x9c: {  	s22 =	simm.s32 $0x0;
	s5 =	sshll.u32 s5, $0x1;
	s6 =	sadd.s32 s21, s4  }
0x9d: {  	[timem:s22], [sflag:s7] =	dma.local [hbm:s6], s5  }
0x9e: {  	_ =	swait.ge [sflag:s7], s5  }
0x9f: {  	s5 =	ssub.s32 $0x0, s5;
	[sflag:s7] =	ssyncset.done $0x0  }
0xa0: {  	[sflag:s7] =	ssyncadd.s32 s5;
	_ =	sdelay $0x1  }
0xa1: {  	s23 =	simm.s32 $0x1B8B  }
0xa2: {  	_ =	swait.ge [sflag:s23], $0x1  }
0xa3: {  	[sflag:s23] =	ssyncset.done $0x0  }
0xa4: {  	[sflag:s23] =	ssyncadd.s32 $0xFFFFFFFF  }
0xa5: {  	s5 =	sld [smem:$0x0]  }
0xa6: {  	s6 =	sand.u32 $0xFFFFFFFE, s1  }
0xa7: {  	p0 =	sne.s32 s1, s6  }
0xa8: {  	s6 =	sshll.u32 @p0 s6, $0xE  }
0xa9: {  	s6 =	sadd.s32 @p0 $0x11B8D, s6;
	s7 =	sshll.u32 @p0 s5, $0x11  }
0xaa: {  	s6 =	sor.u32 @p0 s7, s6  }
0xab: {  	[sflag:s6] =	ssyncadd.remote.s32 @p0 $0x1;
	_ =	sdelay $0x1  }
0xac: {  	s6 =	simm.s32 @p0 $0x1B8D  }
0xad: {  	_ =	swait.eq @p0 [sflag:s6], $0x1  }
0xae: {  	[sflag:s6] =	ssyncadd.s32 @p0 $0xFFFFFFFF  }
0xaf: {  	s7 =	sshll.u32 @!p0 s1, $0xE  }
0xb0: {  	s7 =	sor.u32 @!p0 $0x4000, s7;
	s6 =	simm.s32 @!p0 $0x1B8D  }
0xb1: {  	s5 =	sshll.u32 @!p0 s5, $0x11;
	s7 =	sadd.s32 @!p0 $0x11B8D, s7;
	_ =	swait.eq @!p0 [sflag:s6], $0x1  }
0xb2: {  	s5 =	sor.u32 @!p0 s5, s7;
	[sflag:s6] =	ssyncadd.s32 @!p0 $0xFFFFFFFF  }
0xb3: {  	s25 =	simm.s32 $0x1B8E;
	s24 =	sld [smem:$0x3FFE];
	[sflag:s5] =	ssyncadd.remote.s32 @!p0 $0x1  }
0xb4: {  	s26 =	simm.s32 $execute0_lowered;
	[smem:$0x3FD2] =	sst s25  }
0xb5: {  	s6 =	sshll.u32 s26, $0x1;
	_ =	strace $0x80000052;
	[dreg:$0x1] =	wrdreg $0xFFFFFFFF  }
0xb6: {  	s28 =	simm.s32 $_size_execute0_lowered;
	s4 =	sadd.s32 s4, s6;
	[dreg:$0x0] =	wrdreg $0x0  }
0xb7: {  	s6 =	sshll.u32 s28, $0x1;
	[dreg:$0x2] =	wrdreg s4  }
0xb8: {  	[dreg:$0x3] =	wrdreg s6  }
0xb9: {  	[dreg:$0x4] =	wrdreg $0xC0  }
0xba: {  	_ =	task [dreg:s22], $0x5FFFF  }
0xbb: {  	[dreg:$0x1] =	wrdreg $0xFFFFFFFF  }
0xbc: {  	[dreg:$0x0] =	wrdreg $0x60  }
0xbd: {  	[dreg:$0x2] =	wrdreg s24  }
0xbe: {  	[dreg:$0x3] =	wrdreg s18  }
0xbf: {  	[dreg:$0x4] =	wrdreg $0x21000  }
0xc0: {  	[dreg:$0x5] =	wrdreg $0xD  }
0xc1: {  	_ =	task.clear_ibuf [dreg:s22], $0x6FFFF;
	_ =	strace $0x90000052  }
0xc2: {  	s29 =	simm.s32 $0xD;
	_ =	strace $0x80000054  }
0xc3: {  	_ =	swait.ge [sflag:s29], $0x1  }
0xc4: {  	[sflag:s29] =	ssyncadd.s32 $0xFFFFFFFF  }
0xc5: {  	_ =	strace $0x90000054  }
0xc6: {  	_ =	sfence  }
0xc7: {  	s30 =	sld [smem:$0x0];
	_ =	sdelay $0x2  }
0xc8: {  	s31 =	sshll.u32 s1, $0xD;
	s1 =	sshrl.u32 s1, $0x2  }
0xc9: {  	s4 =	sand.u32 $0x4000, s31;
	s1 =	sadd.s32 s1, s30  }
0xca: {  	s0 =	sor.u32 s4, s0;
	s1 =	sshll.u32 s1, $0x11  }
0xcb: {  	s0 =	sor.u32 s1, s0  }
0xcc: {  	s0 =	sadd.s32 $0x8F2B, s0  }
0xcd: {  	[sflag:s0] =	ssyncadd.remote.s32 $0x1  }
0xce: {  	_ =	sfence.sel $0xFFFF  }
0xcf: {  	[dreg:$0x0] =	wrdreg $0xFFFFFFFF;
	(pc) =	sbr.abs _section_cstart, $3  }
0xd0: {  	[dreg:$0x1] =	wrdreg $0xFFFFFFFF  }
0xd1: {  	_ =	task.clear_ibuf [dreg:s22], $0x2FFFF;
	_ =	strace $0x9FFFFFFF  }
0xd2: {  	(tm) =	ssettm $0x7FFFFFFF  }
0xd3: {  	_ =	shalt  }
tec
execute0_lowered:
.L_overlay_start_1:
0x0: {  	(tag) =	ssettag $0x1  }
0x1: {  	s0 =	srdreg.scid  }
0x2: {  	s2 =	rddreg [dreg:$0x0];
	s13 =	stileid.u32  }
0x3: {  	s4 =	rddreg [dreg:$0x1];
	s1 =	simm.s32 $0x0;
	s29 =	simm.s32 $0x100  }
0x4: {  	s30 =	simm.s32 $0x2;
	s31 =	simm.s32 $0x80;
	s5 =	smul.u32 $0x4E40, s13  }
0x5: {  	s0 =	sand.u32 $0x1, s0;
	[smem:$0x7FF] =	sst s1;
	s7 =	smul.u32 $0x14000, s13  }
0x6: {  	s9 =	sadd.s32 $0xEE600, s2;
	s3 =	smul.u32 $0x4E400, s0;
	s6 =	ssub.s32 $0x2, s0  }
0x7: {  	s0 =	smul.u32 $0x140000, s0;
	s26 =	sshrl.u32 s6, $0x1;
	s17 =	sor.u32 $0x2000, s7  }
0x8: {  	s18 =	sadd.s32 $0x4000, s7;
	s19 =	sadd.s32 $0x6000, s7;
	s20 =	sadd.s32 $0x8000, s7  }
0x9: {  	s21 =	sadd.s32 $0xA000, s7;
	s22 =	sadd.s32 $0xC000, s7;
	s23 =	sadd.s32 $0xE000, s7  }
0xa: {  	s24 =	sadd.s32 $0x10000, s7;
	s25 =	sadd.s32 $0x12000, s7;
	s3 =	sadd.s32 s5, s3  }
0xb: {  	s26 =	ssub.s32 s6, s26;
	s7 =	sadd.s32 s7, s0;
	s8 =	sadd.s32 s0, s17  }
0xc: {  	s10 =	sadd.s32 s0, s18;
	s14 =	sadd.s32 s0, s19;
	s15 =	sadd.s32 s0, s20  }
0xd: {  	s16 =	sadd.s32 s0, s21;
	s3 =	sshrl.u32 s3, $0x3;
	s5 =	sshrl.u32 s7, $0x3  }
0xe: {  	s6 =	sshrl.u32 s8, $0x3;
	s12 =	sshrl.u32 s10, $0x3;
	s7 =	sshrl.u32 s16, $0x3  }
0xf: {  	s10 =	sadd.s32 s0, s23;
	s16 =	smul.u32 $0x50000, s13;
	s26 =	smax.u32 s26, $0x1  }
0x10: {  	s5 =	sadd.s32 s9, s5;
	s11 =	sadd.s32 s9, s6;
	s6 =	sshrl.u32 s15, $0x3  }
0x11: {  	s8 =	sadd.s32 s9, s7;
	s10 =	sshrl.u32 s10, $0x3;
	[dreg:$0x4] =	wrdreg s5  }
0x12: {  	s15 =	sadd.s32 $0xA0400, s2;
	[dreg:$0x5] =	wrdreg s11;
	s5 =	sadd.s32 s9, s12  }
0x13: {  	s6 =	sadd.s32 s9, s6;
	[dreg:$0x9] =	wrdreg s8;
	s8 =	sadd.s32 s0, s22  }
0x14: {  	s11 =	sadd.s32 s0, s24;
	s10 =	sadd.s32 s9, s10;
	s12 =	rddreg [dreg:$0x2]  }
0x15: {  	s0 =	sadd.s32 s0, s25;
	s16 =	sshrl.u32 s16, $0x2;
	[dreg:$0x6] =	wrdreg s5  }
0x16: {  	s5 =	sshrl.u32 s14, $0x3;
	[dreg:$0x8] =	wrdreg s6;
	s8 =	sshrl.u32 s8, $0x3  }
0x17: {  	s11 =	sshrl.u32 s11, $0x3;
	s0 =	sshrl.u32 s0, $0x3;
	s14 =	sadd.s32 s3, s4  }
0x18: {  	s16 =	sadd.s32 s16, s12;
	s17 =	sadd.s32 s17, s12;
	s18 =	sadd.s32 s18, s12  }
0x19: {  	s19 =	sadd.s32 s19, s12;
	s20 =	sadd.s32 s20, s12;
	s21 =	sadd.s32 s21, s12  }
0x1a: {  	s22 =	sadd.s32 s22, s12;
	s23 =	sadd.s32 s23, s12;
	s24 =	sadd.s32 s24, s12  }
0x1b: {  	s25 =	sadd.s32 s25, s12;
	s5 =	sadd.s32 s9, s5;
	s8 =	sadd.s32 s9, s8  }
0x1c: {  	s11 =	sadd.s32 s9, s11;
	s13 =	sadd.s32 s9, s0;
	s9 =	sadd.s32 s3, s2  }
0x1d: {  	s0 =	simm.s32 $0x1;
	s2 =	simm.s32 $0x0;
	[dreg:$0x7] =	wrdreg s5  }
0x1e: {  	v0 =	vimm.f32 $0.0e+00;
	s28 =	sadd.s32 $0x3E800, s9;
	s9 =	simm.s32 $0x40;
	_ =	strace $0x80000053  }
.LBB2_1:
0x1f: {  	s3 =	simm.s32 $0x0;
	s4 =	simm.s32 $0x200  }
.LBB2_2:
0x20: {  	p0 =	sne.s32 s4, $0x7E00;
	[tilespmem:s3+$0x170] =	vst v0  }
0x21: {  	[tilespmem:s3+$0x100] =	vst v0  }
0x22: {  	[tilespmem:s3+$0x110] =	vst v0  }
.Ltmp0:
0x23: {  	[tilespmem:s3+$0x120] =	vst v0;
	(pc) =	sbr.rel @p0 .LBB2_2-.Ltmp0, $4  }
0x24: {  	[tilespmem:s3+$0x130] =	vst v0  }
0x25: {  	[tilespmem:s3+$0x140] =	vst v0  }
0x26: {  	[tilespmem:s3+$0x150] =	vst v0  }
0x27: {  	[tilespmem:s3+$0x160] =	vst v0;
	s3 =	sshra.s32 s4, $0x2;
	s4 =	sadd.s32 $0x200, s4  }
0x28: {  	[tilespmem:s3+$0x170] =	vst v0  }
0x29: {  	[tilespmem:s3+$0x100] =	vst v0  }
0x2a: {  	[tilespmem:s3+$0x110] =	vst v0  }
0x2b: {  	[tilespmem:s3+$0x120] =	vst v0  }
0x2c: {  	[tilespmem:s3+$0x130] =	vst v0  }
0x2d: {  	[tilespmem:s3+$0x140] =	vst v0  }
0x2e: {  	[tilespmem:s3+$0x150] =	vst v0  }
0x2f: {  	[tilespmem:s3+$0x160] =	vst v0  }
0x30: {  	[spmem:s16] =	stream.linear.scatter [tilespmem:s29], [sflag:$0x2], $0x2000, $0x38;
	[tilespmem:$0x16100] =	vst v63  }
0x31: {  	_ =	swait.ge [sflag:s30], $0x2000  }
0x32: {  	[sflag:s30] =	ssyncset.done $0x0  }
0x33: {  	[sflag:s30] =	ssyncadd.s32 $0xFFFFE000  }
0x34: {  	[spmem:s17] =	stream.linear.scatter [tilespmem:s29], [sflag:$0x2], $0x2000, $0x38;
	[tilespmem:$0x16100] =	vst v63  }
0x35: {  	_ =	swait.ge [sflag:s30], $0x2000  }
0x36: {  	[sflag:s30] =	ssyncset.done $0x0  }
0x37: {  	[sflag:s30] =	ssyncadd.s32 $0xFFFFE000  }
0x38: {  	[spmem:s18] =	stream.linear.scatter [tilespmem:s29], [sflag:$0x2], $0x2000, $0x38;
	[tilespmem:$0x16100] =	vst v63  }
0x39: {  	_ =	swait.ge [sflag:s30], $0x2000  }
0x3a: {  	[sflag:s30] =	ssyncset.done $0x0  }
0x3b: {  	[sflag:s30] =	ssyncadd.s32 $0xFFFFE000  }
0x3c: {  	[spmem:s19] =	stream.linear.scatter [tilespmem:s29], [sflag:$0x2], $0x2000, $0x38;
	[tilespmem:$0x16100] =	vst v63  }
0x3d: {  	_ =	swait.ge [sflag:s30], $0x2000  }
0x3e: {  	[sflag:s30] =	ssyncset.done $0x0  }
0x3f: {  	[sflag:s30] =	ssyncadd.s32 $0xFFFFE000  }
0x40: {  	[spmem:s20] =	stream.linear.scatter [tilespmem:s29], [sflag:$0x2], $0x2000, $0x38;
	[tilespmem:$0x16100] =	vst v63  }
0x41: {  	_ =	swait.ge [sflag:s30], $0x2000  }
0x42: {  	[sflag:s30] =	ssyncset.done $0x0  }
0x43: {  	[sflag:s30] =	ssyncadd.s32 $0xFFFFE000  }
0x44: {  	[spmem:s21] =	stream.linear.scatter [tilespmem:s29], [sflag:$0x2], $0x2000, $0x38;
	[tilespmem:$0x16100] =	vst v63  }
0x45: {  	_ =	swait.ge [sflag:s30], $0x2000  }
0x46: {  	[sflag:s30] =	ssyncset.done $0x0  }
0x47: {  	[sflag:s30] =	ssyncadd.s32 $0xFFFFE000  }
0x48: {  	[spmem:s22] =	stream.linear.scatter [tilespmem:s29], [sflag:$0x2], $0x2000, $0x38;
	[tilespmem:$0x16100] =	vst v63  }
0x49: {  	_ =	swait.ge [sflag:s30], $0x2000  }
0x4a: {  	[sflag:s30] =	ssyncset.done $0x0  }
0x4b: {  	[sflag:s30] =	ssyncadd.s32 $0xFFFFE000  }
0x4c: {  	[spmem:s23] =	stream.linear.scatter [tilespmem:s29], [sflag:$0x2], $0x2000, $0x38;
	[tilespmem:$0x16100] =	vst v63  }
0x4d: {  	_ =	swait.ge [sflag:s30], $0x2000  }
0x4e: {  	[sflag:s30] =	ssyncset.done $0x0  }
0x4f: {  	[sflag:s30] =	ssyncadd.s32 $0xFFFFE000  }
0x50: {  	[spmem:s24] =	stream.linear.scatter [tilespmem:s29], [sflag:$0x2], $0x2000, $0x38;
	[tilespmem:$0x16100] =	vst v63  }
0x51: {  	_ =	swait.ge [sflag:s30], $0x2000  }
0x52: {  	[sflag:s30] =	ssyncset.done $0x0  }
0x53: {  	[sflag:s30] =	ssyncadd.s32 $0xFFFFE000  }
0x54: {  	[spmem:s25] =	stream.linear.scatter [tilespmem:s29], [sflag:$0x2], $0x2000, $0x38;
	[tilespmem:$0x16100] =	vst v63  }
0x55: {  	_ =	swait.ge [sflag:s30], $0x2000  }
0x56: {  	[sflag:s30] =	ssyncset.done $0x0  }
0x57: {  	[sflag:s30] =	ssyncadd.s32 $0xFFFFE000  }
0x58: {  	s6 =	sadd.s32 $0x0, s14;
	[bflag:$0x0] =	sbarrier.arrive $0xFFFF  }
0x59: {  	[tilespmem:s1], [sflag:$0x2] =	stream.linear.gather [hbm4b:s6+s1], $0x40, $0x38;
	[tilespmem:$0x16100] =	vst v63  }
0x5a: {  	_ =	swait.ge [sflag:s30], $0x40  }
0x5b: {  	[sflag:s30] =	ssyncset.done $0x0  }
0x5c: {  	s7 =	sadd.s32 $0x0, s28;
	[sflag:s30] =	ssyncadd.s32 $0xFFFFFFC0  }
0x5d: {  	[tilespmem:s31], [sflag:$0x2] =	stream.linear.gather [hbm4b:s7+s1], $0x40, $0x38;
	[tilespmem:$0x16100] =	vst v63  }
0x5e: {  	_ =	swait.ge [sflag:s30], $0x40  }
0x5f: {  	[sflag:s30] =	ssyncset.done $0x0  }
0x60: {  	[sflag:s30] =	ssyncadd.s32 $0xFFFFFFC0  }
0x61: {  	[tilespmem:s29], [sflag:$0x1] =	stream.indirect.gather [hbm4b:s15+s9], $0x80, s1, s9, $0xb8;
	[tilespmem:$0x16100] =	vst v63  }
0x62: {  	_ =	swait.ge [sflag:s0], $0x2000  }
0x63: {  	[sflag:s0] =	ssyncset.done $0x0  }
0x64: {  	[sflag:s0] =	ssyncadd.s32 $0xFFFFE000  }
0x65: {  	[spmem:s12] =	stream.indirect.scatter.add.f32 [tilespmem:s29], [sflag:$0x2], $0x80, s31, s9, $0xb8;
	[tilespmem:$0x16100] =	vst v63  }
0x66: {  	_ =	swait.ge [sflag:s30], $0x2000  }
0x67: {  	s3 =	simm.s32 $0x8;
	s4 =	simm.s32 $0x10;
	[sflag:s30] =	ssyncset.done $0x0  }
.LBB2_4:
0x68: {  	s5 =	sadd.s32 s3, s14  }
0x69: {  	[sflag:s30] =	ssyncadd.s32 $0xFFFFE000;
	s6 =	smov.u32 s4;
	s7 =	sadd.s32 $0x8, s4  }
0x6a: {  	[tilespmem:s1], [sflag:$0x2] =	stream.linear.gather [hbm4b:s5+s1], $0x40, $0x38;
	[tilespmem:$0x16100] =	vst v63  }
0x6b: {  	p0 =	sne.s32 s4, $0x9C0;
	_ =	swait.ge [sflag:s30], $0x40  }
0x6c: {  	[sflag:s30] =	ssyncset.done $0x0  }
0x6d: {  	s4 =	sadd.s32 s3, s28;
	s3 =	smov.u32 s6;
	[sflag:s30] =	ssyncadd.s32 $0xFFFFFFC0  }
0x6e: {  	[tilespmem:s31], [sflag:$0x2] =	stream.linear.gather [hbm4b:s4+s1], $0x40, $0x38;
	[tilespmem:$0x16100] =	vst v63  }
0x6f: {  	_ =	swait.ge [sflag:s30], $0x40  }
0x70: {  	[sflag:s30] =	ssyncset.done $0x0  }
0x71: {  	[sflag:s30] =	ssyncadd.s32 $0xFFFFFFC0  }
0x72: {  	[tilespmem:s29], [sflag:$0x1] =	stream.indirect.gather [hbm4b:s15+s9], $0x80, s1, s9, $0xb8;
	[tilespmem:$0x16100] =	vst v63  }
0x73: {  	_ =	swait.ge [sflag:s0], $0x2000  }
.Ltmp1:
0x74: {  	[sflag:s0] =	ssyncset.done $0x0;
	(pc) =	sbr.rel @p0 .LBB2_4-.Ltmp1, $4  }
0x75: {  	[sflag:s0] =	ssyncadd.s32 $0xFFFFE000  }
0x76: {  	[spmem:s12] =	stream.indirect.scatter.add.f32 [tilespmem:s29], [sflag:$0x2], $0x80, s31, s9, $0xb8;
	[tilespmem:$0x16100] =	vst v63  }
0x77: {  	_ =	swait.ge [sflag:s30], $0x2000  }
0x78: {  	s4 =	smov.u32 s7;
	[sflag:s30] =	ssyncset.done $0x0  }
0x79: {  	s4 =	sadd.s32 s3, s14;
	[sflag:s30] =	ssyncadd.s32 $0xFFFFE000  }
0x7a: {  	[tilespmem:s1], [sflag:$0x2] =	stream.linear.gather [hbm4b:s4+s1], $0x40, $0x38;
	[tilespmem:$0x16100] =	vst v63  }
0x7b: {  	_ =	swait.ge [sflag:s30], $0x40  }
0x7c: {  	[sflag:s30] =	ssyncset.done $0x0  }
0x7d: {  	s5 =	sadd.s32 s3, s28;
	[sflag:s30] =	ssyncadd.s32 $0xFFFFFFC0  }
0x7e: {  	[tilespmem:s31], [sflag:$0x2] =	stream.linear.gather [hbm4b:s5+s1], $0x40, $0x38;
	[tilespmem:$0x16100] =	vst v63  }
0x7f: {  	_ =	swait.ge [sflag:s30], $0x40  }
0x80: {  	[sflag:s30] =	ssyncset.done $0x0  }
0x81: {  	[sflag:s30] =	ssyncadd.s32 $0xFFFFFFC0  }
0x82: {  	[tilespmem:s29], [sflag:$0x1] =	stream.indirect.gather [hbm4b:s15+s9], $0x80, s1, s9, $0xb8;
	[tilespmem:$0x16100] =	vst v63  }
0x83: {  	_ =	swait.ge [sflag:s0], $0x2000  }
0x84: {  	[sflag:s0] =	ssyncset.done $0x0  }
0x85: {  	[sflag:s0] =	ssyncadd.s32 $0xFFFFE000  }
0x86: {  	[spmem:s12] =	stream.indirect.scatter.add.f32 [tilespmem:s29], [sflag:$0x2], $0x80, s31, s9, $0xb8;
	[tilespmem:$0x16100] =	vst v63  }
0x87: {  	_ =	swait.ge [sflag:s30], $0x2000  }
0x88: {  	[sflag:s30] =	ssyncset.done $0x0  }
0x89: {  	[sflag:s30] =	ssyncadd.s32 $0xFFFFE000  }
0x8a: {  	[bflag:$0x0] =	sbarrier.arrive $0xFFFF  }
0x8b: {  	[tilespmem:s29], [sflag:$0x2] =	stream.linear.gather [spmem:s16], $0x2000, $0x38;
	[tilespmem:$0x16100] =	vst v63  }
0x8c: {  	_ =	swait.ge [sflag:s30], $0x2000  }
0x8d: {  	[sflag:s30] =	ssyncset.done $0x0  }
0x8e: {  	s6 =	rddreg [dreg:$0x4];
	[sflag:s30] =	ssyncadd.s32 $0xFFFFE000  }
0x8f: {  	[hbm4b:s6+s1] =	stream.linear.scatter [tilespmem:s29], [sflag:$0x2], $0x2000, $0x38;
	[tilespmem:$0x16100] =	vst v63  }
0x90: {  	_ =	swait.ge [sflag:s30], $0x2000  }
0x91: {  	[sflag:s30] =	ssyncset.done $0x0  }
0x92: {  	[sflag:s30] =	ssyncadd.s32 $0xFFFFE000  }
0x93: {  	[tilespmem:s29], [sflag:$0x2] =	stream.linear.gather [spmem:s17], $0x2000, $0x38;
	[tilespmem:$0x16100] =	vst v63  }
0x94: {  	_ =	swait.ge [sflag:s30], $0x2000  }
0x95: {  	[sflag:s30] =	ssyncset.done $0x0  }
0x96: {  	s7 =	rddreg [dreg:$0x5];
	[sflag:s30] =	ssyncadd.s32 $0xFFFFE000  }
0x97: {  	[hbm4b:s7+s1] =	stream.linear.scatter [tilespmem:s29], [sflag:$0x2], $0x2000, $0x38;
	[tilespmem:$0x16100] =	vst v63  }
0x98: {  	_ =	swait.ge [sflag:s30], $0x2000  }
0x99: {  	[sflag:s30] =	ssyncset.done $0x0  }
0x9a: {  	[sflag:s30] =	ssyncadd.s32 $0xFFFFE000  }
0x9b: {  	[tilespmem:s29], [sflag:$0x2] =	stream.linear.gather [spmem:s18], $0x2000, $0x38;
	[tilespmem:$0x16100] =	vst v63  }
0x9c: {  	_ =	swait.ge [sflag:s30], $0x2000  }
0x9d: {  	[sflag:s30] =	ssyncset.done $0x0  }
0x9e: {  	s4 =	rddreg [dreg:$0x6];
	[sflag:s30] =	ssyncadd.s32 $0xFFFFE000  }
0x9f: {  	[hbm4b:s4+s1] =	stream.linear.scatter [tilespmem:s29], [sflag:$0x2], $0x2000, $0x38;
	[tilespmem:$0x16100] =	vst v63  }
0xa0: {  	_ =	swait.ge [sflag:s30], $0x2000  }
0xa1: {  	[sflag:s30] =	ssyncset.done $0x0  }
0xa2: {  	[sflag:s30] =	ssyncadd.s32 $0xFFFFE000  }
0xa3: {  	[tilespmem:s29], [sflag:$0x2] =	stream.linear.gather [spmem:s19], $0x2000, $0x38;
	[tilespmem:$0x16100] =	vst v63  }
0xa4: {  	_ =	swait.ge [sflag:s30], $0x2000  }
0xa5: {  	[sflag:s30] =	ssyncset.done $0x0  }
0xa6: {  	s5 =	rddreg [dreg:$0x7];
	[sflag:s30] =	ssyncadd.s32 $0xFFFFE000  }
0xa7: {  	[hbm4b:s5+s1] =	stream.linear.scatter [tilespmem:s29], [sflag:$0x2], $0x2000, $0x38;
	[tilespmem:$0x16100] =	vst v63  }
0xa8: {  	_ =	swait.ge [sflag:s30], $0x2000  }
0xa9: {  	[sflag:s30] =	ssyncset.done $0x0  }
0xaa: {  	[sflag:s30] =	ssyncadd.s32 $0xFFFFE000  }
0xab: {  	[tilespmem:s29], [sflag:$0x2] =	stream.linear.gather [spmem:s20], $0x2000, $0x38;
	[tilespmem:$0x16100] =	vst v63  }
0xac: {  	_ =	swait.ge [sflag:s30], $0x2000  }
0xad: {  	[sflag:s30] =	ssyncset.done $0x0  }
0xae: {  	s6 =	rddreg [dreg:$0x8];
	[sflag:s30] =	ssyncadd.s32 $0xFFFFE000  }
0xaf: {  	[hbm4b:s6+s1] =	stream.linear.scatter [tilespmem:s29], [sflag:$0x2], $0x2000, $0x38;
	[tilespmem:$0x16100] =	vst v63  }
0xb0: {  	_ =	swait.ge [sflag:s30], $0x2000  }
0xb1: {  	[sflag:s30] =	ssyncset.done $0x0  }
0xb2: {  	[sflag:s30] =	ssyncadd.s32 $0xFFFFE000  }
0xb3: {  	[tilespmem:s29], [sflag:$0x2] =	stream.linear.gather [spmem:s21], $0x2000, $0x38;
	[tilespmem:$0x16100] =	vst v63  }
0xb4: {  	_ =	swait.ge [sflag:s30], $0x2000  }
0xb5: {  	[sflag:s30] =	ssyncset.done $0x0  }
0xb6: {  	s7 =	rddreg [dreg:$0x9];
	[sflag:s30] =	ssyncadd.s32 $0xFFFFE000  }
0xb7: {  	[hbm4b:s7+s1] =	stream.linear.scatter [tilespmem:s29], [sflag:$0x2], $0x2000, $0x38;
	[tilespmem:$0x16100] =	vst v63  }
0xb8: {  	_ =	swait.ge [sflag:s30], $0x2000  }
0xb9: {  	[sflag:s30] =	ssyncset.done $0x0  }
0xba: {  	[sflag:s30] =	ssyncadd.s32 $0xFFFFE000  }
0xbb: {  	[tilespmem:s29], [sflag:$0x2] =	stream.linear.gather [spmem:s22], $0x2000, $0x38;
	[tilespmem:$0x16100] =	vst v63  }
0xbc: {  	_ =	swait.ge [sflag:s30], $0x2000  }
0xbd: {  	[sflag:s30] =	ssyncset.done $0x0  }
0xbe: {  	[sflag:s30] =	ssyncadd.s32 $0xFFFFE000  }
0xbf: {  	[hbm4b:s8+s1] =	stream.linear.scatter [tilespmem:s29], [sflag:$0x2], $0x2000, $0x38;
	[tilespmem:$0x16100] =	vst v63  }
0xc0: {  	_ =	swait.ge [sflag:s30], $0x2000  }
0xc1: {  	[sflag:s30] =	ssyncset.done $0x0  }
0xc2: {  	[sflag:s30] =	ssyncadd.s32 $0xFFFFE000  }
0xc3: {  	[tilespmem:s29], [sflag:$0x2] =	stream.linear.gather [spmem:s23], $0x2000, $0x38;
	[tilespmem:$0x16100] =	vst v63  }
0xc4: {  	_ =	swait.ge [sflag:s30], $0x2000  }
0xc5: {  	[sflag:s30] =	ssyncset.done $0x0  }
0xc6: {  	[sflag:s30] =	ssyncadd.s32 $0xFFFFE000  }
0xc7: {  	[hbm4b:s10+s1] =	stream.linear.scatter [tilespmem:s29], [sflag:$0x2], $0x2000, $0x38;
	[tilespmem:$0x16100] =	vst v63  }
0xc8: {  	_ =	swait.ge [sflag:s30], $0x2000  }
0xc9: {  	[sflag:s30] =	ssyncset.done $0x0  }
0xca: {  	[sflag:s30] =	ssyncadd.s32 $0xFFFFE000  }
0xcb: {  	[tilespmem:s29], [sflag:$0x2] =	stream.linear.gather [spmem:s24], $0x2000, $0x38;
	[tilespmem:$0x16100] =	vst v63  }
0xcc: {  	_ =	swait.ge [sflag:s30], $0x2000  }
0xcd: {  	[sflag:s30] =	ssyncset.done $0x0  }
0xce: {  	[sflag:s30] =	ssyncadd.s32 $0xFFFFE000  }
0xcf: {  	[hbm4b:s11+s1] =	stream.linear.scatter [tilespmem:s29], [sflag:$0x2], $0x2000, $0x38;
	[tilespmem:$0x16100] =	vst v63  }
0xd0: {  	_ =	swait.ge [sflag:s30], $0x2000  }
0xd1: {  	[sflag:s30] =	ssyncset.done $0x0  }
0xd2: {  	[sflag:s30] =	ssyncadd.s32 $0xFFFFE000  }
0xd3: {  	[tilespmem:s29], [sflag:$0x2] =	stream.linear.gather [spmem:s25], $0x2000, $0x38;
	[tilespmem:$0x16100] =	vst v63  }
0xd4: {  	s2 =	sadd.s32 $0x1, s2;
	_ =	swait.ge [sflag:s30], $0x2000  }
0xd5: {  	p0 =	sne.s32 s2, s26;
	[sflag:s30] =	ssyncset.done $0x0  }
.Ltmp2:
0xd6: {  	[sflag:s30] =	ssyncadd.s32 $0xFFFFE000;
	(pc) =	sbr.rel @p0 .LBB2_1-.Ltmp2, $4  }
0xd7: {  	[hbm4b:s13+s1] =	stream.linear.scatter [tilespmem:s29], [sflag:$0x2], $0x2000, $0x38;
	[tilespmem:$0x16100] =	vst v63  }
0xd8: {  	_ =	swait.ge [sflag:s30], $0x2000  }
0xd9: {  	[sflag:s30] =	ssyncset.done $0x0  }
0xda: {  	[sflag:s30] =	ssyncadd.s32 $0xFFFFE000  }
0xdb: {  	_ =	sfence.sel $0x180000  }
0xdc: {  	[bflag:$0x0] =	sbarrier.arrive $0xFFFF  }
0xdd: {  	_ =	strace $0x90000053  }
0xde: {  	s0 =	stileid.u32;
	[bflag:$0x2] =	sbarrier.arrive $0xFFFF  }
0xdf: {  	p0 =	sne.s32 s0, $0x0;
	s0 =	rddreg [dreg:$0x3]  }
0xe0: {  	s0 =	sadd.s32 @!p0 $0x100000, s0  }
0xe1: {  	[sflag:s0] =	ssyncadd.tile.s32 @!p0 $0x1;
	_ =	shalt  }
.Lfunc_end2:
_tile_overlayer_lowered:
.L_overlay_start_2:
0xe2: {  	(tag) =	ssettag $0x2  }
0xe3: {  	s0 =	rddreg [dreg:$0x0];
	s2 =	stileid.u32  }
0xe4: {  	s1 =	rddreg [dreg:$0x1];
	p0 =	sne.s32 s2, $0x0  }
0xe5: {  	s3 =	rddreg [dreg:$0x2];
	[bflag:$0x3] =	sbarrier.arrive $0xFFFF;
	s2 =	simm.s32 @!p0 $0x1C02  }
0xe6: {  	[timem:s3], [sflag:s2] =	dma.local @!p0 [hbm:s0], s1  }
0xe7: {  	s0 =	simm.s32 @!p0 $0x2  }
0xe8: {  	_ =	swait.ge @!p0 [sflag:s0], s1  }
0xe9: {  	s1 =	ssub.s32 @!p0 $0x0, s1;
	[sflag:s0] =	ssyncset.done @!p0 $0x0  }
0xea: {  	[sflag:s0] =	ssyncadd.s32 @!p0 s1  }
0xeb: {  	[bflag:$0x3] =	sbarrier.arrive $0xFFFF  }
0xec: {  	_ =	shalt  }

// kernel: scatter_offload_async_start.1
scs
__scs_entry_jumppad:
0x0: {  	(pc) =	sbr.rel $0x88, $3  }
0x1: {  	(tag) =	ssettag $0x0;
	lr =	simm.s32 $0x1  }
0x2: {  	[smem:$0x3F95] =	sst lr;
	_ =	strace $0xD0000000  }
0x3: {  	_ = 	snop  }
0x4: {  	_ = 	snop  }
0x5: {  	_ = 	snop  }
0x6: {  	_ = 	snop  }
0x7: {  	_ = 	snop  }
__scs_overlays_trampoline_lowered:
0x8: {  	[smem:$0x3FA4] =	sst s0  }
0x9: {  	[smem:$0x3FA5] =	sst s1  }
0xa: {  	[smem:$0x3FA6] =	sst s2  }
0xb: {  	[smem:$0x3FA7] =	sst s3  }
0xc: {  	[smem:$0x3FA8] =	sst s4  }
0xd: {  	[smem:$0x3FA9] =	sst s5  }
0xe: {  	[smem:$0x3FAA] =	sst s6  }
0xf: {  	[smem:$0x3FAB] =	sst s7  }
0x10: {  	[smem:$0x3FAC] =	sst s8  }
0x11: {  	[smem:$0x3FAD] =	sst s9;
	s0 =	simm.s32 @!p0 $0x0  }
0x12: {  	s1 =	sld [smem:$0x3F93];
	s0 =	simm.s32 @p0 $0x1  }
0x13: {  	[smem:$0x3FAE] =	sst s0;
	s0 =	simm.s32 @!p1 $0x0  }
0x14: {  	s2 =	sld [smem:$0x3F92];
	s0 =	simm.s32 @p1 $0x1  }
0x15: {  	[smem:$0x3FAF] =	sst s0;
	s0 =	simm.s32 @!p2 $0x0  }
0x16: {  	s3 =	sld [smem:$0x3FDB];
	s0 =	simm.s32 @p2 $0x1  }
0x17: {  	s4 =	simm.s32 $0x1BF5;
	[smem:$0x3FB1] =	sst s0  }
0x18: {  	s0 =	sld [smem:$0x3F94];
	_ =	swait.ge [sflag:s4], $0x0  }
0x19: {  	s7 =	sld [smem:$0x3F95]  }
0x1a: {  	s8 =	sadd.s32 $0xFFFFE003, lr  }
0x1b: {  	s9 =	sadd.s32 $0xFFFFFEF7, lr;
	s5 =	simm.s32 $0xFFFFFFFF;
	p2 =	slt.u32 s8, $0xFFFFF086  }
0x1c: {  	p1 =	slt.u32 s9, $0xF7A;
	s5 =	simm.s32 @!p2 $0x0  }
0x1d: {  	s5 =	simm.s32 @p1 $0x1;
	p0 =	seq.s32 s7, s2  }
0x1e: {  	s7 =	smul.u32 @!p0 $0xF7A, s2;
	p2 =	seq.s32 @!p0 s5, $0x0  }
0x1f: {  	s9 =	smul.u32 $0xF7A, s1;
	s8 =	simm.s32 @!p0 $0x1BF5;
	p2 =	por !p2, p0  }
0x20: {  	[sflag:s8] =	ssyncset.s32 @!p0 $0xFFFFF086;
	s6 =	sadd.s32 @!p0 s3, s7;
	s7 =	simm.s32 @!p0 $0x108  }
0x21: {  	s3 =	sadd.s32 s3, s9;
	s6 =	sadd.s32 @!p0 $0x88, s6;
	s7 =	simm.s32 @p2 $0x1082  }
0x22: {  	[simem:s7], [sflag:s8] =	dma.local @!p0 [hbm:s6], $0xF7A  }
0x23: {  	s9 =	sor.u32 $0xD0000000, s2;
	s6 =	simm.s32 $0x108;
	_ =	swait.ge @!p0 [sflag:s8], $0x0  }
0x24: {  	s3 =	sadd.s32 $0x88, s3;
	s6 =	simm.s32 @!p1 $0x1082;
	[sflag:s4] =	ssyncset.s32 $0xFFFFF086  }
0x25: {  	[simem:s6], [sflag:s4] =	dma.local [hbm:s3], $0xF7A  }
0x26: {  	[smem:$0x3F95] =	sst s1;
	(tag) =	ssettag s2;
	_ =	strace s9  }
0x27: {  	s1 =	sld [smem:$0x3FA5]  }
0x28: {  	s2 =	sld [smem:$0x3FA6]  }
0x29: {  	s4 =	sld [smem:$0x3FA8]  }
0x2a: {  	p0 =	seq.s32 s5, $0x0;
	s5 =	sld [smem:$0x3FA9]  }
0x2b: {  	s6 =	sld [smem:$0x3FAA]  }
0x2c: {  	s7 =	sld [smem:$0x3FAB]  }
0x2d: {  	s3 =	simm.s32 $0x108;
	s8 =	sld [smem:$0x3FAC]  }
0x2e: {  	s3 =	simm.s32 @!p0 $0x1082;
	s9 =	sld [smem:$0x3FAD]  }
0x2f: {  	lr =	sadd.s32 s0, s3;
	s0 =	sld [smem:$0x3FA4]  }
0x30: {  	s3 =	sld [smem:$0x3FA7]  }
0x31: {  	[smem:$0x3FB0] =	sst s10  }
0x32: {  	s10 =	sld [smem:$0x3FAE];
	_ =	sdelay $0x3  }
0x33: {  	p0 =	seq.s32 s10, $0x1;
	s10 =	sld [smem:$0x3FB0];
	_ =	sdelay $0x3  }
0x34: {  	[smem:$0x3FB0] =	sst s10  }
0x35: {  	s10 =	sld [smem:$0x3FAF];
	_ =	sdelay $0x3  }
0x36: {  	p1 =	seq.s32 s10, $0x1;
	s10 =	sld [smem:$0x3FB0];
	_ =	sdelay $0x3  }
0x37: {  	[smem:$0x3FB0] =	sst s10  }
0x38: {  	s10 =	sld [smem:$0x3FB1]  }
0x39: {  	_ = 	snop;
	(pc) =	sbr.ind lr, $3  }
0x3a: {  	_ = 	snop  }
0x3b: {  	_ = 	snop  }
0x3c: {  	p2 =	seq.s32 s10, $0x1;
	s10 =	sld [smem:$0x3FB0]  }
0x3d: {  	_ =	shalt  }
0x3e: {  	_ =	shalt  }
0x3f: {  	_ =	shalt  }
0x40: {  	_ =	shalt  }
0x41: {  	_ =	shalt  }
0x42: {  	_ =	shalt  }
0x43: {  	_ =	shalt  }
0x44: {  	_ =	shalt  }
0x45: {  	_ =	shalt  }
0x46: {  	_ =	shalt  }
0x47: {  	_ =	shalt  }
0x48: {  	_ =	shalt  }
0x49: {  	_ =	shalt  }
0x4a: {  	_ =	shalt  }
0x4b: {  	_ =	shalt  }
0x4c: {  	_ =	shalt  }
0x4d: {  	_ =	shalt  }
0x4e: {  	_ =	shalt  }
0x4f: {  	_ =	shalt  }
0x50: {  	_ =	shalt  }
0x51: {  	_ =	shalt  }
0x52: {  	_ =	shalt  }
0x53: {  	_ =	shalt  }
0x54: {  	_ =	shalt  }
0x55: {  	_ =	shalt  }
0x56: {  	_ =	shalt  }
0x57: {  	_ =	shalt  }
0x58: {  	_ =	shalt  }
0x59: {  	_ =	shalt  }
0x5a: {  	_ =	shalt  }
0x5b: {  	_ =	shalt  }
0x5c: {  	_ =	shalt  }
0x5d: {  	_ =	shalt  }
0x5e: {  	_ =	shalt  }
0x5f: {  	_ =	shalt  }
0x60: {  	_ =	shalt  }
0x61: {  	_ =	shalt  }
0x62: {  	_ =	shalt  }
0x63: {  	_ =	shalt  }
0x64: {  	_ =	shalt  }
0x65: {  	_ =	shalt  }
0x66: {  	_ =	shalt  }
0x67: {  	_ =	shalt  }
0x68: {  	_ =	shalt  }
0x69: {  	_ =	shalt  }
0x6a: {  	_ =	shalt  }
0x6b: {  	_ =	shalt  }
0x6c: {  	_ =	shalt  }
0x6d: {  	_ =	shalt  }
0x6e: {  	_ =	shalt  }
0x6f: {  	_ =	shalt  }
0x70: {  	_ =	shalt  }
0x71: {  	_ =	shalt  }
0x72: {  	_ =	shalt  }
0x73: {  	_ =	shalt  }
0x74: {  	_ =	shalt  }
0x75: {  	_ =	shalt  }
0x76: {  	_ =	shalt  }
0x77: {  	_ =	shalt  }
0x78: {  	_ =	shalt  }
0x79: {  	_ =	shalt  }
0x7a: {  	_ =	shalt  }
0x7b: {  	_ =	shalt  }
0x7c: {  	_ =	shalt  }
0x7d: {  	_ =	shalt  }
0x7e: {  	_ =	shalt  }
0x7f: {  	_ =	shalt  }
0x80: {  	_ =	shalt  }
0x81: {  	_ =	shalt  }
0x82: {  	_ =	shalt  }
0x83: {  	_ =	shalt  }
0x84: {  	_ =	shalt  }
0x85: {  	_ =	shalt  }
0x86: {  	_ =	shalt  }
0x87: {  	_ =	shalt  }
.Lfunc_end0:
.L_simem_size_0:
called_computation.1_lowered:
.L_overlay_start_0:
0x88: {  	s0 =	sld [smem:$0x3FD9]  }
0x89: {  	s1 =	sld [smem:$0x3FFE];
	_ =	sdelay $0x3  }
0x8a: {  	s0 =	sadd.s32 s1, s0  }
0x8b: {  	[smem:$0x3FBC] =	sst s0  }
0x8c: {  	_ = 	snop  }
0x8d: {  	(tm) =	ssettm $0x1  }
0x8e: {  	s14 =	sld [smem:$0x3FFB];
	_ =	sdelay $0x3  }
0x8f: {  	_ =	strace s14  }
0x90: {  	s0 =	sld [smem:$0x3FFC];
	_ =	sdelay $0x3  }
0x91: {  	_ =	strace s0  }
0x92: {  	s0 =	sld [smem:$0x3FFD];
	_ =	sdelay $0x3  }
0x93: {  	_ =	strace s0  }
0x94: {  	_ =	strace $0x8FFFFFFF  }
0x95: {  	s15 =	sld [smem:$0x3FDB];
	_ =	sdelay $0x1  }
0x96: {  	s16 =	simm.s32 $_scs_section_size  }
0x97: {  	s2 =	simm.s32 $_size__tile_overlayer_lowered;
	s3 =	simm.s32 $_tile_overlayer_lowered  }
0x98: {  	s4 =	simm.s32 $0x1BFF;
	s17 =	sshll.u32 s3, $0x1;
	s1 =	sadd.s32 s16, s15  }
0x99: {  	s18 =	simm.s32 $0x0;
	s2 =	sshll.u32 s2, $0x1;
	s3 =	sadd.s32 s17, s1  }
0x9a: {  	[timem:s18], [sflag:s4] =	dma.local [hbm:s3], s2  }
0x9b: {  	_ =	swait.ge [sflag:s4], s2  }
0x9c: {  	s2 =	ssub.s32 $0x0, s2;
	[sflag:s4] =	ssyncset.done $0x0  }
0x9d: {  	[sflag:s4] =	ssyncadd.s32 s2;
	_ =	sdelay $0x1  }
0x9e: {  	s19 =	simm.s32 $0x1B8B  }
0x9f: {  	_ =	swait.ge [sflag:s19], $0x1  }
0xa0: {  	[sflag:s19] =	ssyncset.done $0x0  }
0xa1: {  	s21 =	simm.s32 $0x1B8E;
	s20 =	sld [smem:$0x3FFE];
	[sflag:s19] =	ssyncadd.s32 $0xFFFFFFFF  }
0xa2: {  	s22 =	simm.s32 $execute0_lowered;
	[smem:$0x3FD2] =	sst s21  }
0xa3: {  	s3 =	sshll.u32 s22, $0x1;
	_ =	strace $0x80000046;
	[dreg:$0x1] =	wrdreg $0xFFFFFFFF  }
0xa4: {  	s23 =	simm.s32 $_size_execute0_lowered;
	s3 =	sadd.s32 s1, s3;
	[dreg:$0x0] =	wrdreg $0x0  }
0xa5: {  	s4 =	sshll.u32 s23, $0x1;
	[dreg:$0x2] =	wrdreg s3  }
0xa6: {  	[dreg:$0x3] =	wrdreg s4  }
0xa7: {  	[dreg:$0x4] =	wrdreg $0xC0  }
0xa8: {  	s24 =	simm.s32 $execute1_lowered;
	_ =	task [dreg:s18], $0x5FFFF  }
0xa9: {  	s3 =	sshll.u32 s24, $0x1;
	[dreg:$0x1] =	wrdreg $0xFFFFFFFF  }
0xaa: {  	s1 =	sadd.s32 s1, s3;
	[dreg:$0x0] =	wrdreg $0x60  }
0xab: {  	[dreg:$0x2] =	wrdreg s1  }
0xac: {  	[dreg:$0x3] =	wrdreg s20  }
0xad: {  	[dreg:$0x4] =	wrdreg $0xB  }
0xae: {  	_ =	task.clear_ibuf [dreg:s18], $0x5FFFF;
	_ =	strace $0x90000046  }
0xaf: {  	s25 =	simm.s32 $0xB;
	_ =	strace $0x80000048  }
0xb0: {  	_ =	swait.ge [sflag:s25], $0x1  }
0xb1: {  	[sflag:s25] =	ssyncadd.s32 $0xFFFFFFFF  }
0xb2: {  	_ =	strace $0x90000048  }
0xb3: {  	_ =	strace $0x80000049;
	[dreg:$0x1] =	wrdreg $0xFFFFFFFF  }
0xb4: {  	[dreg:$0x0] =	wrdreg $0x2030  }
0xb5: {  	[dreg:$0x2] =	wrdreg s20  }
0xb6: {  	[dreg:$0x3] =	wrdreg $0xC  }
0xb7: {  	_ =	task.clear_ibuf [dreg:s18], $0x4FFFF;
	_ =	strace $0x90000049  }
0xb8: {  	s26 =	simm.s32 $0xC;
	_ =	strace $0x8000004B  }
0xb9: {  	_ =	swait.ge [sflag:s26], $0x1  }
0xba: {  	[sflag:s26] =	ssyncadd.s32 $0xFFFFFFFF  }
0xbb: {  	_ =	strace $0x9000004B  }
0xbc: {  	_ =	sfence  }
0xbd: {  	s28 =	sld [smem:$0x0];
	_ =	sdelay $0x1  }
0xbe: {  	s29 =	srdreg.scid  }
0xbf: {  	s30 =	sshll.u32 s29, $0xD;
	s31 =	sshrl.u32 s29, $0x2  }
0xc0: {  	s2 =	sand.u32 $0x1, s29;
	s3 =	sand.u32 $0x4000, s30;
	s1 =	sadd.s32 s31, s28  }
0xc1: {  	s2 =	sor.u32 s3, s2;
	s1 =	sshll.u32 s1, $0x11  }
0xc2: {  	s1 =	sor.u32 s1, s2  }
0xc3: {  	s1 =	sadd.s32 $0x8F2B, s1  }
0xc4: {  	[sflag:s1] =	ssyncadd.remote.s32 $0x1  }
0xc5: {  	_ =	sfence.sel $0xFFFF  }
0xc6: {  	[dreg:$0x0] =	wrdreg $0xFFFFFFFF;
	(pc) =	sbr.abs _section_cstart, $3  }
0xc7: {  	[dreg:$0x1] =	wrdreg $0xFFFFFFFF  }
0xc8: {  	_ =	task.clear_ibuf [dreg:s18], $0x2FFFF;
	_ =	strace $0x9FFFFFFF  }
0xc9: {  	(tm) =	ssettm $0x7FFFFFFF  }
tec
execute0_lowered:
.L_overlay_start_1:
0x0: {  	(tag) =	ssettag $0x1  }
0x1: {  	s2 =	rddreg [dreg:$0x0]  }
0x2: {  	s4 =	rddreg [dreg:$0x1]  }
0x3: {  	s0 =	rddreg [dreg:$0x2];
	s3 =	stileid.u32  }
0x4: {  	[bflag:$0x3] =	sbarrier.arrive $0xFFFF;
	s1 =	simm.s32 $_size_execute1_lowered;
	p0 =	sne.s32 s3, $0x0  }
0x5: {  	s1 =	sshll.u32 s1, $0x1;
	s5 =	simm.s32 @!p0 $0x1C3F;
	s6 =	simm.s32 @!p0 $0x4060  }
0x6: {  	[timem:s6], [sflag:s5] =	dma.local @!p0 [hbm:s2], s1  }
0x7: {  	s2 =	smul.u32 $0x280, s3  }
.Ltmp0:
0x8: {  	s31 =	simm.s32 $0x2;
	s7 =	simm.s32 $0x280;
	(pc) =	sbr.rel .LBB2_1-.Ltmp0, $4  }
0x9: {  	s8 =	simm.s32 $0x780;
	s10 =	simm.s32 $0x0;
	s9 =	simm.s32 $0x0  }
0xa: {  	s3 =	simm.s32 $0x1;
	_ =	strace $0x80000047;
	s30 =	sshrl.u32 s2, $0x3  }
0xb: {  	s6 =	simm.s32 $0x0;
	[sflag:s3] =	ssyncpa.u1 $0x0;
	s5 =	sadd.s32 s30, s4  }
0xc: {  	s4 =	sadd.s32 $0x3DA00, s4;
	[sflag:s31] =	ssyncpa.u1 $0x0;
	s5 =	sadd.s32 $0x3D400, s5  }
.LBB2_8:
0xd: {  	p1 =	seq.s32 s9, $0x2  }
.Ltmp1:
0xe: {  	_ = 	snop;
	(pc) =	sbr.rel @p1 .LBB2_10-.Ltmp1, $1  }
0xf: {  	_ =	sdelay $0x3  }
.LBB2_9:
0x10: {  	s9 =	sadd.s32 $0x1, s9;
	s10 =	smov.u32 s2  }
.LBB2_1:
0x11: {  	p1 =	sne.s32 s9, $0x0  }
.Ltmp2:
0x12: {  	_ = 	snop;
	(pc) =	sbr.rel @!p1 .LBB2_2-.Ltmp2, $1  }
0x13: {  	_ =	sdelay $0x3  }
0x14: {  	s11 =	sand.u32 $0x1, s9  }
0x15: {  	p1 =	seq.s32 s11, $0x0  }
.Ltmp3:
0x16: {  	_ = 	snop;
	(pc) =	sbr.rel @p1 .LBB2_8-.Ltmp3, $1  }
0x17: {  	_ =	sdelay $0x3  }
0x18: {  	_ =	swait.ge [sflag:s3], $0x280  }
0x19: {  	[sflag:s3] =	ssyncset.done $0x0  }
0x1a: {  	s11 =	simm.s32 $0x0;
	p1 =	por $0x1, $0x1;
	[sflag:s3] =	ssyncadd.s32 $0xFFFFFD80  }
.LBB2_5:
0x1b: {  	v0 =	vld [tilespmem:s11+$0x280]  }
0x1c: {  	v1 =	vld [tilespmem:s11+$0x290]  }
0x1d: {  	v2 =	vld [tilespmem:s11+$0x2A0]  }
0x1e: {  	v3 =	vld [tilespmem:s11+$0x2B0]  }
0x1f: {  	v4 =	vld [tilespmem:s11+$0x2C0]  }
0x20: {  	v53 =	vld [tilespmem:s11+$0x2D0];
	[tilespmem:s11+$0x780] =	vst v0  }
0x21: {  	v54 =	vld [tilespmem:s11+$0x2E0];
	[tilespmem:s11+$0x790] =	vst v1  }
0x22: {  	v55 =	vld [tilespmem:s11+$0x2F0];
	[tilespmem:s11+$0x7A0] =	vst v2  }
0x23: {  	v56 =	vld [tilespmem:s11+$0x300];
	[tilespmem:s11+$0x7B0] =	vst v3  }
0x24: {  	v57 =	vld [tilespmem:s11+$0x310];
	[tilespmem:s11+$0x7C0] =	vst v4  }
0x25: {  	v58 =	vld [tilespmem:s11+$0x320];
	[tilespmem:s11+$0x7D0] =	vst v53  }
0x26: {  	v59 =	vld [tilespmem:s11+$0x330];
	[tilespmem:s11+$0x7E0] =	vst v54  }
0x27: {  	v60 =	vld [tilespmem:s11+$0x340];
	[tilespmem:s11+$0x7F0] =	vst v55  }
0x28: {  	v61 =	vld [tilespmem:s11+$0x350];
	[tilespmem:s11+$0x800] =	vst v56  }
0x29: {  	v62 =	vld [tilespmem:s11+$0x360];
	[tilespmem:s11+$0x810] =	vst v57  }
0x2a: {  	v63 =	vld [tilespmem:s11+$0x370];
	p2 =	por p1, p1;
	[tilespmem:s11+$0x820] =	vst v58  }
.Ltmp4:
0x2b: {  	[tilespmem:s11+$0x830] =	vst v59;
	(pc) =	sbr.rel @p2 .LBB2_5-.Ltmp4, $4  }
0x2c: {  	[tilespmem:s11+$0x840] =	vst v60  }
0x2d: {  	[tilespmem:s11+$0x850] =	vst v61  }
0x2e: {  	s12 =	simm.s32 $0x1F0;
	s13 =	simm.s32 $0x980;
	[tilespmem:s11+$0x860] =	vst v62  }
0x2f: {  	s14 =	simm.s32 $0x480;
	p1 =	por $0x0, $0x0;
	[tilespmem:s11+$0x870] =	vst v63;
	s11 =	simm.s32 $0x100  }
.LBB2_6:
0x30: {  	s12 =	sadd.s32 $0x10, s12  }
0x31: {  	v0 =	vld [tilespmem:s14+$0x0];
	p1 =	slt.u32 s12, $0x270  }
.Ltmp5:
0x32: {  	_ = 	snop;
	(pc) =	sbr.rel @p1 .LBB2_6-.Ltmp5, $2  }
0x33: {  	_ =	sdelay $0x2  }
0x34: {  	s14 =	sadd.s32 $0x10, s14;
	[tilespmem:s13+$0x0] =	vst v0;
	s13 =	sadd.s32 $0x10, s13  }
.Ltmp6:
0x35: {  	(pc) =	sbr.rel .LBB2_8-.Ltmp6, $4  }
0x36: {  	_ = 	snop  }
0x37: {  	s10 =	sshrl.u32 s10, $0x3  }
0x38: {  	s10 =	sadd.s32 s4, s10  }
0x39: {  	[hbm4b:s10+s6] =	stream.linear.scatter [tilespmem:s8], [sflag:$0x2], $0x280, $0x38;
	[tilespmem:$0xA00] =	vst v63  }
.LBB2_2:
.Ltmp7:
0x3a: {  	(pc) =	sbr.rel .LBB2_9-.Ltmp7, $2  }
0x3b: {  	_ =	sdelay $0x2  }
0x3c: {  	[tilespmem:s7], [sflag:$0x1] =	stream.linear.gather [hbm4b:s5+s6], $0x280, $0x38;
	[tilespmem:$0xA00] =	vst v63  }
.LBB2_10:
0x3d: {  	s2 =	simm.s32 $0x2  }
0x3e: {  	_ =	swait.ge [sflag:s2], $0x280  }
0x3f: {  	[sflag:s2] =	ssyncset.done $0x0  }
0x40: {  	[sflag:s2] =	ssyncadd.s32 $0xFFFFFD80  }
0x41: {  	_ =	sfence.sel $0x180000  }
0x42: {  	s3 =	simm.s32 $0x1;
	[bflag:$0x0] =	sbarrier.arrive $0xFFFF  }
0x43: {  	[sflag:s3] =	ssyncpa.u1 $0x1  }
0x44: {  	[sflag:s2] =	ssyncpa.u1 $0x1  }
0x45: {  	_ =	strace $0x90000047  }
0x46: {  	s0 =	sadd.s32 @!p0 $0x100000, s0;
	[bflag:$0x2] =	sbarrier.arrive $0xFFFF  }
0x47: {  	[sflag:s0] =	ssyncadd.tile.s32 @!p0 $0x1;
	s0 =	simm.s32 @!p0 $0x3F  }
0x48: {  	_ =	swait.ge @!p0 [sflag:s0], s1  }
0x49: {  	s1 =	ssub.s32 @!p0 $0x0, s1;
	[sflag:s0] =	ssyncset.done @!p0 $0x0  }
0x4a: {  	[sflag:s0] =	ssyncadd.s32 @!p0 s1  }
0x4b: {  	[bflag:$0x3] =	sbarrier.arrive $0xFFFF  }
0x4c: {  	_ =	shalt  }
.Lfunc_end2:
execute1_lowered:
.L_overlay_start_2:
0x4d: {  	(tag) =	ssettag $0x2  }
0x4e: {  	s0 =	rddreg [dreg:$0x0];
	_ =	strace $0x8000004A;
	s15 =	stileid.u32  }
0x4f: {  	s2 =	simm.s32 $0x1;
	s1 =	smin.u32 s15, $0x8;
	s3 =	sshll.u32 s15, $0x1  }
0x50: {  	v1 =	vimm.s32 $0xFFFFFFFF;
	[sflag:s2] =	ssyncpa.u1 $0x0;
	s1 =	sadd.s32 s1, s3  }
0x51: {  	p0 =	slt.u32 s15, $0x8;
	[tilespmem:$0x10] =	vst v1;
	s4 =	smul.u32 $0x1F40, s1;
	s1 =	simm.s32 $0x5DC0  }
0x52: {  	v0 =	vimm.f32 $0.0e+00;
	[tilespmem:$0x20] =	vst v1;
	s1 =	simm.s32 @!p0 $0x3E80  }
0x53: {  	[tilespmem:$0x30] =	vst v0;
	s1 =	sadd.s32 s1, s4  }
0x54: {  	[tilespmem:$0x40] =	vst v0;
	s5 =	smin.u32 s1, $0x4E200  }
0x55: {  	s7 =	simm.s32 $0x2;
	s8 =	simm.s32 $0x8;
	[tilespmem:$0x50] =	vst v0;
	s9 =	ssub.s32 s5, s4  }
0x56: {  	s31 =	simm.s32 $0x9;
	s16 =	simm.s32 $0x0;
	[tilespmem:$0x60] =	vst v1;
	p0 =	sgt.s32 s9, $0x0  }
0x57: {  	s17 =	simm.s32 $0xF0;
	s18 =	simm.s32 $0xFFFFFFFF;
	[tilespmem:$0x70] =	vst v1;
	s9 =	simm.s32 @!p0 $0x0  }
0x58: {  	s19 =	simm.s32 $0xFFFFC280;
	s20 =	simm.s32 $0xFFFFFFFE;
	[tilespmem:$0x80] =	vst v1;
	s30 =	smulhi.u32 $0x10624DD3, s9  }
0x59: {  	s21 =	simm.s32 $0xF;
	s25 =	simm.s32 $0x0;
	s24 =	simm.s32 $0x0;
	v1 =	vimm.s32 $0x0;
	[tilespmem:$0xB0] =	vst v0  }
0x5a: {  	s6 =	sadd.s32 $0x29800, s0;
	s15 =	sshllo.u32 s15, $0x1;
	[tilespmem:$0x90] =	vst v1;
	s10 =	sshrl.u32 s30, $0x9  }
0x5b: {  	[tilespmem:$0xA0] =	vst v1;
	[sflag:s7] =	ssyncpa.u1 $0x0;
	s7 =	simm.s32 $0x7;
	s11 =	smul.u32 $0x1F40, s10  }
.Ltmp8:
0x5c: {  	s13 =	sor.u32 $0x80, s3;
	[sflag:s7] =	ssyncpa.u1 $0x0;
	(pc) =	sbr.rel .LBB3_1-.Ltmp8, $4  }
0x5d: {  	s14 =	sor.u32 $0x81, s3;
	[sflag:s8] =	ssyncpa.u1 $0x0;
	p0 =	sne.s32 s9, s11  }
0x5e: {  	s23 =	smov.u32 s4;
	s1 =	sadd.s32 $0x3DA00, s0;
	s2 =	simm.s32 @!p0 $0x0  }
0x5f: {  	vm0 =	vmmov $0xffff;
	v2 =	vlaneseq.u32;
	[sflag:s31] =	ssyncpa.u1 $0x0;
	s9 =	sadd.s32 $0x33600, s0;
	s10 =	sadd.s32 s2, s10  }
0x60: {  	vm1 =	vmxor vm1, vm1;
	vm2 =	vmmov $0x1;
	vm3 =	vcmask $0x3F3C;
	p0 =	por $0x0, $0x0;
	s11 =	sadd.s32 $0x1, s10;
	s12 =	sadd.s32 $0x2, s10  }
.LBB3_9:
0x61: {  	p1 =	slt.u32 s24, $0x3  }
0x62: {  	s0 =	simm.s32 @!p1 $0x2  }
0x63: {  	_ =	swait.ge @!p1 [sflag:s0], $0x1F40  }
0x64: {  	[sflag:s0] =	ssyncset.done @!p1 $0x0  }
0x65: {  	[sflag:s0] =	ssyncadd.s32 @!p1 $0xFFFFE0C0;
	s0 =	simm.s32 @!p1 $0x9  }
0x66: {  	_ =	swait.ge @!p1 [sflag:s0], $0x10  }
0x67: {  	[sflag:s0] =	ssyncset.done @!p1 $0x0  }
0x68: {  	[sflag:s0] =	ssyncadd.s32 @!p1 $0xFFFFFFF0;
	p1 =	sne.s32 s24, s12  }
.Ltmp9:
0x69: {  	s2 =	sadd.s32 $0x1F40, s23;
	(pc) =	sbr.rel @!p1 .LBB3_10-.Ltmp9, $4  }
0x6a: {  	s22 =	smov.u32 s4;
	s31 =	sadd.s32 $0x1, s24;
	s17 =	sadd.s32 $0x1F40, s17  }
0x6b: {  	s18 =	sadd.s32 $0x1, s18;
	s25 =	smov.u32 s23;
	p2 =	slt.s32 s2, s5  }
0x6c: {  	p0 =	por !p0, !p0;
	s19 =	sadd.s32 $0x1F40, s19;
	s22 =	smov.u32 @p2 s2  }
0x6d: {  	s20 =	sadd.s32 $0x1, s20;
	s23 =	smov.u32 s22;
	s24 =	smov.u32 s31  }
.LBB3_1:
0x6e: {  	p1 =	sge.u32 s24, s10  }
0x6f: {  	s0 =	smulhi.u32 @!p1 $0xAAAAAAAB, s24;
	_ =	sdelay $0x1  }
0x70: {  	s0 =	sshrl.u32 @!p1 s0, $0x1  }
0x71: {  	s0 =	smul.u32 @!p1 $0x3, s0;
	_ =	sdelay $0x1  }
0x72: {  	s0 =	ssub.s32 @!p1 s24, s0  }
0x73: {  	s0 =	smul.u32 @!p1 $0x7D00, s0;
	_ =	sdelay $0x1  }
0x74: {  	s2 =	sshrl.u32 @!p1 s23, $0x3;
	s0 =	sshrl.u32 @!p1 s0, $0x2  }
0x75: {  	s22 =	sand.u32 @!p1 $0x7, s23;
	s2 =	sadd.s32 @!p1 s6, s2;
	s0 =	sadd.s32 @!p1 $0x100, s0  }
0x76: {  	[tilespmem:s0], [sflag:$0x7] =	stream.linear.gather @!p1 [hbm4b:s2+s22], $0x1F40, $0x38;
	[tilespmem:$0x11A60] =	vst v63  }
0x77: {  	s0 =	sadd.s32 $0xFFFFFFFF, s24  }
0x78: {  	p1 =	sge.u32 s0, s10  }
.Ltmp10:
0x79: {  	_ = 	snop;
	(pc) =	sbr.rel @p1 .LBB3_5-.Ltmp10, $1  }
0x7a: {  	_ =	sdelay $0x3  }
0x7b: {  	s2 =	smulhi.u32 $0xAAAAAAAB, s0;
	_ =	sdelay $0x1  }
0x7c: {  	s2 =	sshrl.u32 s2, $0x1  }
0x7d: {  	s2 =	smul.u32 $0x3, s2;
	_ =	sdelay $0x1  }
0x7e: {  	s2 =	ssub.s32 s0, s2  }
0x7f: {  	s2 =	smul.u32 $0x7D00, s2  }
0x80: {  	_ =	swait.ge [sflag:s7], $0x1F40  }
0x81: {  	[sflag:s7] =	ssyncset.done $0x0;
	s2 =	sshrl.u32 s2, $0x2  }
0x82: {  	[sflag:s7] =	ssyncadd.s32 $0xFFFFE0C0;
	(ifvalue) =	ssetifvalue $0xFFFFFFFF;
	v3 =	vld.msk [tilespmem:s2+$0x100 ss:$0x1], $0xffff;
	_ =	sdelay $0x2  }
0x83: {  	s30 =	smulhi.u32 $0xAAAAAAAB, s18;
	p1 =	sne.s32 s24, $0x1  }
0x84: {  	v4 =	vimm.s32 @!p1 $0x0  }
0x85: {  	s2 =	sshrl.u32 s30, $0x1;
	v4 =	vperm.xlane @!p1 v3, v4  }
0x86: {  	s22 =	sshll.u32 s24, $0x4;
	s2 =	smul.u32 $0xFFFE8900, s2;
	vm4 =	vlt.u32 v3, $0x2800  }
0x87: {  	s22 =	sand.u32 $0x10, s22;
	v3 =	vnsel vm4, $0xFFFFFFFE, v3;
	vm4 =	vlt.u32 @!p1 v4, $0x2800  }
0x88: {  	s2 =	sshra.s32 s2, $0x2;
	[tilespmem:s22+$0x60] =	vst v3;
	v3 =	vnsel @!p1 vm4, $0xFFFFFFFE, v4  }
0x89: {  	s28 =	sadd.s32 s2, s17;
	[tilespmem:$0x80] =	vst @!p1 v3  }
0x8a: {  	v3 =	vld.msk [tilespmem:s28+$0x0 ss:$0x1], $0xffff;
	_ =	sdelay $0x4  }
0x8b: {  	(xrf1) =	vunique.msk.u32 $0xffff, v3;
	_ =	sdelay $0xd  }
0x8c: {  	v4 =	vimm.s32 $0xFFFFFFFF;
	v5, _, _ =	vpop (xrf1)  }
0x8d: {  	vm5 =	vne.s32 v3, v4;
	vm4 =	veq.s32 v5, v2  }
0x8e: {  	vm6 =	vlt.u32 v3, $0x2800;
	vm4 =	vmand vm5, vm4  }
0x8f: {  	vm4 =	vmand vm6, vm4  }
0x90: {  	v4 =	vnsel vm4, $0xFFFFFFFF, v3  }
0x91: {  	s31 =	sand.u32 $0x1, s0  }
0x92: {  	s0 =	simm.s32 $0x1F40;
	p1 =	seq.s32 s31, $0x1  }
0x93: {  	s0 =	simm.s32 @!p1 $0x0  }
0x94: {  	s26 =	sadd.s32 $0x7DF0, s0;
	(ifvalue) =	ssetifvalue $0xFFFFFFFF  }
0x95: {  	v3 =	vperm.xlane v3, v1;
	[tilespmem:s26], [sflag:$0x8] =	stream.indirect_vreg.gather [hbm4b:s1+s16], $0x1, v4, vm0, $0x4038;
	v4 =	vnsel vm6, $0xFFFFFFFE, v4;
	[tilespmem:$0x11A60] =	vst v63  }
0x96: {  	s2 =	simm.s32 $0x0;
	s22 =	sadd.s32 $0xFFFFFFF0, s28;
	[tilespmem:s28+$0x0] =	vst v4  }
.LBB3_3:
0x97: {  	v4 =	vld.msk [tilespmem:s22+$0x0 ss:$0x1], $0xffff;
	s2 =	sadd.s32 $0x10, s2;
	v5 =	vmov v3;
	s28 =	smov.u32 s22  }
0x98: {  	p1 =	slt.u32 s2, $0x1F30;
	_ =	sdelay $0x4  }
0x99: {  	v3 =	vperm.xlane v4, v1;
	(xrf1) =	vunique.msk.u32 $0xffff, v4;
	_ =	sdelay $0xd  }
0x9a: {  	v6, _, _ =	vpop (xrf1)  }
0x9b: {  	vm5 =	vne.s32 v4, v5;
	vm4 =	veq.s32 v6, v2  }
0x9c: {  	vm6 =	vlt.u32 v4, $0x2800;
	vm4 =	vmand vm5, vm4  }
0x9d: {  	vm4 =	vmand vm6, vm4  }
0x9e: {  	v4 =	vnsel vm4, $0xFFFFFFFF, v4  }
.Ltmp11:
0x9f: {  	v5 =	vnsel vm6, $0xFFFFFFFE, v4;
	(pc) =	sbr.rel @p1 .LBB3_3-.Ltmp11, $3  }
0xa0: {  	_ =	sdelay $0x1  }
0xa1: {  	s22 =	sadd.s32 $0xFFFFFFF0, s22;
	s26 =	sadd.s32 $0xFFFFFFF0, s26;
	(ifvalue) =	ssetifvalue $0xFFFFFFFF  }
0xa2: {  	[tilespmem:s26], [sflag:$0x8] =	stream.indirect_vreg.gather [hbm4b:s1+s16], $0x1, v4, vm0, $0x4038;
	[tilespmem:s28+$0x0] =	vst v5  }
0xa3: {  	s2 =	sshrl.u32 s25, $0x3  }
0xa4: {  	s0 =	sadd.s32 $0x9D40, s0;
	s2 =	sadd.s32 s9, s2  }
0xa5: {  	[tilespmem:s0], [sflag:$0x8] =	stream.linear.gather [hbm:s2], $0x1F40, $0x38;
	[tilespmem:$0x11A60] =	vst v63  }
.LBB3_5:
0xa6: {  	p1 =	slt.u32 s24, $0x2  }
0xa7: {  	p2 =	sge.u32 @!p1 s24, s12  }
0xa8: {  	p1 =	por p1, p2  }
.Ltmp12:
0xa9: {  	_ = 	snop;
	(pc) =	sbr.rel @p1 .LBB3_9-.Ltmp12, $1  }
0xaa: {  	_ =	sdelay $0x3  }
0xab: {  	s0 =	sadd.s32 $0xFFFFFFFE, s24  }
0xac: {  	s2 =	smulhi.u32 $0xAAAAAAAB, s0;
	_ =	sdelay $0x1  }
0xad: {  	s2 =	sshrl.u32 s2, $0x1  }
0xae: {  	s2 =	smul.u32 $0x3, s2;
	_ =	sdelay $0x1  }
0xaf: {  	s0 =	ssub.s32 s0, s2  }
0xb0: {  	_ =	swait.ge [sflag:s8], $0x3E80;
	s0 =	smul.u32 $0x1F40, s0  }
0xb1: {  	p1 =	sne.s32 s24, s11;
	[sflag:s8] =	ssyncset.done $0x0  }
0xb2: {  	[sflag:s8] =	ssyncadd.s32 $0xFFFFC180;
	s2 =	sadd.s32 @!p1 $0x203F, s0  }
0xb3: {  	[spmem:s14] =	stream.linear.scatter @!p1 [tilespmem:s2], [sflag:$0x1], $0x1, $0x38;
	[tilespmem:$0x11A60] =	vst v63  }
0xb4: {  	s2 =	simm.s32 @!p1 $0x1  }
0xb5: {  	_ =	swait.ge @!p1 [sflag:s2], $0x1  }
0xb6: {  	s22 =	sshll.u32 s24, $0x4;
	[sflag:s2] =	ssyncset.done @!p1 $0x0  }
0xb7: {  	s25 =	sand.u32 $0x10, s22;
	[sflag:s2] =	ssyncadd.s32 @!p1 $0xFFFFFFFF  }
0xb8: {  	s2 =	sxor.u32 $0x10, s25;
	v4 =	vld [tilespmem:s25+$0x10]  }
0xb9: {  	v5 =	vld [tilespmem:s2+$0x60]  }
0xba: {  	v3 =	vld [tilespmem:$0x80];
	_ =	sdelay $0x2  }
0xbb: {  	(v2sf) =	vpush v4, $0x0  }
0xbc: {  	(v2sf) =	vpush v5, $0x0  }
0xbd: {  	(v2sf) =	vpush v3, $0x0;
	_ =	sdelay $0xc  }
0xbe: {  	s22 =	spop (v2sf)  }
0xbf: {  	s26 =	spop (v2sf)  }
0xc0: {  	s28 =	spop (v2sf)  }
0xc1: {  	p2 =	seq.s32 s22, s26;
	p3 =	seq.s32 s28, s22  }
0xc2: {  	p3 =	por p2, p3  }
0xc3: {  	s26 =	sand.u32 $0x1, s24;
	v4 =	vpsel p3, $0xFFFFFFFF, v4  }
0xc4: {  	s29 =	smul.u32 $0x1F40, s26;
	[tilespmem:s25+$0x10] =	vst.msk $0x1, v4  }
0xc5: {  	v4 =	vld [tilespmem:$0x30]  }
0xc6: {  	v5 =	vld [tilespmem:s29+$0x9D40]  }
0xc7: {  	v6 =	vld [tilespmem:s25+$0x40];
	_ =	sdelay $0x3  }
0xc8: {  	vm4 =	vmmov vm1;
	v5 =	vadd.f32 v5, v4  }
0xc9: {  	vm5 =	vmmov vm2;
	vm4 =	vmmov @p2 vm2;
	s22 =	sshll.u32 s26, $0x4;
	v4 =	vadd.f32 v6, v4  }
0xca: {  	s26 =	sor.u32 $0x11A40, s22;
	vm5 =	vmmov @p3 vm1;
	[tilespmem:s29+$0x9D40] =	vst.msk vm4, v5  }
0xcb: {  	[tilespmem:s26+$0x0] =	vst.msk vm5, v4  }
0xcc: {  	v4 =	vld [tilespmem:s29+$0x7DF0];
	_ =	sdelay $0x3  }
0xcd: {  	v5 =	vimm.f32 $0.0e+00  }
0xce: {  	v4 =	vshift.insert v4, v5, s21  }
0xcf: {  	s22 =	sor.u32 $0x40, s2  }
0xd0: {  	[tilespmem:s22+$0x0] =	vst.msk $0x1, v4  }
0xd1: {  	[tilespmem:s29+$0x7DFF] =	vst.msk $0x1, v5  }
0xd2: {  	v4 =	vld [tilespmem:s0+$0x2030];
	_ =	sdelay $0x1  }
0xd3: {  	s22 =	smulhi.u32 $0xAAAAAAAB, s20;
	s0 =	simm.s32 $0x1  }
0xd4: {  	s0 =	simm.s32 @!p0 $0x0  }
0xd5: {  	s22 =	sshrl.u32 s22, $0x1;
	s0 =	smul.u32 $0x7D00, s0  }
0xd6: {  	s22 =	smul.u32 $0xFFFE8900, s22;
	v4 =	vshift.insert v4, v1, s21  }
0xd7: {  	s0 =	sshrl.u32 s0, $0x2  }
0xd8: {  	s22 =	sshra.s32 s22, $0x2;
	s30 =	sadd.s32 $0x9D40, s0;
	[tilespmem:s2+$0x10] =	vst.msk $0x1, v4  }
0xd9: {  	s22 =	sadd.s32 s22, s19;
	v6 =	vld [tilespmem:s30+$0x0]  }
0xda: {  	v7 =	vld [tilespmem:s22+$0x0];
	_ =	sdelay $0x3  }
0xdb: {  	v5 =	vadd.f32 v6, v5  }
0xdc: {  	vm4 =	vne.s32 v7, $0xFFFFFFFF  }
0xdd: {  	(xrf2) =	vadd.seg.scan.f32 vm4, v5;
	_ =	sdelay $0x3  }
0xde: {  	s31 =	sadd.s32 $0x5EC0, s0;
	v5 =	vperm.xlane v4, v1  }
0xdf: {  	v6 =	vld [tilespmem:s31+$0x0]  }
0xe0: {  	vm5 =	veq.s32 v7, v3;
	vm6 =	veq.s32 v7, v5  }
0xe1: {  	vm7 =	vgt.u32 v7, $0xFFFFFFFD;
	vm6 =	vmor vm6, vm5  }
0xe2: {  	vm6 =	vmor vm6, vm7  }
0xe3: {  	v9 =	vld [tilespmem:$0xA0];
	v7 =	vsel vm6, $0xFFFFFFFF, v7  }
0xe4: {  	v10 =	vld [tilespmem:$0x90];
	v6 =	vsel vm5, $0x0, v6;
	v8, _, _ =	vpop (xrf2)  }
0xe5: {  	v6 =	vadd.f32 v8, v6  }
0xe6: {  	s0 =	sadd.s32 $0xDBC0, s0  }
0xe7: {  	vm4 =	vmand vm4, vm3;
	[tilespmem:s0+$0x0] =	vst v6;
	(ifvalue) =	ssetifvalue $0xFFFFFFFF  }
0xe8: {  	vm6 =	veq.s32 v9, $0x1;
	[hbm4b:s1+s16] =	stream.indirect_vreg.scatter [tilespmem:s0], [sflag:$0x2], $0x1, v7, vm0, $0x4038;
	v7 =	vsel vm4, $0x0, v8;
	[tilespmem:$0x11A60] =	vst v63  }
0xe9: {  	s2 =	simm.s32 $0x0;
	s22 =	sadd.s32 $0x10, s22;
	vm4 =	vmor vm6, vm5;
	v6 =	vsel vm5, v8, v10;
	v7 =	vshift.insert v7, v0, s21  }
.LBB3_7:
0xea: {  	v8 =	vld [tilespmem:s22+$0x0];
	s30 =	sadd.s32 $0x10, s30  }
0xeb: {  	s31 =	sadd.s32 $0x10, s31;
	v9 =	vld [tilespmem:s30+$0x0]  }
0xec: {  	s2 =	sadd.s32 $0x10, s2;
	v10 =	vld [tilespmem:s31+$0x0]  }
0xed: {  	p2 =	slt.u32 s2, $0x1F30;
	_ =	sdelay $0x2  }
0xee: {  	v7 =	vadd.f32 v9, v7  }
0xef: {  	vm5 =	vne.s32 v8, $0xFFFFFFFF  }
0xf0: {  	vm6 =	vmand vm5, vm3;
	(xrf2) =	vadd.seg.scan.f32 vm5, v7;
	_ =	sdelay $0x5  }
0xf1: {  	vm7 =	veq.s32 v8, v5;
	vm5 =	veq.s32 v8, v3  }
0xf2: {  	vm8 =	vgt.u32 v8, $0xFFFFFFFD;
	vm4 =	vmor vm4, vm5;
	vm7 =	vmor vm7, vm5  }
0xf3: {  	vm7 =	vmor vm7, vm8  }
0xf4: {  	v8 =	vsel vm7, $0xFFFFFFFF, v8  }
.Ltmp13:
0xf5: {  	v7 =	vsel vm5, $0x0, v10;
	v9, _, _ =	vpop (xrf2);
	(pc) =	sbr.rel @p2 .LBB3_7-.Ltmp13, $4  }
0xf6: {  	v6 =	vsel vm5, v9, v6;
	v10 =	vadd.f32 v9, v7;
	v7 =	vsel vm6, $0x0, v9  }
0xf7: {  	s0 =	sadd.s32 $0x10, s0;
	v7 =	vshift.insert v7, v0, s21  }
0xf8: {  	s22 =	sadd.s32 $0x10, s22;
	[tilespmem:s0+$0x0] =	vst v10;
	(ifvalue) =	ssetifvalue $0xFFFFFFFF  }
0xf9: {  	[hbm4b:s1+s16] =	stream.indirect_vreg.scatter [tilespmem:s0], [sflag:$0x2], $0x1, v8, vm0, $0x4038;
	[tilespmem:$0x11A60] =	vst v63  }
0xfa: {  	v3 =	vld [tilespmem:s29+$0xFAF0];
	_ =	sdelay $0x4  }
0xfb: {  	v3 =	vshift.insert v3, v0, s21  }
0xfc: {  	s0 =	simm.s32 $0x30  }
0xfd: {  	[tilespmem:s0+$0x0] =	vst.msk $0x1, v3  }
0xfe: {  	v3 =	vsel vm4, $0x1, v1;
	[tilespmem:$0x90] =	vst v6  }
0xff: {  	s0 =	sadd.s32 @!p1 $0xFAFF, s29;
	[tilespmem:$0xA0] =	vst v3  }
0x100: {  	[spmem:s15] =	stream.linear.scatter @!p1 [tilespmem:s0], [sflag:$0x1], $0x1, $0x38;
	[tilespmem:$0x11A60] =	vst v63  }
0x101: {  	s0 =	simm.s32 @!p1 $0x1  }
0x102: {  	v3 =	vmctz.xlane @!p1 vm4;
	_ =	swait.ge @!p1 [sflag:s0], $0x1  }
0x103: {  	(v2sf) =	vpush @!p1 v4, $0x0  }
0x104: {  	(v2sf) =	vpush @!p1 v3, $0x0;
	_ =	sdelay $0xd  }
0x105: {  	s2 =	spop @!p1 (v2sf)  }
0x106: {  	s22 =	spop @!p1 (v2sf)  }
0x107: {  	p2 =	sne.s32 @!p1 s28, s2;
	p3 =	slt.s32 @!p1 s22, $0xF  }
0x108: {  	[sflag:s0] =	ssyncset.done @!p1 $0x0;
	p2 =	por p2, p1;
	p3 =	por !p3, p1  }
0x109: {  	[sflag:s0] =	ssyncadd.s32 @!p1 $0xFFFFFFFF;
	v3 =	vimm.s32 @!p2 $0xFFFFFFFF;
	s22 =	simm.s32 @p3 $0xF  }
0x10a: {  	[tilespmem:$0x80] =	vst @!p2 v3;
	s2 =	sadd.s32 @!p1 $0x90, s22  }
0x10b: {  	[spmem:s3] =	stream.linear.scatter @!p1 [tilespmem:s2], [sflag:$0x1], $0x1, $0x38;
	[tilespmem:$0x11A60] =	vst v63  }
0x10c: {  	_ =	swait.ge @!p1 [sflag:s0], $0x1  }
0x10d: {  	[sflag:s0] =	ssyncset.done @!p1 $0x0  }
0x10e: {  	s2 =	simm.s32 @!p1 $0x80;
	[sflag:s0] =	ssyncadd.s32 @!p1 $0xFFFFFFFF  }
0x10f: {  	[spmem:s13] =	stream.linear.scatter @!p1 [tilespmem:s2], [sflag:$0x1], $0x1, $0x38;
	[tilespmem:$0x11A60] =	vst v63  }
0x110: {  	_ =	swait.ge @!p1 [sflag:s0], $0x1  }
0x111: {  	[sflag:s0] =	ssyncset.done @!p1 $0x0  }
0x112: {  	[sflag:s0] =	ssyncadd.s32 @!p1 $0xFFFFFFFF;
	(ifvalue) =	ssetifvalue $0xFFFFFFFF;
	v3 =	vld [tilespmem:s25+$0x10];
	_ =	sdelay $0x3  }
.Ltmp14:
0x113: {  	_ = 	snop;
	(pc) =	sbr.rel .LBB3_9-.Ltmp14, $3  }
0x114: {  	_ =	sdelay $0x1  }
0x115: {  	(ifvalue) =	ssetifvalue $0xFFFFFFFF  }
0x116: {  	[hbm4b:s1+s16] =	stream.indirect_vreg.scatter [tilespmem:s26], [sflag:$0x9], $0x1, v3, vm0, $0x4038;
	[tilespmem:$0x11A60] =	vst v63  }
.LBB3_10:
0x117: {  	_ =	sfence.sel $0x180000  }
0x118: {  	s0 =	simm.s32 $0x7;
	[bflag:$0x0] =	sbarrier.arrive $0xFFFF  }
0x119: {  	s26 =	simm.s32 $0x8;
	[sflag:s0] =	ssyncpa.u1 $0x1  }
0x11a: {  	s28 =	simm.s32 $0x9;
	[sflag:s26] =	ssyncpa.u1 $0x1  }
0x11b: {  	[sflag:s28] =	ssyncpa.u1 $0x1  }
0x11c: {  	_ =	sfence.stream.spmem  }
0x11d: {  	s29 =	simm.s32 $0x3;
	[bflag:$0x0] =	sbarrier.arrive $0xFFFF  }
0x11e: {  	s30 =	simm.s32 $0x4;
	[sflag:s29] =	ssyncpa.u1 $0x1  }
0x11f: {  	s31 =	simm.s32 $0x3C;
	s2 =	stileid.u32;
	[sflag:s30] =	ssyncpa.u1 $0x1  }
0x120: {  	p0 =	sne.s32 s2, $0x0;
	[sflag:s31] =	ssyncpa.u1 $0x1  }
0x121: {  	s0 =	simm.s32 @p0 $0x1;
	_ =	sfence @p0  }
0x122: {  	[sflag:s0] =	ssyncpa.u1 @p0 $0x1;
	s0 =	simm.s32 @p0 $0x2  }
0x123: {  	[sflag:s0] =	ssyncpa.u1 @p0 $0x1  }
0x124: {  	_ =	strace @p0 $0x9000004A  }
0x125: {  	[bflag:$0x2] =	sbarrier.arrive @p0 $0xFFFF  }
0x126: {  	_ =	shalt @p0  }
.LBB3_11:
0x127: {  	_ =	sfence.stream.spmem;
	s0 =	simm.s32 $0x5  }
0x128: {  	s2 =	simm.s32 $0x80;
	s3 =	simm.s32 $0xC0;
	[sflag:s0] =	ssyncpa.u1 $0x0  }
0x129: {  	[tilespmem:s3], [sflag:$0x5] =	stream.linear.gather [spmem:s2], $0x20, $0x38;
	[tilespmem:$0x11A60] =	vst v63  }
0x12a: {  	s2 =	simm.s32 $0x0;
	s3 =	simm.s32 $0xE0  }
0x12b: {  	[tilespmem:s3], [sflag:$0x5] =	stream.linear.gather [spmem:s2], $0x20, $0x38;
	[tilespmem:$0x11A60] =	vst v63  }
.Ltmp15:
0x12c: {  	_ = 	snop;
	(pc) =	sbr.rel .LBB3_12-.Ltmp15, $4  }
0x12d: {  	_ =	swait.ge [sflag:s0], $0x40  }
0x12e: {  	[sflag:s0] =	ssyncset.done $0x0  }
0x12f: {  	s31 =	simm.s32 $0x6;
	[sflag:s0] =	ssyncadd.s32 $0xFFFFFFC0  }
0x130: {  	s4 =	simm.s32 $0x0;
	[sflag:s31] =	ssyncpa.u1 $0x0  }
.LBB3_17:
0x131: {  	p0 =	sgt.u32 s5, $0x27FF  }
0x132: {  	s0 =	sshrl.u32 @!p0 s5, $0x3  }
0x133: {  	s5 =	sand.u32 @!p0 $0x7, s5;
	s6 =	simm.s32 @!p0 $0xB0;
	s0 =	sadd.s32 @!p0 s1, s0  }
0x134: {  	[tilespmem:s6], [sflag:$0x6] =	stream.linear.gather @!p0 [hbm4b:s0+s5], $0x1, $0x38;
	[tilespmem:$0x11A60] =	vst v63  }
0x135: {  	s0 =	simm.s32 @!p0 $0x6  }
0x136: {  	_ =	swait.ge @!p0 [sflag:s0], $0x1  }
0x137: {  	[sflag:s0] =	ssyncset.done @!p0 $0x0  }
0x138: {  	[sflag:s0] =	ssyncadd.s32 @!p0 $0xFFFFFFFF  }
0x139: {  	v2 =	vmov @!p0 s4;
	v1 =	vld.msk @!p0 [tilespmem:$0xB0], $0x1;
	_ =	sdelay $0x3  }
0x13a: {  	s0 =	simm.s32 @!p0 $0xE0  }
0x13b: {  	[tilespmem:v2+s0+$0x0], v1 =	vst.idx.ret.add.f32.msk @!p0 $0x1, v1  }
0x13c: {  	[tilespmem:s2+$0xC0] =	vst.msk $0x1, v0  }
0x13d: {  	v0 =	vld.msk [tilespmem:s4+$0xE0], $0x1;
	_ =	sdelay $0x4  }
0x13e: {  	[tilespmem:s2+$0xE0] =	vst.msk $0x1, v0;
	s2 =	sadd.s32 $0x1, s2  }
.LBB3_19:
0x13f: {  	s4 =	sadd.s32 $0x1, s4  }
0x140: {  	p0 =	sne.s32 s4, $0x20  }
.Ltmp16:
0x141: {  	_ = 	snop;
	(pc) =	sbr.rel @!p0 .LBB3_20-.Ltmp16, $1  }
0x142: {  	_ =	sdelay $0x3  }
.LBB3_12:
0x143: {  	v0 =	vld.msk [tilespmem:s4+$0xC0], $0x1;
	_ =	sdelay $0x4  }
0x144: {  	(v2sf) =	vpush v0, $0x0;
	_ =	sdelay $0xe  }
0x145: {  	s5 =	spop (v2sf)  }
0x146: {  	p0 =	seq.s32 s5, $0xFFFFFFFF  }
.Ltmp17:
0x147: {  	_ = 	snop;
	(pc) =	sbr.rel @p0 .LBB3_19-.Ltmp17, $1  }
0x148: {  	_ =	sdelay $0x3  }
0x149: {  	p0 =	slt.s32 s2, $0x1  }
.Ltmp18:
0x14a: {  	_ = 	snop;
	(pc) =	sbr.rel @p0 .LBB3_17-.Ltmp18, $1  }
0x14b: {  	_ =	sdelay $0x3  }
0x14c: {  	s0 =	simm.s32 $0xC0;
	p0 =	por $0x0, $0x0  }
0x14d: {  	v1 =	vld.msk @!p0 [tilespmem:s0+$0x0], $0x1;
	_ =	sdelay $0x4  }
0x14e: {  	(v2sf) =	vpush @!p0 v1, $0x0;
	_ =	sdelay $0xd  }
0x14f: {  	p2 =	sne.s32 s2, $0x1  }
.Ltmp19:
0x150: {  	s6 =	spop @!p0 (v2sf);
	(pc) =	sbr.rel @!p2 .LBB3_16-.Ltmp19, $4  }
0x151: {  	p1 =	seq.s32 @!p0 s5, s6  }
0x152: {  	s6 =	simm.s32 $0x0;
	p1 =	por !p1, p0  }
0x153: {  	s8 =	simm.s32 $0xFFFFFFFF;
	s6 =	simm.s32 @p1 $0xFFFFFFFF  }
0x154: {  	s7 =	simm.s32 $0x1;
	s6 =	smov.u32 @p0 s8  }
.LBB3_15:
0x155: {  	s8 =	smov.u32 s6;
	p0 =	sne.s32 s6, $0xFFFFFFFF  }
0x156: {  	s0 =	sadd.s32 $0x1, s0;
	s6 =	smov.u32 s7;
	s7 =	sadd.s32 $0x1, s7  }
0x157: {  	p1 =	sne.s32 s2, s7;
	v1 =	vld.msk @!p0 [tilespmem:s0+$0x0], $0x1;
	_ =	sdelay $0x4  }
0x158: {  	(v2sf) =	vpush @!p0 v1, $0x0;
	_ =	sdelay $0xe  }
.Ltmp20:
0x159: {  	s9 =	spop @!p0 (v2sf);
	(pc) =	sbr.rel @p1 .LBB3_15-.Ltmp20, $4  }
0x15a: {  	p2 =	seq.s32 @!p0 s5, s9  }
0x15b: {  	p2 =	por !p2, p0  }
0x15c: {  	s6 =	simm.s32 @p2 $0xFFFFFFFF  }
0x15d: {  	s6 =	smov.u32 @p0 s8  }
.LBB3_16:
0x15e: {  	p0 =	sne.s32 s6, $0xFFFFFFFF  }
.Ltmp21:
0x15f: {  	_ = 	snop;
	(pc) =	sbr.rel @!p0 .LBB3_17-.Ltmp21, $1  }
0x160: {  	_ =	sdelay $0x3  }
0x161: {  	v0 =	vld.msk [tilespmem:s4+$0xE0], $0x1;
	v1 =	vmov s6  }
.Ltmp22:
0x162: {  	_ = 	snop;
	(pc) =	sbr.rel .LBB3_19-.Ltmp22, $2  }
0x163: {  	_ =	sdelay $0x2  }
0x164: {  	[tilespmem:v1+s3+$0x0], v0 =	vst.idx.ret.add.f32.msk $0x1, v0  }
.LBB3_20:
0x165: {  	p0 =	slt.s32 s2, $0x1  }
.Ltmp23:
0x166: {  	_ = 	snop;
	(pc) =	sbr.rel @p0 .LBB3_24-.Ltmp23, $3  }
0x167: {  	_ =	sdelay $0x1  }
0x168: {  	s0 =	simm.s32 $0x6  }
0x169: {  	s3 =	simm.s32 $0x0;
	[sflag:s0] =	ssyncpa.u1 $0x1  }
0x16a: {  	s0 =	simm.s32 $0xC0  }
0x16b: {  	v0 =	vld.msk [tilespmem:s0+$0x0], $0x1;
	_ =	sdelay $0x4  }
0x16c: {  	(v2sf) =	vpush v0, $0x0;
	_ =	sdelay $0xe  }
0x16d: {  	s2 =	sadd.s32 $0xFFFFFFFF, s2;
	s4 =	spop (v2sf)  }
0x16e: {  	p1 =	sne.s32 s2, $0x0;
	p0 =	sgt.u32 s4, $0x27FF  }
.Ltmp24:
0x16f: {  	s5 =	sshrl.u32 @!p0 s4, $0x3;
	(pc) =	sbr.rel @!p1 .LBB3_23-.Ltmp24, $4  }
0x170: {  	s0 =	simm.s32 $0xE0;
	s4 =	sand.u32 @!p0 $0x7, s4;
	s5 =	sadd.s32 @!p0 s1, s5  }
0x171: {  	[hbm4b:s5+s4] =	stream.linear.scatter @!p0 [tilespmem:s0], [sflag:$0x5], $0x1, $0x38;
	[tilespmem:$0x11A60] =	vst v63  }
0x172: {  	s5 =	simm.s32 $0x0  }
0x173: {  	s4 =	simm.s32 $0xC1;
	s5 =	simm.s32 @!p0 $0x4  }
.LBB3_22:
0x174: {  	v0 =	vld.msk [tilespmem:s4+$0x0], $0x1;
	s2 =	sadd.s32 $0xFFFFFFFF, s2;
	s3 =	sadd.s32 s3, s5  }
0x175: {  	p0 =	sne.s32 s2, $0x0;
	_ =	sdelay $0x3  }
0x176: {  	(v2sf) =	vpush v0, $0x0;
	_ =	sdelay $0xe  }
.Ltmp25:
0x177: {  	s6 =	spop (v2sf);
	(pc) =	sbr.rel @p0 .LBB3_22-.Ltmp25, $4  }
0x178: {  	s5 =	simm.s32 $0x0;
	p1 =	sgt.u32 s6, $0x27FF  }
0x179: {  	s0 =	sadd.s32 $0x1, s0;
	s5 =	simm.s32 @!p1 $0x4;
	s7 =	sshrl.u32 @!p1 s6, $0x3  }
0x17a: {  	s4 =	sadd.s32 $0x1, s4;
	s6 =	sand.u32 @!p1 $0x7, s6;
	s7 =	sadd.s32 @!p1 s1, s7  }
0x17b: {  	[hbm4b:s7+s6] =	stream.linear.scatter @!p1 [tilespmem:s0], [sflag:$0x5], $0x1, $0x38;
	[tilespmem:$0x11A60] =	vst v63  }
.LBB3_23:
0x17c: {  	s0 =	sadd.s32 s3, s5  }
0x17d: {  	s3 =	sshrl.u32 s0, $0x2  }
.LBB3_24:
0x17e: {  	s0 =	simm.s32 $0x5  }
0x17f: {  	_ =	swait.ge [sflag:s0], s3  }
0x180: {  	s1 =	ssub.s32 $0x0, s3;
	[sflag:s0] =	ssyncset.done $0x0  }
0x181: {  	[sflag:s0] =	ssyncadd.s32 s1  }
0x182: {  	[sflag:s0] =	ssyncpa.u1 $0x1  }
0x183: {  	s29 =	simm.s32 $0x1;
	_ =	sfence  }
0x184: {  	s30 =	simm.s32 $0x2;
	[sflag:s29] =	ssyncpa.u1 $0x1  }
0x185: {  	[sflag:s30] =	ssyncpa.u1 $0x1  }
0x186: {  	_ =	strace $0x9000004A  }
0x187: {  	[bflag:$0x2] =	sbarrier.arrive $0xFFFF  }
0x188: {  	s31 =	rddreg [dreg:$0x1]  }
0x189: {  	s0 =	sadd.s32 $0x100000, s31  }
0x18a: {  	[sflag:s0] =	ssyncadd.tile.s32 $0x1;
	_ =	shalt  }
.Lfunc_end3:
_tile_overlayer_lowered:
.L_overlay_start_3:
0x18b: {  	(tag) =	ssettag $0x3  }
0x18c: {  	s0 =	rddreg [dreg:$0x0];
	s2 =	stileid.u32  }
0x18d: {  	s1 =	rddreg [dreg:$0x1];
	p0 =	sne.s32 s2, $0x0  }
0x18e: {  	s3 =	rddreg [dreg:$0x2];
	[bflag:$0x3] =	sbarrier.arrive $0xFFFF;
	s2 =	simm.s32 @!p0 $0x1C01  }
0x18f: {  	[timem:s3], [sflag:s2] =	dma.local @!p0 [hbm:s0], s1  }
0x190: {  	s0 =	simm.s32 @!p0 $0x1  }
0x191: {  	_ =	swait.ge @!p0 [sflag:s0], s1  }
0x192: {  	s1 =	ssub.s32 @!p0 $0x0, s1;
	[sflag:s0] =	ssyncset.done @!p0 $0x0  }
0x193: {  	[sflag:s0] =	ssyncadd.s32 @!p0 s1  }
0x194: {  	[bflag:$0x3] =	sbarrier.arrive $0xFFFF  }
0x195: {  	_ =	shalt  }

// kernel: scatter_offload_async_start
scs
__scs_entry_jumppad:
0x0: {  	(pc) =	sbr.rel $0x88, $3  }
0x1: {  	(tag) =	ssettag $0x0;
	lr =	simm.s32 $0x1  }
0x2: {  	[smem:$0x3F95] =	sst lr;
	_ =	strace $0xD0000000  }
0x3: {  	_ = 	snop  }
0x4: {  	_ = 	snop  }
0x5: {  	_ = 	snop  }
0x6: {  	_ = 	snop  }
0x7: {  	_ = 	snop  }
__scs_overlays_trampoline_lowered:
0x8: {  	[smem:$0x3FA4] =	sst s0  }
0x9: {  	[smem:$0x3FA5] =	sst s1  }
0xa: {  	[smem:$0x3FA6] =	sst s2  }
0xb: {  	[smem:$0x3FA7] =	sst s3  }
0xc: {  	[smem:$0x3FA8] =	sst s4  }
0xd: {  	[smem:$0x3FA9] =	sst s5  }
0xe: {  	[smem:$0x3FAA] =	sst s6  }
0xf: {  	[smem:$0x3FAB] =	sst s7  }
0x10: {  	[smem:$0x3FAC] =	sst s8  }
0x11: {  	[smem:$0x3FAD] =	sst s9;
	s0 =	simm.s32 @!p0 $0x0  }
0x12: {  	s1 =	sld [smem:$0x3F93];
	s0 =	simm.s32 @p0 $0x1  }
0x13: {  	[smem:$0x3FAE] =	sst s0;
	s0 =	simm.s32 @!p1 $0x0  }
0x14: {  	s2 =	sld [smem:$0x3F92];
	s0 =	simm.s32 @p1 $0x1  }
0x15: {  	[smem:$0x3FAF] =	sst s0;
	s0 =	simm.s32 @!p2 $0x0  }
0x16: {  	s3 =	sld [smem:$0x3FDB];
	s0 =	simm.s32 @p2 $0x1  }
0x17: {  	s4 =	simm.s32 $0x1BF5;
	[smem:$0x3FB1] =	sst s0  }
0x18: {  	s0 =	sld [smem:$0x3F94];
	_ =	swait.ge [sflag:s4], $0x0  }
0x19: {  	s7 =	sld [smem:$0x3F95]  }
0x1a: {  	s8 =	sadd.s32 $0xFFFFE003, lr  }
0x1b: {  	s9 =	sadd.s32 $0xFFFFFEF7, lr;
	s5 =	simm.s32 $0xFFFFFFFF;
	p2 =	slt.u32 s8, $0xFFFFF086  }
0x1c: {  	p1 =	slt.u32 s9, $0xF7A;
	s5 =	simm.s32 @!p2 $0x0  }
0x1d: {  	s5 =	simm.s32 @p1 $0x1;
	p0 =	seq.s32 s7, s2  }
0x1e: {  	s7 =	smul.u32 @!p0 $0xF7A, s2;
	p2 =	seq.s32 @!p0 s5, $0x0  }
0x1f: {  	s9 =	smul.u32 $0xF7A, s1;
	s8 =	simm.s32 @!p0 $0x1BF5;
	p2 =	por !p2, p0  }
0x20: {  	[sflag:s8] =	ssyncset.s32 @!p0 $0xFFFFF086;
	s6 =	sadd.s32 @!p0 s3, s7;
	s7 =	simm.s32 @!p0 $0x108  }
0x21: {  	s3 =	sadd.s32 s3, s9;
	s6 =	sadd.s32 @!p0 $0x88, s6;
	s7 =	simm.s32 @p2 $0x1082  }
0x22: {  	[simem:s7], [sflag:s8] =	dma.local @!p0 [hbm:s6], $0xF7A  }
0x23: {  	s9 =	sor.u32 $0xD0000000, s2;
	s6 =	simm.s32 $0x108;
	_ =	swait.ge @!p0 [sflag:s8], $0x0  }
0x24: {  	s3 =	sadd.s32 $0x88, s3;
	s6 =	simm.s32 @!p1 $0x1082;
	[sflag:s4] =	ssyncset.s32 $0xFFFFF086  }
0x25: {  	[simem:s6], [sflag:s4] =	dma.local [hbm:s3], $0xF7A  }
0x26: {  	[smem:$0x3F95] =	sst s1;
	(tag) =	ssettag s2;
	_ =	strace s9  }
0x27: {  	s1 =	sld [smem:$0x3FA5]  }
0x28: {  	s2 =	sld [smem:$0x3FA6]  }
0x29: {  	s4 =	sld [smem:$0x3FA8]  }
0x2a: {  	p0 =	seq.s32 s5, $0x0;
	s5 =	sld [smem:$0x3FA9]  }
0x2b: {  	s6 =	sld [smem:$0x3FAA]  }
0x2c: {  	s7 =	sld [smem:$0x3FAB]  }
0x2d: {  	s3 =	simm.s32 $0x108;
	s8 =	sld [smem:$0x3FAC]  }
0x2e: {  	s3 =	simm.s32 @!p0 $0x1082;
	s9 =	sld [smem:$0x3FAD]  }
0x2f: {  	lr =	sadd.s32 s0, s3;
	s0 =	sld [smem:$0x3FA4]  }
0x30: {  	s3 =	sld [smem:$0x3FA7]  }
0x31: {  	[smem:$0x3FB0] =	sst s10  }
0x32: {  	s10 =	sld [smem:$0x3FAE];
	_ =	sdelay $0x3  }
0x33: {  	p0 =	seq.s32 s10, $0x1;
	s10 =	sld [smem:$0x3FB0];
	_ =	sdelay $0x3  }
0x34: {  	[smem:$0x3FB0] =	sst s10  }
0x35: {  	s10 =	sld [smem:$0x3FAF];
	_ =	sdelay $0x3  }
0x36: {  	p1 =	seq.s32 s10, $0x1;
	s10 =	sld [smem:$0x3FB0];
	_ =	sdelay $0x3  }
0x37: {  	[smem:$0x3FB0] =	sst s10  }
0x38: {  	s10 =	sld [smem:$0x3FB1]  }
0x39: {  	_ = 	snop;
	(pc) =	sbr.ind lr, $3  }
0x3a: {  	_ = 	snop  }
0x3b: {  	_ = 	snop  }
0x3c: {  	p2 =	seq.s32 s10, $0x1;
	s10 =	sld [smem:$0x3FB0]  }
0x3d: {  	_ =	shalt  }
0x3e: {  	_ =	shalt  }
0x3f: {  	_ =	shalt  }
0x40: {  	_ =	shalt  }
0x41: {  	_ =	shalt  }
0x42: {  	_ =	shalt  }
0x43: {  	_ =	shalt  }
0x44: {  	_ =	shalt  }
0x45: {  	_ =	shalt  }
0x46: {  	_ =	shalt  }
0x47: {  	_ =	shalt  }
0x48: {  	_ =	shalt  }
0x49: {  	_ =	shalt  }
0x4a: {  	_ =	shalt  }
0x4b: {  	_ =	shalt  }
0x4c: {  	_ =	shalt  }
0x4d: {  	_ =	shalt  }
0x4e: {  	_ =	shalt  }
0x4f: {  	_ =	shalt  }
0x50: {  	_ =	shalt  }
0x51: {  	_ =	shalt  }
0x52: {  	_ =	shalt  }
0x53: {  	_ =	shalt  }
0x54: {  	_ =	shalt  }
0x55: {  	_ =	shalt  }
0x56: {  	_ =	shalt  }
0x57: {  	_ =	shalt  }
0x58: {  	_ =	shalt  }
0x59: {  	_ =	shalt  }
0x5a: {  	_ =	shalt  }
0x5b: {  	_ =	shalt  }
0x5c: {  	_ =	shalt  }
0x5d: {  	_ =	shalt  }
0x5e: {  	_ =	shalt  }
0x5f: {  	_ =	shalt  }
0x60: {  	_ =	shalt  }
0x61: {  	_ =	shalt  }
0x62: {  	_ =	shalt  }
0x63: {  	_ =	shalt  }
0x64: {  	_ =	shalt  }
0x65: {  	_ =	shalt  }
0x66: {  	_ =	shalt  }
0x67: {  	_ =	shalt  }
0x68: {  	_ =	shalt  }
0x69: {  	_ =	shalt  }
0x6a: {  	_ =	shalt  }
0x6b: {  	_ =	shalt  }
0x6c: {  	_ =	shalt  }
0x6d: {  	_ =	shalt  }
0x6e: {  	_ =	shalt  }
0x6f: {  	_ =	shalt  }
0x70: {  	_ =	shalt  }
0x71: {  	_ =	shalt  }
0x72: {  	_ =	shalt  }
0x73: {  	_ =	shalt  }
0x74: {  	_ =	shalt  }
0x75: {  	_ =	shalt  }
0x76: {  	_ =	shalt  }
0x77: {  	_ =	shalt  }
0x78: {  	_ =	shalt  }
0x79: {  	_ =	shalt  }
0x7a: {  	_ =	shalt  }
0x7b: {  	_ =	shalt  }
0x7c: {  	_ =	shalt  }
0x7d: {  	_ =	shalt  }
0x7e: {  	_ =	shalt  }
0x7f: {  	_ =	shalt  }
0x80: {  	_ =	shalt  }
0x81: {  	_ =	shalt  }
0x82: {  	_ =	shalt  }
0x83: {  	_ =	shalt  }
0x84: {  	_ =	shalt  }
0x85: {  	_ =	shalt  }
0x86: {  	_ =	shalt  }
0x87: {  	_ =	shalt  }
.Lfunc_end0:
.L_simem_size_0:
called_computation_lowered:
.L_overlay_start_0:
0x88: {  	s0 =	sld [smem:$0x3FD9]  }
0x89: {  	s1 =	sld [smem:$0x3FFE];
	_ =	sdelay $0x3  }
0x8a: {  	s0 =	sadd.s32 s1, s0  }
0x8b: {  	[smem:$0x3FBC] =	sst s0  }
0x8c: {  	_ = 	snop  }
0x8d: {  	(tm) =	ssettm $0x1  }
0x8e: {  	s14 =	sld [smem:$0x3FFB];
	_ =	sdelay $0x3  }
0x8f: {  	_ =	strace s14  }
0x90: {  	s0 =	sld [smem:$0x3FFC];
	_ =	sdelay $0x3  }
0x91: {  	_ =	strace s0  }
0x92: {  	s0 =	sld [smem:$0x3FFD];
	_ =	sdelay $0x3  }
0x93: {  	_ =	strace s0  }
0x94: {  	_ =	strace $0x8FFFFFFF  }
0x95: {  	s15 =	sld [smem:$0x3FDB];
	_ =	sdelay $0x1  }
0x96: {  	s16 =	simm.s32 $_scs_section_size  }
0x97: {  	s2 =	simm.s32 $_size__tile_overlayer_lowered;
	s3 =	simm.s32 $_tile_overlayer_lowered  }
0x98: {  	s4 =	simm.s32 $0x1BFF;
	s17 =	sshll.u32 s3, $0x1;
	s1 =	sadd.s32 s16, s15  }
0x99: {  	s18 =	simm.s32 $0x0;
	s2 =	sshll.u32 s2, $0x1;
	s3 =	sadd.s32 s17, s1  }
0x9a: {  	[timem:s18], [sflag:s4] =	dma.local [hbm:s3], s2  }
0x9b: {  	_ =	swait.ge [sflag:s4], s2  }
0x9c: {  	s2 =	ssub.s32 $0x0, s2;
	[sflag:s4] =	ssyncset.done $0x0  }
0x9d: {  	[sflag:s4] =	ssyncadd.s32 s2;
	_ =	sdelay $0x1  }
0x9e: {  	s19 =	simm.s32 $0x1B8B  }
0x9f: {  	_ =	swait.ge [sflag:s19], $0x1  }
0xa0: {  	[sflag:s19] =	ssyncset.done $0x0  }
0xa1: {  	s21 =	simm.s32 $0x1B8E;
	s20 =	sld [smem:$0x3FFE];
	[sflag:s19] =	ssyncadd.s32 $0xFFFFFFFF  }
0xa2: {  	s22 =	simm.s32 $execute0_lowered;
	[smem:$0x3FD2] =	sst s21  }
0xa3: {  	s3 =	sshll.u32 s22, $0x1;
	_ =	strace $0x8000004C;
	[dreg:$0x1] =	wrdreg $0xFFFFFFFF  }
0xa4: {  	s23 =	simm.s32 $_size_execute0_lowered;
	s3 =	sadd.s32 s1, s3;
	[dreg:$0x0] =	wrdreg $0x0  }
0xa5: {  	s4 =	sshll.u32 s23, $0x1;
	[dreg:$0x2] =	wrdreg s3  }
0xa6: {  	[dreg:$0x3] =	wrdreg s4  }
0xa7: {  	[dreg:$0x4] =	wrdreg $0xC0  }
0xa8: {  	s24 =	simm.s32 $execute1_lowered;
	_ =	task [dreg:s18], $0x5FFFF  }
0xa9: {  	s3 =	sshll.u32 s24, $0x1;
	[dreg:$0x1] =	wrdreg $0xFFFFFFFF  }
0xaa: {  	s1 =	sadd.s32 s1, s3;
	[dreg:$0x0] =	wrdreg $0x60  }
0xab: {  	[dreg:$0x2] =	wrdreg s1  }
0xac: {  	[dreg:$0x3] =	wrdreg s20  }
0xad: {  	[dreg:$0x4] =	wrdreg $0x9  }
0xae: {  	_ =	task.clear_ibuf [dreg:s18], $0x5FFFF;
	_ =	strace $0x9000004C  }
0xaf: {  	s25 =	simm.s32 $0x9;
	_ =	strace $0x8000004E  }
0xb0: {  	_ =	swait.ge [sflag:s25], $0x1  }
0xb1: {  	[sflag:s25] =	ssyncadd.s32 $0xFFFFFFFF  }
0xb2: {  	_ =	strace $0x9000004E  }
0xb3: {  	_ =	strace $0x8000004F;
	[dreg:$0x1] =	wrdreg $0xFFFFFFFF  }
0xb4: {  	[dreg:$0x0] =	wrdreg $0x2030  }
0xb5: {  	[dreg:$0x2] =	wrdreg s20  }
0xb6: {  	[dreg:$0x3] =	wrdreg $0xA  }
0xb7: {  	_ =	task.clear_ibuf [dreg:s18], $0x4FFFF;
	_ =	strace $0x9000004F  }
0xb8: {  	s26 =	simm.s32 $0xA;
	_ =	strace $0x80000051  }
0xb9: {  	_ =	swait.ge [sflag:s26], $0x1  }
0xba: {  	[sflag:s26] =	ssyncadd.s32 $0xFFFFFFFF  }
0xbb: {  	_ =	strace $0x90000051  }
0xbc: {  	_ =	sfence  }
0xbd: {  	s28 =	sld [smem:$0x0];
	_ =	sdelay $0x1  }
0xbe: {  	s29 =	srdreg.scid  }
0xbf: {  	s30 =	sshll.u32 s29, $0xD;
	s31 =	sshrl.u32 s29, $0x2  }
0xc0: {  	s2 =	sand.u32 $0x1, s29;
	s3 =	sand.u32 $0x4000, s30;
	s1 =	sadd.s32 s31, s28  }
0xc1: {  	s2 =	sor.u32 s3, s2;
	s1 =	sshll.u32 s1, $0x11  }
0xc2: {  	s1 =	sor.u32 s1, s2  }
0xc3: {  	s1 =	sadd.s32 $0x8F2B, s1  }
0xc4: {  	[sflag:s1] =	ssyncadd.remote.s32 $0x1  }
0xc5: {  	_ =	sfence.sel $0xFFFF  }
0xc6: {  	[dreg:$0x0] =	wrdreg $0xFFFFFFFF;
	(pc) =	sbr.abs _section_cstart, $3  }
0xc7: {  	[dreg:$0x1] =	wrdreg $0xFFFFFFFF  }
0xc8: {  	_ =	task.clear_ibuf [dreg:s18], $0x2FFFF;
	_ =	strace $0x9FFFFFFF  }
0xc9: {  	(tm) =	ssettm $0x7FFFFFFF  }
tec
execute0_lowered:
.L_overlay_start_1:
0x0: {  	(tag) =	ssettag $0x1  }
0x1: {  	s2 =	rddreg [dreg:$0x0]  }
0x2: {  	s4 =	rddreg [dreg:$0x1]  }
0x3: {  	s0 =	rddreg [dreg:$0x2];
	s3 =	stileid.u32  }
0x4: {  	[bflag:$0x3] =	sbarrier.arrive $0xFFFF;
	s1 =	simm.s32 $_size_execute1_lowered;
	p0 =	sne.s32 s3, $0x0  }
0x5: {  	s1 =	sshll.u32 s1, $0x1;
	s5 =	simm.s32 @!p0 $0x1C3F;
	s6 =	simm.s32 @!p0 $0x4060  }
0x6: {  	[timem:s6], [sflag:s5] =	dma.local @!p0 [hbm:s2], s1  }
0x7: {  	s2 =	smul.u32 $0x280, s3  }
.Ltmp0:
0x8: {  	s31 =	simm.s32 $0x2;
	s7 =	simm.s32 $0x280;
	(pc) =	sbr.rel .LBB2_1-.Ltmp0, $4  }
0x9: {  	s8 =	simm.s32 $0x780;
	s10 =	simm.s32 $0x0;
	s9 =	simm.s32 $0x0  }
0xa: {  	s3 =	simm.s32 $0x1;
	_ =	strace $0x8000004D;
	s30 =	sshrl.u32 s2, $0x3  }
0xb: {  	s6 =	simm.s32 $0x0;
	[sflag:s3] =	ssyncpa.u1 $0x0;
	s5 =	sadd.s32 s30, s4  }
0xc: {  	s4 =	sadd.s32 $0x3E200, s4;
	[sflag:s31] =	ssyncpa.u1 $0x0;
	s5 =	sadd.s32 $0x3D400, s5  }
.LBB2_8:
0xd: {  	p1 =	seq.s32 s9, $0x2  }
.Ltmp1:
0xe: {  	_ = 	snop;
	(pc) =	sbr.rel @p1 .LBB2_10-.Ltmp1, $1  }
0xf: {  	_ =	sdelay $0x3  }
.LBB2_9:
0x10: {  	s9 =	sadd.s32 $0x1, s9;
	s10 =	smov.u32 s2  }
.LBB2_1:
0x11: {  	p1 =	sne.s32 s9, $0x0  }
.Ltmp2:
0x12: {  	_ = 	snop;
	(pc) =	sbr.rel @!p1 .LBB2_2-.Ltmp2, $1  }
0x13: {  	_ =	sdelay $0x3  }
0x14: {  	s11 =	sand.u32 $0x1, s9  }
0x15: {  	p1 =	seq.s32 s11, $0x0  }
.Ltmp3:
0x16: {  	_ = 	snop;
	(pc) =	sbr.rel @p1 .LBB2_8-.Ltmp3, $1  }
0x17: {  	_ =	sdelay $0x3  }
0x18: {  	_ =	swait.ge [sflag:s3], $0x280  }
0x19: {  	[sflag:s3] =	ssyncset.done $0x0  }
0x1a: {  	s11 =	simm.s32 $0x0;
	p1 =	por $0x1, $0x1;
	[sflag:s3] =	ssyncadd.s32 $0xFFFFFD80  }
.LBB2_5:
0x1b: {  	v0 =	vld [tilespmem:s11+$0x280]  }
0x1c: {  	v1 =	vld [tilespmem:s11+$0x290]  }
0x1d: {  	v2 =	vld [tilespmem:s11+$0x2A0]  }
0x1e: {  	v3 =	vld [tilespmem:s11+$0x2B0]  }
0x1f: {  	v4 =	vld [tilespmem:s11+$0x2C0]  }
0x20: {  	v53 =	vld [tilespmem:s11+$0x2D0];
	[tilespmem:s11+$0x780] =	vst v0  }
0x21: {  	v54 =	vld [tilespmem:s11+$0x2E0];
	[tilespmem:s11+$0x790] =	vst v1  }
0x22: {  	v55 =	vld [tilespmem:s11+$0x2F0];
	[tilespmem:s11+$0x7A0] =	vst v2  }
0x23: {  	v56 =	vld [tilespmem:s11+$0x300];
	[tilespmem:s11+$0x7B0] =	vst v3  }
0x24: {  	v57 =	vld [tilespmem:s11+$0x310];
	[tilespmem:s11+$0x7C0] =	vst v4  }
0x25: {  	v58 =	vld [tilespmem:s11+$0x320];
	[tilespmem:s11+$0x7D0] =	vst v53  }
0x26: {  	v59 =	vld [tilespmem:s11+$0x330];
	[tilespmem:s11+$0x7E0] =	vst v54  }
0x27: {  	v60 =	vld [tilespmem:s11+$0x340];
	[tilespmem:s11+$0x7F0] =	vst v55  }
0x28: {  	v61 =	vld [tilespmem:s11+$0x350];
	[tilespmem:s11+$0x800] =	vst v56  }
0x29: {  	v62 =	vld [tilespmem:s11+$0x360];
	[tilespmem:s11+$0x810] =	vst v57  }
0x2a: {  	v63 =	vld [tilespmem:s11+$0x370];
	p2 =	por p1, p1;
	[tilespmem:s11+$0x820] =	vst v58  }
.Ltmp4:
0x2b: {  	[tilespmem:s11+$0x830] =	vst v59;
	(pc) =	sbr.rel @p2 .LBB2_5-.Ltmp4, $4  }
0x2c: {  	[tilespmem:s11+$0x840] =	vst v60  }
0x2d: {  	[tilespmem:s11+$0x850] =	vst v61  }
0x2e: {  	s12 =	simm.s32 $0x1F0;
	s13 =	simm.s32 $0x980;
	[tilespmem:s11+$0x860] =	vst v62  }
0x2f: {  	s14 =	simm.s32 $0x480;
	p1 =	por $0x0, $0x0;
	[tilespmem:s11+$0x870] =	vst v63;
	s11 =	simm.s32 $0x100  }
.LBB2_6:
0x30: {  	s12 =	sadd.s32 $0x10, s12  }
0x31: {  	v0 =	vld [tilespmem:s14+$0x0];
	p1 =	slt.u32 s12, $0x270  }
.Ltmp5:
0x32: {  	_ = 	snop;
	(pc) =	sbr.rel @p1 .LBB2_6-.Ltmp5, $2  }
0x33: {  	_ =	sdelay $0x2  }
0x34: {  	s14 =	sadd.s32 $0x10, s14;
	[tilespmem:s13+$0x0] =	vst v0;
	s13 =	sadd.s32 $0x10, s13  }
.Ltmp6:
0x35: {  	(pc) =	sbr.rel .LBB2_8-.Ltmp6, $4  }
0x36: {  	_ = 	snop  }
0x37: {  	s10 =	sshrl.u32 s10, $0x3  }
0x38: {  	s10 =	sadd.s32 s4, s10  }
0x39: {  	[hbm4b:s10+s6] =	stream.linear.scatter [tilespmem:s8], [sflag:$0x2], $0x280, $0x38;
	[tilespmem:$0xA00] =	vst v63  }
.LBB2_2:
.Ltmp7:
0x3a: {  	(pc) =	sbr.rel .LBB2_9-.Ltmp7, $2  }
0x3b: {  	_ =	sdelay $0x2  }
0x3c: {  	[tilespmem:s7], [sflag:$0x1] =	stream.linear.gather [hbm4b:s5+s6], $0x280, $0x38;
	[tilespmem:$0xA00] =	vst v63  }
.LBB2_10:
0x3d: {  	s2 =	simm.s32 $0x2  }
0x3e: {  	_ =	swait.ge [sflag:s2], $0x280  }
0x3f: {  	[sflag:s2] =	ssyncset.done $0x0  }
0x40: {  	[sflag:s2] =	ssyncadd.s32 $0xFFFFFD80  }
0x41: {  	_ =	sfence.sel $0x180000  }
0x42: {  	s3 =	simm.s32 $0x1;
	[bflag:$0x0] =	sbarrier.arrive $0xFFFF  }
0x43: {  	[sflag:s3] =	ssyncpa.u1 $0x1  }
0x44: {  	[sflag:s2] =	ssyncpa.u1 $0x1  }
0x45: {  	_ =	strace $0x9000004D  }
0x46: {  	s0 =	sadd.s32 @!p0 $0x100000, s0;
	[bflag:$0x2] =	sbarrier.arrive $0xFFFF  }
0x47: {  	[sflag:s0] =	ssyncadd.tile.s32 @!p0 $0x1;
	s0 =	simm.s32 @!p0 $0x3F  }
0x48: {  	_ =	swait.ge @!p0 [sflag:s0], s1  }
0x49: {  	s1 =	ssub.s32 @!p0 $0x0, s1;
	[sflag:s0] =	ssyncset.done @!p0 $0x0  }
0x4a: {  	[sflag:s0] =	ssyncadd.s32 @!p0 s1  }
0x4b: {  	[bflag:$0x3] =	sbarrier.arrive $0xFFFF  }
0x4c: {  	_ =	shalt  }
.Lfunc_end2:
execute1_lowered:
.L_overlay_start_2:
0x4d: {  	(tag) =	ssettag $0x2  }
0x4e: {  	s0 =	rddreg [dreg:$0x0];
	_ =	strace $0x80000050;
	s15 =	stileid.u32  }
0x4f: {  	s2 =	simm.s32 $0x1;
	s1 =	smin.u32 s15, $0x8;
	s3 =	sshll.u32 s15, $0x1  }
0x50: {  	v1 =	vimm.s32 $0xFFFFFFFF;
	[sflag:s2] =	ssyncpa.u1 $0x0;
	s1 =	sadd.s32 s1, s3  }
0x51: {  	p0 =	slt.u32 s15, $0x8;
	[tilespmem:$0x10] =	vst v1;
	s4 =	smul.u32 $0x1F40, s1;
	s1 =	simm.s32 $0x5DC0  }
0x52: {  	v0 =	vimm.f32 $0.0e+00;
	[tilespmem:$0x20] =	vst v1;
	s1 =	simm.s32 @!p0 $0x3E80  }
0x53: {  	[tilespmem:$0x30] =	vst v0;
	s1 =	sadd.s32 s1, s4  }
0x54: {  	[tilespmem:$0x40] =	vst v0;
	s5 =	smin.u32 s1, $0x4E200  }
0x55: {  	s7 =	simm.s32 $0x2;
	s8 =	simm.s32 $0x8;
	[tilespmem:$0x50] =	vst v0;
	s9 =	ssub.s32 s5, s4  }
0x56: {  	s31 =	simm.s32 $0x9;
	s16 =	simm.s32 $0x0;
	[tilespmem:$0x60] =	vst v1;
	p0 =	sgt.s32 s9, $0x0  }
0x57: {  	s17 =	simm.s32 $0xF0;
	s18 =	simm.s32 $0xFFFFFFFF;
	[tilespmem:$0x70] =	vst v1;
	s9 =	simm.s32 @!p0 $0x0  }
0x58: {  	s19 =	simm.s32 $0xFFFFC280;
	s20 =	simm.s32 $0xFFFFFFFE;
	[tilespmem:$0x80] =	vst v1;
	s30 =	smulhi.u32 $0x10624DD3, s9  }
0x59: {  	s21 =	simm.s32 $0xF;
	s25 =	simm.s32 $0x0;
	s24 =	simm.s32 $0x0;
	v1 =	vimm.s32 $0x0;
	[tilespmem:$0xB0] =	vst v0  }
0x5a: {  	s6 =	sadd.s32 $0x1000, s0;
	s15 =	sshllo.u32 s15, $0x1;
	[tilespmem:$0x90] =	vst v1;
	s10 =	sshrl.u32 s30, $0x9  }
0x5b: {  	[tilespmem:$0xA0] =	vst v1;
	[sflag:s7] =	ssyncpa.u1 $0x0;
	s7 =	simm.s32 $0x7;
	s11 =	smul.u32 $0x1F40, s10  }
.Ltmp8:
0x5c: {  	s13 =	sor.u32 $0x80, s3;
	[sflag:s7] =	ssyncpa.u1 $0x0;
	(pc) =	sbr.rel .LBB3_1-.Ltmp8, $4  }
0x5d: {  	s14 =	sor.u32 $0x81, s3;
	[sflag:s8] =	ssyncpa.u1 $0x0;
	p0 =	sne.s32 s9, s11  }
0x5e: {  	s23 =	smov.u32 s4;
	s1 =	sadd.s32 $0x3E200, s0;
	s2 =	simm.s32 @!p0 $0x0  }
0x5f: {  	vm0 =	vmmov $0xffff;
	v2 =	vlaneseq.u32;
	[sflag:s31] =	ssyncpa.u1 $0x0;
	s9 =	sadd.s32 $0x1FA00, s0;
	s10 =	sadd.s32 s2, s10  }
0x60: {  	vm1 =	vmxor vm1, vm1;
	vm2 =	vmmov $0x1;
	vm3 =	vcmask $0x3F3C;
	p0 =	por $0x0, $0x0;
	s11 =	sadd.s32 $0x1, s10;
	s12 =	sadd.s32 $0x2, s10  }
.LBB3_9:
0x61: {  	p1 =	slt.u32 s24, $0x3  }
0x62: {  	s0 =	simm.s32 @!p1 $0x2  }
0x63: {  	_ =	swait.ge @!p1 [sflag:s0], $0x1F40  }
0x64: {  	[sflag:s0] =	ssyncset.done @!p1 $0x0  }
0x65: {  	[sflag:s0] =	ssyncadd.s32 @!p1 $0xFFFFE0C0;
	s0 =	simm.s32 @!p1 $0x9  }
0x66: {  	_ =	swait.ge @!p1 [sflag:s0], $0x10  }
0x67: {  	[sflag:s0] =	ssyncset.done @!p1 $0x0  }
0x68: {  	[sflag:s0] =	ssyncadd.s32 @!p1 $0xFFFFFFF0;
	p1 =	sne.s32 s24, s12  }
.Ltmp9:
0x69: {  	s2 =	sadd.s32 $0x1F40, s23;
	(pc) =	sbr.rel @!p1 .LBB3_10-.Ltmp9, $4  }
0x6a: {  	s22 =	smov.u32 s4;
	s31 =	sadd.s32 $0x1, s24;
	s17 =	sadd.s32 $0x1F40, s17  }
0x6b: {  	s18 =	sadd.s32 $0x1, s18;
	s25 =	smov.u32 s23;
	p2 =	slt.s32 s2, s5  }
0x6c: {  	p0 =	por !p0, !p0;
	s19 =	sadd.s32 $0x1F40, s19;
	s22 =	smov.u32 @p2 s2  }
0x6d: {  	s20 =	sadd.s32 $0x1, s20;
	s23 =	smov.u32 s22;
	s24 =	smov.u32 s31  }
.LBB3_1:
0x6e: {  	p1 =	sge.u32 s24, s10  }
0x6f: {  	s0 =	smulhi.u32 @!p1 $0xAAAAAAAB, s24;
	_ =	sdelay $0x1  }
0x70: {  	s0 =	sshrl.u32 @!p1 s0, $0x1  }
0x71: {  	s0 =	smul.u32 @!p1 $0x3, s0;
	_ =	sdelay $0x1  }
0x72: {  	s0 =	ssub.s32 @!p1 s24, s0  }
0x73: {  	s0 =	smul.u32 @!p1 $0x7D00, s0;
	_ =	sdelay $0x1  }
0x74: {  	s2 =	sshrl.u32 @!p1 s23, $0x3;
	s0 =	sshrl.u32 @!p1 s0, $0x2  }
0x75: {  	s22 =	sand.u32 @!p1 $0x7, s23;
	s2 =	sadd.s32 @!p1 s6, s2;
	s0 =	sadd.s32 @!p1 $0x100, s0  }
0x76: {  	[tilespmem:s0], [sflag:$0x7] =	stream.linear.gather @!p1 [hbm4b:s2+s22], $0x1F40, $0x38;
	[tilespmem:$0x11A60] =	vst v63  }
0x77: {  	s0 =	sadd.s32 $0xFFFFFFFF, s24  }
0x78: {  	p1 =	sge.u32 s0, s10  }
.Ltmp10:
0x79: {  	_ = 	snop;
	(pc) =	sbr.rel @p1 .LBB3_5-.Ltmp10, $1  }
0x7a: {  	_ =	sdelay $0x3  }
0x7b: {  	s2 =	smulhi.u32 $0xAAAAAAAB, s0;
	_ =	sdelay $0x1  }
0x7c: {  	s2 =	sshrl.u32 s2, $0x1  }
0x7d: {  	s2 =	smul.u32 $0x3, s2;
	_ =	sdelay $0x1  }
0x7e: {  	s2 =	ssub.s32 s0, s2  }
0x7f: {  	s2 =	smul.u32 $0x7D00, s2  }
0x80: {  	_ =	swait.ge [sflag:s7], $0x1F40  }
0x81: {  	[sflag:s7] =	ssyncset.done $0x0;
	s2 =	sshrl.u32 s2, $0x2  }
0x82: {  	[sflag:s7] =	ssyncadd.s32 $0xFFFFE0C0;
	(ifvalue) =	ssetifvalue $0xFFFFFFFF;
	v3 =	vld.msk [tilespmem:s2+$0x100 ss:$0x1], $0xffff;
	_ =	sdelay $0x2  }
0x83: {  	s30 =	smulhi.u32 $0xAAAAAAAB, s18;
	p1 =	sne.s32 s24, $0x1  }
0x84: {  	v4 =	vimm.s32 @!p1 $0x0  }
0x85: {  	s2 =	sshrl.u32 s30, $0x1;
	v4 =	vperm.xlane @!p1 v3, v4  }
0x86: {  	s22 =	sshll.u32 s24, $0x4;
	s2 =	smul.u32 $0xFFFE8900, s2;
	vm4 =	vlt.u32 v3, $0x2800  }
0x87: {  	s22 =	sand.u32 $0x10, s22;
	v3 =	vnsel vm4, $0xFFFFFFFE, v3;
	vm4 =	vlt.u32 @!p1 v4, $0x2800  }
0x88: {  	s2 =	sshra.s32 s2, $0x2;
	[tilespmem:s22+$0x60] =	vst v3;
	v3 =	vnsel @!p1 vm4, $0xFFFFFFFE, v4  }
0x89: {  	s28 =	sadd.s32 s2, s17;
	[tilespmem:$0x80] =	vst @!p1 v3  }
0x8a: {  	v3 =	vld.msk [tilespmem:s28+$0x0 ss:$0x1], $0xffff;
	_ =	sdelay $0x4  }
0x8b: {  	(xrf1) =	vunique.msk.u32 $0xffff, v3;
	_ =	sdelay $0xd  }
0x8c: {  	v4 =	vimm.s32 $0xFFFFFFFF;
	v5, _, _ =	vpop (xrf1)  }
0x8d: {  	vm5 =	vne.s32 v3, v4;
	vm4 =	veq.s32 v5, v2  }
0x8e: {  	vm6 =	vlt.u32 v3, $0x2800;
	vm4 =	vmand vm5, vm4  }
0x8f: {  	vm4 =	vmand vm6, vm4  }
0x90: {  	v4 =	vnsel vm4, $0xFFFFFFFF, v3  }
0x91: {  	s31 =	sand.u32 $0x1, s0  }
0x92: {  	s0 =	simm.s32 $0x1F40;
	p1 =	seq.s32 s31, $0x1  }
0x93: {  	s0 =	simm.s32 @!p1 $0x0  }
0x94: {  	s26 =	sadd.s32 $0x7DF0, s0;
	(ifvalue) =	ssetifvalue $0xFFFFFFFF  }
0x95: {  	v3 =	vperm.xlane v3, v1;
	[tilespmem:s26], [sflag:$0x8] =	stream.indirect_vreg.gather [hbm4b:s1+s16], $0x1, v4, vm0, $0x4038;
	v4 =	vnsel vm6, $0xFFFFFFFE, v4;
	[tilespmem:$0x11A60] =	vst v63  }
0x96: {  	s2 =	simm.s32 $0x0;
	s22 =	sadd.s32 $0xFFFFFFF0, s28;
	[tilespmem:s28+$0x0] =	vst v4  }
.LBB3_3:
0x97: {  	v4 =	vld.msk [tilespmem:s22+$0x0 ss:$0x1], $0xffff;
	s2 =	sadd.s32 $0x10, s2;
	v5 =	vmov v3;
	s28 =	smov.u32 s22  }
0x98: {  	p1 =	slt.u32 s2, $0x1F30;
	_ =	sdelay $0x4  }
0x99: {  	v3 =	vperm.xlane v4, v1;
	(xrf1) =	vunique.msk.u32 $0xffff, v4;
	_ =	sdelay $0xd  }
0x9a: {  	v6, _, _ =	vpop (xrf1)  }
0x9b: {  	vm5 =	vne.s32 v4, v5;
	vm4 =	veq.s32 v6, v2  }
0x9c: {  	vm6 =	vlt.u32 v4, $0x2800;
	vm4 =	vmand vm5, vm4  }
0x9d: {  	vm4 =	vmand vm6, vm4  }
0x9e: {  	v4 =	vnsel vm4, $0xFFFFFFFF, v4  }
.Ltmp11:
0x9f: {  	v5 =	vnsel vm6, $0xFFFFFFFE, v4;
	(pc) =	sbr.rel @p1 .LBB3_3-.Ltmp11, $3  }
0xa0: {  	_ =	sdelay $0x1  }
0xa1: {  	s22 =	sadd.s32 $0xFFFFFFF0, s22;
	s26 =	sadd.s32 $0xFFFFFFF0, s26;
	(ifvalue) =	ssetifvalue $0xFFFFFFFF  }
0xa2: {  	[tilespmem:s26], [sflag:$0x8] =	stream.indirect_vreg.gather [hbm4b:s1+s16], $0x1, v4, vm0, $0x4038;
	[tilespmem:s28+$0x0] =	vst v5  }
0xa3: {  	s2 =	sshrl.u32 s25, $0x3  }
0xa4: {  	s0 =	sadd.s32 $0x9D40, s0;
	s2 =	sadd.s32 s9, s2  }
0xa5: {  	[tilespmem:s0], [sflag:$0x8] =	stream.linear.gather [hbm:s2], $0x1F40, $0x38;
	[tilespmem:$0x11A60] =	vst v63  }
.LBB3_5:
0xa6: {  	p1 =	slt.u32 s24, $0x2  }
0xa7: {  	p2 =	sge.u32 @!p1 s24, s12  }
0xa8: {  	p1 =	por p1, p2  }
.Ltmp12:
0xa9: {  	_ = 	snop;
	(pc) =	sbr.rel @p1 .LBB3_9-.Ltmp12, $1  }
0xaa: {  	_ =	sdelay $0x3  }
0xab: {  	s0 =	sadd.s32 $0xFFFFFFFE, s24  }
0xac: {  	s2 =	smulhi.u32 $0xAAAAAAAB, s0;
	_ =	sdelay $0x1  }
0xad: {  	s2 =	sshrl.u32 s2, $0x1  }
0xae: {  	s2 =	smul.u32 $0x3, s2;
	_ =	sdelay $0x1  }
0xaf: {  	s0 =	ssub.s32 s0, s2  }
0xb0: {  	_ =	swait.ge [sflag:s8], $0x3E80;
	s0 =	smul.u32 $0x1F40, s0  }
0xb1: {  	p1 =	sne.s32 s24, s11;
	[sflag:s8] =	ssyncset.done $0x0  }
0xb2: {  	[sflag:s8] =	ssyncadd.s32 $0xFFFFC180;
	s2 =	sadd.s32 @!p1 $0x203F, s0  }
0xb3: {  	[spmem:s14] =	stream.linear.scatter @!p1 [tilespmem:s2], [sflag:$0x1], $0x1, $0x38;
	[tilespmem:$0x11A60] =	vst v63  }
0xb4: {  	s2 =	simm.s32 @!p1 $0x1  }
0xb5: {  	_ =	swait.ge @!p1 [sflag:s2], $0x1  }
0xb6: {  	s22 =	sshll.u32 s24, $0x4;
	[sflag:s2] =	ssyncset.done @!p1 $0x0  }
0xb7: {  	s25 =	sand.u32 $0x10, s22;
	[sflag:s2] =	ssyncadd.s32 @!p1 $0xFFFFFFFF  }
0xb8: {  	s2 =	sxor.u32 $0x10, s25;
	v4 =	vld [tilespmem:s25+$0x10]  }
0xb9: {  	v5 =	vld [tilespmem:s2+$0x60]  }
0xba: {  	v3 =	vld [tilespmem:$0x80];
	_ =	sdelay $0x2  }
0xbb: {  	(v2sf) =	vpush v4, $0x0  }
0xbc: {  	(v2sf) =	vpush v5, $0x0  }
0xbd: {  	(v2sf) =	vpush v3, $0x0;
	_ =	sdelay $0xc  }
0xbe: {  	s22 =	spop (v2sf)  }
0xbf: {  	s26 =	spop (v2sf)  }
0xc0: {  	s28 =	spop (v2sf)  }
0xc1: {  	p2 =	seq.s32 s22, s26;
	p3 =	seq.s32 s28, s22  }
0xc2: {  	p3 =	por p2, p3  }
0xc3: {  	s26 =	sand.u32 $0x1, s24;
	v4 =	vpsel p3, $0xFFFFFFFF, v4  }
0xc4: {  	s29 =	smul.u32 $0x1F40, s26;
	[tilespmem:s25+$0x10] =	vst.msk $0x1, v4  }
0xc5: {  	v4 =	vld [tilespmem:$0x30]  }
0xc6: {  	v5 =	vld [tilespmem:s29+$0x9D40]  }
0xc7: {  	v6 =	vld [tilespmem:s25+$0x40];
	_ =	sdelay $0x3  }
0xc8: {  	vm4 =	vmmov vm1;
	v5 =	vadd.f32 v5, v4  }
0xc9: {  	vm5 =	vmmov vm2;
	vm4 =	vmmov @p2 vm2;
	s22 =	sshll.u32 s26, $0x4;
	v4 =	vadd.f32 v6, v4  }
0xca: {  	s26 =	sor.u32 $0x11A40, s22;
	vm5 =	vmmov @p3 vm1;
	[tilespmem:s29+$0x9D40] =	vst.msk vm4, v5  }
0xcb: {  	[tilespmem:s26+$0x0] =	vst.msk vm5, v4  }
0xcc: {  	v4 =	vld [tilespmem:s29+$0x7DF0];
	_ =	sdelay $0x3  }
0xcd: {  	v5 =	vimm.f32 $0.0e+00  }
0xce: {  	v4 =	vshift.insert v4, v5, s21  }
0xcf: {  	s22 =	sor.u32 $0x40, s2  }
0xd0: {  	[tilespmem:s22+$0x0] =	vst.msk $0x1, v4  }
0xd1: {  	[tilespmem:s29+$0x7DFF] =	vst.msk $0x1, v5  }
0xd2: {  	v4 =	vld [tilespmem:s0+$0x2030];
	_ =	sdelay $0x1  }
0xd3: {  	s22 =	smulhi.u32 $0xAAAAAAAB, s20;
	s0 =	simm.s32 $0x1  }
0xd4: {  	s0 =	simm.s32 @!p0 $0x0  }
0xd5: {  	s22 =	sshrl.u32 s22, $0x1;
	s0 =	smul.u32 $0x7D00, s0  }
0xd6: {  	s22 =	smul.u32 $0xFFFE8900, s22;
	v4 =	vshift.insert v4, v1, s21  }
0xd7: {  	s0 =	sshrl.u32 s0, $0x2  }
0xd8: {  	s22 =	sshra.s32 s22, $0x2;
	s30 =	sadd.s32 $0x9D40, s0;
	[tilespmem:s2+$0x10] =	vst.msk $0x1, v4  }
0xd9: {  	s22 =	sadd.s32 s22, s19;
	v6 =	vld [tilespmem:s30+$0x0]  }
0xda: {  	v7 =	vld [tilespmem:s22+$0x0];
	_ =	sdelay $0x3  }
0xdb: {  	v5 =	vadd.f32 v6, v5  }
0xdc: {  	vm4 =	vne.s32 v7, $0xFFFFFFFF  }
0xdd: {  	(xrf2) =	vadd.seg.scan.f32 vm4, v5;
	_ =	sdelay $0x3  }
0xde: {  	s31 =	sadd.s32 $0x5EC0, s0;
	v5 =	vperm.xlane v4, v1  }
0xdf: {  	v6 =	vld [tilespmem:s31+$0x0]  }
0xe0: {  	vm5 =	veq.s32 v7, v3;
	vm6 =	veq.s32 v7, v5  }
0xe1: {  	vm7 =	vgt.u32 v7, $0xFFFFFFFD;
	vm6 =	vmor vm6, vm5  }
0xe2: {  	vm6 =	vmor vm6, vm7  }
0xe3: {  	v9 =	vld [tilespmem:$0xA0];
	v7 =	vsel vm6, $0xFFFFFFFF, v7  }
0xe4: {  	v10 =	vld [tilespmem:$0x90];
	v6 =	vsel vm5, $0x0, v6;
	v8, _, _ =	vpop (xrf2)  }
0xe5: {  	v6 =	vadd.f32 v8, v6  }
0xe6: {  	s0 =	sadd.s32 $0xDBC0, s0  }
0xe7: {  	vm4 =	vmand vm4, vm3;
	[tilespmem:s0+$0x0] =	vst v6;
	(ifvalue) =	ssetifvalue $0xFFFFFFFF  }
0xe8: {  	vm6 =	veq.s32 v9, $0x1;
	[hbm4b:s1+s16] =	stream.indirect_vreg.scatter [tilespmem:s0], [sflag:$0x2], $0x1, v7, vm0, $0x4038;
	v7 =	vsel vm4, $0x0, v8;
	[tilespmem:$0x11A60] =	vst v63  }
0xe9: {  	s2 =	simm.s32 $0x0;
	s22 =	sadd.s32 $0x10, s22;
	vm4 =	vmor vm6, vm5;
	v6 =	vsel vm5, v8, v10;
	v7 =	vshift.insert v7, v0, s21  }
.LBB3_7:
0xea: {  	v8 =	vld [tilespmem:s22+$0x0];
	s30 =	sadd.s32 $0x10, s30  }
0xeb: {  	s31 =	sadd.s32 $0x10, s31;
	v9 =	vld [tilespmem:s30+$0x0]  }
0xec: {  	s2 =	sadd.s32 $0x10, s2;
	v10 =	vld [tilespmem:s31+$0x0]  }
0xed: {  	p2 =	slt.u32 s2, $0x1F30;
	_ =	sdelay $0x2  }
0xee: {  	v7 =	vadd.f32 v9, v7  }
0xef: {  	vm5 =	vne.s32 v8, $0xFFFFFFFF  }
0xf0: {  	vm6 =	vmand vm5, vm3;
	(xrf2) =	vadd.seg.scan.f32 vm5, v7;
	_ =	sdelay $0x5  }
0xf1: {  	vm7 =	veq.s32 v8, v5;
	vm5 =	veq.s32 v8, v3  }
0xf2: {  	vm8 =	vgt.u32 v8, $0xFFFFFFFD;
	vm4 =	vmor vm4, vm5;
	vm7 =	vmor vm7, vm5  }
0xf3: {  	vm7 =	vmor vm7, vm8  }
0xf4: {  	v8 =	vsel vm7, $0xFFFFFFFF, v8  }
.Ltmp13:
0xf5: {  	v7 =	vsel vm5, $0x0, v10;
	v9, _, _ =	vpop (xrf2);
	(pc) =	sbr.rel @p2 .LBB3_7-.Ltmp13, $4  }
0xf6: {  	v6 =	vsel vm5, v9, v6;
	v10 =	vadd.f32 v9, v7;
	v7 =	vsel vm6, $0x0, v9  }
0xf7: {  	s0 =	sadd.s32 $0x10, s0;
	v7 =	vshift.insert v7, v0, s21  }
0xf8: {  	s22 =	sadd.s32 $0x10, s22;
	[tilespmem:s0+$0x0] =	vst v10;
	(ifvalue) =	ssetifvalue $0xFFFFFFFF  }
0xf9: {  	[hbm4b:s1+s16] =	stream.indirect_vreg.scatter [tilespmem:s0], [sflag:$0x2], $0x1, v8, vm0, $0x4038;
	[tilespmem:$0x11A60] =	vst v63  }
0xfa: {  	v3 =	vld [tilespmem:s29+$0xFAF0];
	_ =	sdelay $0x4  }
0xfb: {  	v3 =	vshift.insert v3, v0, s21  }
0xfc: {  	s0 =	simm.s32 $0x30  }
0xfd: {  	[tilespmem:s0+$0x0] =	vst.msk $0x1, v3  }
0xfe: {  	v3 =	vsel vm4, $0x1, v1;
	[tilespmem:$0x90] =	vst v6  }
0xff: {  	s0 =	sadd.s32 @!p1 $0xFAFF, s29;
	[tilespmem:$0xA0] =	vst v3  }
0x100: {  	[spmem:s15] =	stream.linear.scatter @!p1 [tilespmem:s0], [sflag:$0x1], $0x1, $0x38;
	[tilespmem:$0x11A60] =	vst v63  }
0x101: {  	s0 =	simm.s32 @!p1 $0x1  }
0x102: {  	v3 =	vmctz.xlane @!p1 vm4;
	_ =	swait.ge @!p1 [sflag:s0], $0x1  }
0x103: {  	(v2sf) =	vpush @!p1 v4, $0x0  }
0x104: {  	(v2sf) =	vpush @!p1 v3, $0x0;
	_ =	sdelay $0xd  }
0x105: {  	s2 =	spop @!p1 (v2sf)  }
0x106: {  	s22 =	spop @!p1 (v2sf)  }
0x107: {  	p2 =	sne.s32 @!p1 s28, s2;
	p3 =	slt.s32 @!p1 s22, $0xF  }
0x108: {  	[sflag:s0] =	ssyncset.done @!p1 $0x0;
	p2 =	por p2, p1;
	p3 =	por !p3, p1  }
0x109: {  	[sflag:s0] =	ssyncadd.s32 @!p1 $0xFFFFFFFF;
	v3 =	vimm.s32 @!p2 $0xFFFFFFFF;
	s22 =	simm.s32 @p3 $0xF  }
0x10a: {  	[tilespmem:$0x80] =	vst @!p2 v3;
	s2 =	sadd.s32 @!p1 $0x90, s22  }
0x10b: {  	[spmem:s3] =	stream.linear.scatter @!p1 [tilespmem:s2], [sflag:$0x1], $0x1, $0x38;
	[tilespmem:$0x11A60] =	vst v63  }
0x10c: {  	_ =	swait.ge @!p1 [sflag:s0], $0x1  }
0x10d: {  	[sflag:s0] =	ssyncset.done @!p1 $0x0  }
0x10e: {  	s2 =	simm.s32 @!p1 $0x80;
	[sflag:s0] =	ssyncadd.s32 @!p1 $0xFFFFFFFF  }
0x10f: {  	[spmem:s13] =	stream.linear.scatter @!p1 [tilespmem:s2], [sflag:$0x1], $0x1, $0x38;
	[tilespmem:$0x11A60] =	vst v63  }
0x110: {  	_ =	swait.ge @!p1 [sflag:s0], $0x1  }
0x111: {  	[sflag:s0] =	ssyncset.done @!p1 $0x0  }
0x112: {  	[sflag:s0] =	ssyncadd.s32 @!p1 $0xFFFFFFFF;
	(ifvalue) =	ssetifvalue $0xFFFFFFFF;
	v3 =	vld [tilespmem:s25+$0x10];
	_ =	sdelay $0x3  }
.Ltmp14:
0x113: {  	_ = 	snop;
	(pc) =	sbr.rel .LBB3_9-.Ltmp14, $3  }
0x114: {  	_ =	sdelay $0x1  }
0x115: {  	(ifvalue) =	ssetifvalue $0xFFFFFFFF  }
0x116: {  	[hbm4b:s1+s16] =	stream.indirect_vreg.scatter [tilespmem:s26], [sflag:$0x9], $0x1, v3, vm0, $0x4038;
	[tilespmem:$0x11A60] =	vst v63  }
.LBB3_10:
0x117: {  	_ =	sfence.sel $0x180000  }
0x118: {  	s0 =	simm.s32 $0x7;
	[bflag:$0x0] =	sbarrier.arrive $0xFFFF  }
0x119: {  	s26 =	simm.s32 $0x8;
	[sflag:s0] =	ssyncpa.u1 $0x1  }
0x11a: {  	s28 =	simm.s32 $0x9;
	[sflag:s26] =	ssyncpa.u1 $0x1  }
0x11b: {  	[sflag:s28] =	ssyncpa.u1 $0x1  }
0x11c: {  	_ =	sfence.stream.spmem  }
0x11d: {  	s29 =	simm.s32 $0x3;
	[bflag:$0x0] =	sbarrier.arrive $0xFFFF  }
0x11e: {  	s30 =	simm.s32 $0x4;
	[sflag:s29] =	ssyncpa.u1 $0x1  }
0x11f: {  	s31 =	simm.s32 $0x3C;
	s2 =	stileid.u32;
	[sflag:s30] =	ssyncpa.u1 $0x1  }
0x120: {  	p0 =	sne.s32 s2, $0x0;
	[sflag:s31] =	ssyncpa.u1 $0x1  }
0x121: {  	s0 =	simm.s32 @p0 $0x1;
	_ =	sfence @p0  }
0x122: {  	[sflag:s0] =	ssyncpa.u1 @p0 $0x1;
	s0 =	simm.s32 @p0 $0x2  }
0x123: {  	[sflag:s0] =	ssyncpa.u1 @p0 $0x1  }
0x124: {  	_ =	strace @p0 $0x90000050  }
0x125: {  	[bflag:$0x2] =	sbarrier.arrive @p0 $0xFFFF  }
0x126: {  	_ =	shalt @p0  }
.LBB3_11:
0x127: {  	_ =	sfence.stream.spmem;
	s0 =	simm.s32 $0x5  }
0x128: {  	s2 =	simm.s32 $0x80;
	s3 =	simm.s32 $0xC0;
	[sflag:s0] =	ssyncpa.u1 $0x0  }
0x129: {  	[tilespmem:s3], [sflag:$0x5] =	stream.linear.gather [spmem:s2], $0x20, $0x38;
	[tilespmem:$0x11A60] =	vst v63  }
0x12a: {  	s2 =	simm.s32 $0x0;
	s3 =	simm.s32 $0xE0  }
0x12b: {  	[tilespmem:s3], [sflag:$0x5] =	stream.linear.gather [spmem:s2], $0x20, $0x38;
	[tilespmem:$0x11A60] =	vst v63  }
.Ltmp15:
0x12c: {  	_ = 	snop;
	(pc) =	sbr.rel .LBB3_12-.Ltmp15, $4  }
0x12d: {  	_ =	swait.ge [sflag:s0], $0x40  }
0x12e: {  	[sflag:s0] =	ssyncset.done $0x0  }
0x12f: {  	s31 =	simm.s32 $0x6;
	[sflag:s0] =	ssyncadd.s32 $0xFFFFFFC0  }
0x130: {  	s4 =	simm.s32 $0x0;
	[sflag:s31] =	ssyncpa.u1 $0x0  }
.LBB3_17:
0x131: {  	p0 =	sgt.u32 s5, $0x27FF  }
0x132: {  	s0 =	sshrl.u32 @!p0 s5, $0x3  }
0x133: {  	s5 =	sand.u32 @!p0 $0x7, s5;
	s6 =	simm.s32 @!p0 $0xB0;
	s0 =	sadd.s32 @!p0 s1, s0  }
0x134: {  	[tilespmem:s6], [sflag:$0x6] =	stream.linear.gather @!p0 [hbm4b:s0+s5], $0x1, $0x38;
	[tilespmem:$0x11A60] =	vst v63  }
0x135: {  	s0 =	simm.s32 @!p0 $0x6  }
0x136: {  	_ =	swait.ge @!p0 [sflag:s0], $0x1  }
0x137: {  	[sflag:s0] =	ssyncset.done @!p0 $0x0  }
0x138: {  	[sflag:s0] =	ssyncadd.s32 @!p0 $0xFFFFFFFF  }
0x139: {  	v2 =	vmov @!p0 s4;
	v1 =	vld.msk @!p0 [tilespmem:$0xB0], $0x1;
	_ =	sdelay $0x3  }
0x13a: {  	s0 =	simm.s32 @!p0 $0xE0  }
0x13b: {  	[tilespmem:v2+s0+$0x0], v1 =	vst.idx.ret.add.f32.msk @!p0 $0x1, v1  }
0x13c: {  	[tilespmem:s2+$0xC0] =	vst.msk $0x1, v0  }
0x13d: {  	v0 =	vld.msk [tilespmem:s4+$0xE0], $0x1;
	_ =	sdelay $0x4  }
0x13e: {  	[tilespmem:s2+$0xE0] =	vst.msk $0x1, v0;
	s2 =	sadd.s32 $0x1, s2  }
.LBB3_19:
0x13f: {  	s4 =	sadd.s32 $0x1, s4  }
0x140: {  	p0 =	sne.s32 s4, $0x20  }
.Ltmp16:
0x141: {  	_ = 	snop;
	(pc) =	sbr.rel @!p0 .LBB3_20-.Ltmp16, $1  }
0x142: {  	_ =	sdelay $0x3  }
.LBB3_12:
0x143: {  	v0 =	vld.msk [tilespmem:s4+$0xC0], $0x1;
	_ =	sdelay $0x4  }
0x144: {  	(v2sf) =	vpush v0, $0x0;
	_ =	sdelay $0xe  }
0x145: {  	s5 =	spop (v2sf)  }
0x146: {  	p0 =	seq.s32 s5, $0xFFFFFFFF  }
.Ltmp17:
0x147: {  	_ = 	snop;
	(pc) =	sbr.rel @p0 .LBB3_19-.Ltmp17, $1  }
0x148: {  	_ =	sdelay $0x3  }
0x149: {  	p0 =	slt.s32 s2, $0x1  }
.Ltmp18:
0x14a: {  	_ = 	snop;
	(pc) =	sbr.rel @p0 .LBB3_17-.Ltmp18, $1  }
0x14b: {  	_ =	sdelay $0x3  }
0x14c: {  	s0 =	simm.s32 $0xC0;
	p0 =	por $0x0, $0x0  }
0x14d: {  	v1 =	vld.msk @!p0 [tilespmem:s0+$0x0], $0x1;
	_ =	sdelay $0x4  }
0x14e: {  	(v2sf) =	vpush @!p0 v1, $0x0;
	_ =	sdelay $0xd  }
0x14f: {  	p2 =	sne.s32 s2, $0x1  }
.Ltmp19:
0x150: {  	s6 =	spop @!p0 (v2sf);
	(pc) =	sbr.rel @!p2 .LBB3_16-.Ltmp19, $4  }
0x151: {  	p1 =	seq.s32 @!p0 s5, s6  }
0x152: {  	s6 =	simm.s32 $0x0;
	p1 =	por !p1, p0  }
0x153: {  	s8 =	simm.s32 $0xFFFFFFFF;
	s6 =	simm.s32 @p1 $0xFFFFFFFF  }
0x154: {  	s7 =	simm.s32 $0x1;
	s6 =	smov.u32 @p0 s8  }
.LBB3_15:
0x155: {  	s8 =	smov.u32 s6;
	p0 =	sne.s32 s6, $0xFFFFFFFF  }
0x156: {  	s0 =	sadd.s32 $0x1, s0;
	s6 =	smov.u32 s7;
	s7 =	sadd.s32 $0x1, s7  }
0x157: {  	p1 =	sne.s32 s2, s7;
	v1 =	vld.msk @!p0 [tilespmem:s0+$0x0], $0x1;
	_ =	sdelay $0x4  }
0x158: {  	(v2sf) =	vpush @!p0 v1, $0x0;
	_ =	sdelay $0xe  }
.Ltmp20:
0x159: {  	s9 =	spop @!p0 (v2sf);
	(pc) =	sbr.rel @p1 .LBB3_15-.Ltmp20, $4  }
0x15a: {  	p2 =	seq.s32 @!p0 s5, s9  }
0x15b: {  	p2 =	por !p2, p0  }
0x15c: {  	s6 =	simm.s32 @p2 $0xFFFFFFFF  }
0x15d: {  	s6 =	smov.u32 @p0 s8  }
.LBB3_16:
0x15e: {  	p0 =	sne.s32 s6, $0xFFFFFFFF  }
.Ltmp21:
0x15f: {  	_ = 	snop;
	(pc) =	sbr.rel @!p0 .LBB3_17-.Ltmp21, $1  }
0x160: {  	_ =	sdelay $0x3  }
0x161: {  	v0 =	vld.msk [tilespmem:s4+$0xE0], $0x1;
	v1 =	vmov s6  }
.Ltmp22:
0x162: {  	_ = 	snop;
	(pc) =	sbr.rel .LBB3_19-.Ltmp22, $2  }
0x163: {  	_ =	sdelay $0x2  }
0x164: {  	[tilespmem:v1+s3+$0x0], v0 =	vst.idx.ret.add.f32.msk $0x1, v0  }
.LBB3_20:
0x165: {  	p0 =	slt.s32 s2, $0x1  }
.Ltmp23:
0x166: {  	_ = 	snop;
	(pc) =	sbr.rel @p0 .LBB3_24-.Ltmp23, $3  }
0x167: {  	_ =	sdelay $0x1  }
0x168: {  	s0 =	simm.s32 $0x6  }
0x169: {  	s3 =	simm.s32 $0x0;
	[sflag:s0] =	ssyncpa.u1 $0x1  }
0x16a: {  	s0 =	simm.s32 $0xC0  }
0x16b: {  	v0 =	vld.msk [tilespmem:s0+$0x0], $0x1;
	_ =	sdelay $0x4  }
0x16c: {  	(v2sf) =	vpush v0, $0x0;
	_ =	sdelay $0xe  }
0x16d: {  	s2 =	sadd.s32 $0xFFFFFFFF, s2;
	s4 =	spop (v2sf)  }
0x16e: {  	p1 =	sne.s32 s2, $0x0;
	p0 =	sgt.u32 s4, $0x27FF  }
.Ltmp24:
0x16f: {  	s5 =	sshrl.u32 @!p0 s4, $0x3;
	(pc) =	sbr.rel @!p1 .LBB3_23-.Ltmp24, $4  }
0x170: {  	s0 =	simm.s32 $0xE0;
	s4 =	sand.u32 @!p0 $0x7, s4;
	s5 =	sadd.s32 @!p0 s1, s5  }
0x171: {  	[hbm4b:s5+s4] =	stream.linear.scatter @!p0 [tilespmem:s0], [sflag:$0x5], $0x1, $0x38;
	[tilespmem:$0x11A60] =	vst v63  }
0x172: {  	s5 =	simm.s32 $0x0  }
0x173: {  	s4 =	simm.s32 $0xC1;
	s5 =	simm.s32 @!p0 $0x4  }
.LBB3_22:
0x174: {  	v0 =	vld.msk [tilespmem:s4+$0x0], $0x1;
	s2 =	sadd.s32 $0xFFFFFFFF, s2;
	s3 =	sadd.s32 s3, s5  }
0x175: {  	p0 =	sne.s32 s2, $0x0;
	_ =	sdelay $0x3  }
0x176: {  	(v2sf) =	vpush v0, $0x0;
	_ =	sdelay $0xe  }
.Ltmp25:
0x177: {  	s6 =	spop (v2sf);
	(pc) =	sbr.rel @p0 .LBB3_22-.Ltmp25, $4  }
0x178: {  	s5 =	simm.s32 $0x0;
	p1 =	sgt.u32 s6, $0x27FF  }
0x179: {  	s0 =	sadd.s32 $0x1, s0;
	s5 =	simm.s32 @!p1 $0x4;
	s7 =	sshrl.u32 @!p1 s6, $0x3  }
0x17a: {  	s4 =	sadd.s32 $0x1, s4;
	s6 =	sand.u32 @!p1 $0x7, s6;
	s7 =	sadd.s32 @!p1 s1, s7  }
0x17b: {  	[hbm4b:s7+s6] =	stream.linear.scatter @!p1 [tilespmem:s0], [sflag:$0x5], $0x1, $0x38;
	[tilespmem:$0x11A60] =	vst v63  }
.LBB3_23:
0x17c: {  	s0 =	sadd.s32 s3, s5  }
0x17d: {  	s3 =	sshrl.u32 s0, $0x2  }
.LBB3_24:
0x17e: {  	s0 =	simm.s32 $0x5  }
0x17f: {  	_ =	swait.ge [sflag:s0], s3  }
0x180: {  	s1 =	ssub.s32 $0x0, s3;
	[sflag:s0] =	ssyncset.done $0x0  }
0x181: {  	[sflag:s0] =	ssyncadd.s32 s1  }
0x182: {  	[sflag:s0] =	ssyncpa.u1 $0x1  }
0x183: {  	s29 =	simm.s32 $0x1;
	_ =	sfence  }
0x184: {  	s30 =	simm.s32 $0x2;
	[sflag:s29] =	ssyncpa.u1 $0x1  }
0x185: {  	[sflag:s30] =	ssyncpa.u1 $0x1  }
0x186: {  	_ =	strace $0x90000050  }
0x187: {  	[bflag:$0x2] =	sbarrier.arrive $0xFFFF  }
0x188: {  	s31 =	rddreg [dreg:$0x1]  }
0x189: {  	s0 =	sadd.s32 $0x100000, s31  }
0x18a: {  	[sflag:s0] =	ssyncadd.tile.s32 $0x1;
	_ =	shalt  }
.Lfunc_end3:
_tile_overlayer_lowered:
.L_overlay_start_3:
0x18b: {  	(tag) =	ssettag $0x3  }
0x18c: {  	s0 =	rddreg [dreg:$0x0];
	s2 =	stileid.u32  }
0x18d: {  	s1 =	rddreg [dreg:$0x1];
	p0 =	sne.s32 s2, $0x0  }
0x18e: {  	s3 =	rddreg [dreg:$0x2];
	[bflag:$0x3] =	sbarrier.arrive $0xFFFF;
	s2 =	simm.s32 @!p0 $0x1C01  }
0x18f: {  	[timem:s3], [sflag:s2] =	dma.local @!p0 [hbm:s0], s1  }
0x190: {  	s0 =	simm.s32 @!p0 $0x1  }
0x191: {  	_ =	swait.ge @!p0 [sflag:s0], s1  }
0x192: {  	s1 =	ssub.s32 @!p0 $0x0, s1;
	[sflag:s0] =	ssyncset.done @!p0 $0x0  }
0x193: {  	[sflag:s0] =	ssyncadd.s32 @!p0 s1  }
0x194: {  	[bflag:$0x3] =	sbarrier.arrive $0xFFFF  }
0x195: {  	_ =	shalt  }

</sc_bundles>
